<compile_context>
chip_gen: v7x
topology: tpu7x:2x2x1
jax: 0.10.2.dev20260603
libtpu: 0.0.44.dev20260713+nightly
codegen_flags: <defaults>
</compile_context>

<pallas_src>
import functools

import jax
import jax.numpy as jnp
from jax import lax
from jax.experimental import pallas as pl
from jax.experimental.pallas import tpu as pltpu
from jax.experimental.pallas import tpu_sc as plsc

N = 10000
E = 320000
D_IN = 128
DH = 64
NCLS = 7

NC = 2
NS = 16
NW = NC * NS
CB = 125
CW = 80
TR = N // NS
NPD = 10240
TRD = NPD // NS
BLK = 2000
GRID = N // BLK

_params = pltpu.CompilerParams(use_tc_tiling_on_sc=False)


@functools.cache
def _get_sc_degree():
    mesh = plsc.VectorSubcoreMesh(core_axis_name="c", subcore_axis_name="s",
                                  num_cores=NC, num_subcores=NS)
    return pl.kernel(
        _sc_degree_body,
        out_type=jax.ShapeDtypeStruct((NC * NPD,), jnp.float32),
        mesh=mesh,
        compiler_params=_params,
        scratch_types=[
            pltpu.VMEM((CW, CB), jnp.int32),
            pltpu.VMEM((TRD,), jnp.float32),
            pltpu.VMEM((128,), jnp.float32),
            pltpu.VMEM_SHARED((NPD,), jnp.float32),
        ],
    )


def _sc_degree_body(dst_hbm, out_hbm, didx, zbuf, ones, deg_sh):
    c = lax.axis_index("c")
    s = lax.axis_index("s")
    wid = c * NS + s
    base = s * TRD

    def fill_z(i, _):
        zbuf[pl.ds(i * 16, 16)] = jnp.zeros((16,), jnp.float32)
        return 0

    lax.fori_loop(0, TRD // 16, fill_z, 0)

    def fill_o(i, _):
        ones[pl.ds(i * 16, 16)] = jnp.ones((16,), jnp.float32)
        return 0

    lax.fori_loop(0, 8, fill_o, 0)

    pltpu.sync_copy(dst_hbm.at[wid], didx)
    pltpu.sync_copy(zbuf, deg_sh.at[pl.ds(base, TRD)])
    plsc.subcore_barrier()

    def body(j, _):
        pltpu.sync_copy(ones.at[pl.ds(0, CB)], deg_sh.at[didx.at[j]], add=True)
        return 0

    lax.fori_loop(0, CW, body, 0)
    plsc.subcore_barrier()
    pltpu.sync_copy(deg_sh.at[pl.ds(base, TRD)],
                    out_hbm.at[pl.ds(c * NPD + base, TRD)])


@functools.cache
def _get_sc_aggregate():
    mesh = plsc.VectorSubcoreMesh(core_axis_name="c", subcore_axis_name="s",
                                  num_cores=NC, num_subcores=NS)
    return pl.kernel(
        _sc_aggregate_body,
        out_type=jax.ShapeDtypeStruct((NC * N, DH), jnp.float32),
        mesh=mesh,
        compiler_params=_params,
        scratch_types=[
            pltpu.VMEM((CW, CB), jnp.int32),
            pltpu.VMEM((CW, CB), jnp.int32),
            pltpu.VMEM((CB, DH), jnp.float32),
            pltpu.VMEM((CB, DH), jnp.float32),
            pltpu.VMEM((CB, DH), jnp.float32),
            pltpu.VMEM((CB, DH), jnp.float32),
            pltpu.VMEM((CB, DH), jnp.float32),
            pltpu.VMEM((CB, DH), jnp.float32),
            pltpu.VMEM((CB, DH), jnp.float32),
            pltpu.VMEM((CB, DH), jnp.float32),
            pltpu.VMEM_SHARED((NPD, DH), jnp.float32),
            pltpu.SemaphoreType.DMA,
            pltpu.SemaphoreType.DMA,
            pltpu.SemaphoreType.DMA,
            pltpu.SemaphoreType.DMA,
            pltpu.SemaphoreType.DMA,
            pltpu.SemaphoreType.DMA,
            pltpu.SemaphoreType.DMA,
            pltpu.SemaphoreType.DMA,
            pltpu.SemaphoreType.DMA,
            pltpu.SemaphoreType.DMA,
            pltpu.SemaphoreType.DMA,
            pltpu.SemaphoreType.DMA,
            pltpu.SemaphoreType.DMA,
            pltpu.SemaphoreType.DMA,
            pltpu.SemaphoreType.DMA,
            pltpu.SemaphoreType.DMA,
        ],
    )


_NBUF = 8


def _sc_aggregate_body(hs_hbm, src_hbm, dst_hbm, out_hbm,
                       sidx, didx, b0, b1, b2, b3, b4, b5, b6, b7, acc_sh,
                       g0, g1, g2, g3, g4, g5, g6, g7,
                       s0, s1, s2, s3, s4, s5, s6, s7):
    c = lax.axis_index("c")
    s = lax.axis_index("s")
    wid = c * NS + s
    base = s * TR
    bufs = (b0, b1, b2, b3, b4, b5, b6, b7)
    gsems = (g0, g1, g2, g3, g4, g5, g6, g7)
    ssems = (s0, s1, s2, s3, s4, s5, s6, s7)

    def fill_z(i, _):
        b0[i // 4, pl.ds((i % 4) * 16, 16)] = jnp.zeros((16,), jnp.float32)
        return 0

    lax.fori_loop(0, CB * DH // 16, fill_z, 0)
    for t in range(TR // CB):
        pltpu.sync_copy(b0, acc_sh.at[pl.ds(base + t * CB, CB)])

    pltpu.sync_copy(src_hbm.at[wid], sidx)
    pltpu.sync_copy(dst_hbm.at[wid], didx)
    plsc.subcore_barrier()

    for k in range(_NBUF):
        pltpu.async_copy(hs_hbm.at[sidx.at[k]], bufs[k], gsems[k])

    def body(jj, _):
        jb = jj * _NBUF
        for k in range(_NBUF):
            j = jb + k
            pltpu.make_async_copy(hs_hbm.at[sidx.at[j]], bufs[k],
                                  gsems[k]).wait()
            pltpu.async_copy(bufs[k], acc_sh.at[didx.at[j]], ssems[k],
                             add=True)

        @pl.when(jj < CW // _NBUF - 1)
        def _():
            for k in range(_NBUF):
                j = jb + k
                pltpu.make_async_copy(bufs[k], acc_sh.at[didx.at[j]],
                                      ssems[k]).wait()
                pltpu.async_copy(hs_hbm.at[sidx.at[j + _NBUF]], bufs[k],
                                 gsems[k])

        return 0

    lax.fori_loop(0, CW // _NBUF, body, 0)
    for k in range(_NBUF):
        pltpu.make_async_copy(bufs[k], acc_sh.at[didx.at[CW - _NBUF + k]],
                              ssems[k]).wait()
    plsc.subcore_barrier()
    pltpu.sync_copy(acc_sh.at[pl.ds(base, TR)],
                    out_hbm.at[pl.ds(c * N + base, TR)])


def _tc1_body(x_ref, degc_ref, w1_ref, hs_ref):
    dis = lax.rsqrt(degc_ref[:, 0:1] + degc_ref[:, 1:2] + 1.0)
    h = jnp.dot(x_ref[...], w1_ref[...],
                preferred_element_type=jnp.float32)
    hs_ref[...] = h * dis


def _tc2_body(pa_ref, pb_ref, hs_ref, degc_ref, b1_ref, w2_ref, hs2_ref):
    dis = lax.rsqrt(degc_ref[:, 0:1] + degc_ref[:, 1:2] + 1.0)
    agg = (pa_ref[...] + pb_ref[...] + hs_ref[...]) * dis
    y = jnp.maximum(agg + b1_ref[...], 0.0)
    hs2_ref[...] = jnp.dot(y, w2_ref[...],
                           preferred_element_type=jnp.float32) * dis


def _tc3_body(pa_ref, pb_ref, hs_ref, degc_ref, b2_ref,
              wf1_ref, bf1_ref, wf2_ref, bf2_ref, wf3_ref, bf3_ref, out_ref):
    dis = lax.rsqrt(degc_ref[:, 0:1] + degc_ref[:, 1:2] + 1.0)
    agg = (pa_ref[...] + pb_ref[...] + hs_ref[...]) * dis
    y = jnp.maximum(agg + b2_ref[...], 0.0)
    z = jnp.maximum(jnp.dot(y, wf1_ref[...],
                            preferred_element_type=jnp.float32) + bf1_ref[...], 0.0)
    z = jnp.maximum(jnp.dot(z, wf2_ref[...],
                            preferred_element_type=jnp.float32) + bf2_ref[...], 0.0)
    logits = jnp.dot(z, wf3_ref[...],
                     preferred_element_type=jnp.float32) + bf3_ref[...]
    mask = lax.broadcasted_iota(jnp.int32, (BLK, 128), 1) < NCLS
    neg = jnp.float32(-1e30)
    m = jnp.max(jnp.where(mask, logits, neg), axis=1, keepdims=True)
    ex = jnp.where(mask, jnp.exp(logits - m), 0.0)
    lse = jnp.log(jnp.sum(ex, axis=1, keepdims=True))
    out_ref[...] = logits - m - lse


def _row_spec(d):
    return pl.BlockSpec((BLK, d), lambda i: (i, 0))


def _part_spec(core):
    off = core * (N // BLK)
    return pl.BlockSpec((BLK, DH), lambda i: (off + i, 0))


def _full_spec(r, d):
    return pl.BlockSpec((r, d), lambda i: (0, 0))


def kernel(x, edge_index, W1, b1, W2, b2, Wf1, bf1, Wf2, bf2, Wf3, bf3):
    src_p = edge_index[0].reshape(NW, CW, CB)
    dst_p = edge_index[1].reshape(NW, CW, CB)

    deg_flat = _get_sc_degree()(dst_p)
    degc = deg_flat.reshape(NC, NPD).T

    hs1 = pl.pallas_call(
        _tc1_body,
        grid=(GRID,),
        in_specs=[_row_spec(D_IN), _row_spec(NC), _full_spec(D_IN, DH)],
        out_specs=_row_spec(DH),
        out_shape=jax.ShapeDtypeStruct((N, DH), jnp.float32),
    )(x, degc, W1)

    part1 = _get_sc_aggregate()(hs1, src_p, dst_p)

    b1r = b1.reshape(1, DH)
    hs2 = pl.pallas_call(
        _tc2_body,
        grid=(GRID,),
        in_specs=[_part_spec(0), _part_spec(1), _row_spec(DH), _row_spec(NC),
                  _full_spec(1, DH), _full_spec(DH, DH)],
        out_specs=_row_spec(DH),
        out_shape=jax.ShapeDtypeStruct((N, DH), jnp.float32),
    )(part1, part1, hs1, degc, b1r, W2)

    part2 = _get_sc_aggregate()(hs2, src_p, dst_p)

    wf3p = jnp.pad(Wf3, ((0, 0), (0, 128 - NCLS)))
    bf3p = jnp.pad(bf3, (0, 128 - NCLS)).reshape(1, 128)
    out = pl.pallas_call(
        _tc3_body,
        grid=(GRID,),
        in_specs=[_part_spec(0), _part_spec(1), _row_spec(DH), _row_spec(NC),
                  _full_spec(1, DH), _full_spec(DH, DH), _full_spec(1, DH),
                  _full_spec(DH, DH), _full_spec(1, DH),
                  _full_spec(DH, 128), _full_spec(1, 128)],
        out_specs=_row_spec(128),
        out_shape=jax.ShapeDtypeStruct((N, 128), jnp.float32),
    )(part2, part2, hs2, degc, b2.reshape(1, DH), Wf1, bf1.reshape(1, DH),
      Wf2, bf2.reshape(1, DH), wf3p, bf3p)

    return out[:, :NCLS]

# --- scband reference (transcript-rebuilt; emitter-appended) ---
"""Pipeline reference for scband-net-38646115729829 (READ-ONLY COPY).

The authoritative reference and input builder live on the scoring server;
editing this copy changes nothing except your own understanding.
"""

import jax, jax.numpy as jnp
import numpy as np

N = 10000
E = 320000
D_IN = 128
D_H = 64
N_CLASSES = 7


def gcn_conv(x, src, dst, n, W, b):
    # PyG GCNConv (add_self_loops already applied by caller): x @ W, sym-normalized scatter-add, + bias
    x = x @ W
    deg = jnp.zeros((n,), x.dtype).at[dst].add(jnp.ones((src.shape[0],), x.dtype))
    dis = jnp.where(deg > 0, jax.lax.rsqrt(jnp.maximum(deg, 1e-12)), 0.0)
    norm = dis[src] * dis[dst]
    msg = norm[:, None] * jnp.take(x, src, axis=0)
    out = jnp.zeros((n, x.shape[1]), x.dtype).at[dst].add(msg)
    return out + b


def setup_inputs(seed: int = 0) -> dict:
    key = jax.random.key(seed)
    ks = jax.random.split(key, 14)
    x = jax.random.normal(ks[0], (N, D_IN), jnp.float32)
    edge_index = jax.random.randint(ks[1], (2, E), 0, N, dtype=jnp.int32)
    W1 = jax.random.normal(ks[2], (D_IN, D_H), jnp.float32) * (1.0 / np.sqrt(D_IN))
    b1 = jnp.zeros((D_H,), jnp.float32)
    W2 = jax.random.normal(ks[3], (D_H, D_H), jnp.float32) * (1.0 / np.sqrt(D_H))
    b2 = jnp.zeros((D_H,), jnp.float32)
    Wf1 = jax.random.normal(ks[4], (D_H, D_H), jnp.float32) * (1.0 / np.sqrt(D_H))
    bf1 = jnp.zeros((D_H,), jnp.float32)
    Wf2 = jax.random.normal(ks[5], (D_H, D_H), jnp.float32) * (1.0 / np.sqrt(D_H))
    bf2 = jnp.zeros((D_H,), jnp.float32)
    Wf3 = jax.random.normal(ks[6], (D_H, N_CLASSES), jnp.float32) * (1.0 / np.sqrt(D_H))
    bf3 = jnp.zeros((N_CLASSES,), jnp.float32)
    return {"x": x, "edge_index": edge_index, "W1": W1, "b1": b1, "W2": W2, "b2": b2,
            "Wf1": Wf1, "bf1": bf1, "Wf2": Wf2, "bf2": bf2, "Wf3": Wf3, "bf3": bf3}


def reference(x, edge_index, W1, b1, W2, b2, Wf1, bf1, Wf2, bf2, Wf3, bf3):
    # eval mode: dropout is identity
    src, dst = edge_index[0], edge_index[1]
    loop = jnp.arange(N, dtype=src.dtype)
    src = jnp.concatenate([src, loop])
    dst = jnp.concatenate([dst, loop])
    y = jax.nn.relu(gcn_conv(x, src, dst, N, W1, b1))
    y = jax.nn.relu(gcn_conv(y, src, dst, N, W2, b2))
    y = jax.nn.relu(y @ Wf1 + bf1)
    y = jax.nn.relu(y @ Wf2 + bf2)
    y = y @ Wf3 + bf3
    return jax.nn.log_softmax(y, axis=1)

if __name__ == "__main__":
    import jax
    _d = setup_inputs()
    print(jax.jit(kernel)(*tuple(_d.values())))

</pallas_src>

<mosaic_0001>
#map = affine_map<(d0, d1) -> (0, 0)>
#map1 = affine_map<(d0, d1) -> (0, 0, 0)>
module attributes {stable_mosaic.version = 14 : i64} {
  func.func @_sc_aggregate_body(%arg0: i32, %arg1: i32, %arg2: memref<10000x64xf32, #tpu.memory_space<hbm>>, %arg3: memref<32x80x125xi32, #tpu.memory_space<hbm>>, %arg4: memref<32x80x125xi32, #tpu.memory_space<hbm>>, %arg5: memref<20000x64xf32, #tpu.memory_space<hbm>>, %arg6: memref<80x125xi32, #tpu.memory_space<vmem>>, %arg7: memref<80x125xi32, #tpu.memory_space<vmem>>, %arg8: memref<125x64xf32, #tpu.memory_space<vmem>>, %arg9: memref<125x64xf32, #tpu.memory_space<vmem>>, %arg10: memref<125x64xf32, #tpu.memory_space<vmem>>, %arg11: memref<125x64xf32, #tpu.memory_space<vmem>>, %arg12: memref<125x64xf32, #tpu.memory_space<vmem>>, %arg13: memref<125x64xf32, #tpu.memory_space<vmem>>, %arg14: memref<125x64xf32, #tpu.memory_space<vmem>>, %arg15: memref<125x64xf32, #tpu.memory_space<vmem>>, %arg16: memref<10240x64xf32, #tpu.memory_space<vmem_shared>>, %arg17: memref<!tpu.dma_semaphore, #tpu.memory_space<semaphore_mem>>, %arg18: memref<!tpu.dma_semaphore, #tpu.memory_space<semaphore_mem>>, %arg19: memref<!tpu.dma_semaphore, #tpu.memory_space<semaphore_mem>>, %arg20: memref<!tpu.dma_semaphore, #tpu.memory_space<semaphore_mem>>, %arg21: memref<!tpu.dma_semaphore, #tpu.memory_space<semaphore_mem>>, %arg22: memref<!tpu.dma_semaphore, #tpu.memory_space<semaphore_mem>>, %arg23: memref<!tpu.dma_semaphore, #tpu.memory_space<semaphore_mem>>, %arg24: memref<!tpu.dma_semaphore, #tpu.memory_space<semaphore_mem>>, %arg25: memref<!tpu.dma_semaphore, #tpu.memory_space<semaphore_mem>>, %arg26: memref<!tpu.dma_semaphore, #tpu.memory_space<semaphore_mem>>, %arg27: memref<!tpu.dma_semaphore, #tpu.memory_space<semaphore_mem>>, %arg28: memref<!tpu.dma_semaphore, #tpu.memory_space<semaphore_mem>>, %arg29: memref<!tpu.dma_semaphore, #tpu.memory_space<semaphore_mem>>, %arg30: memref<!tpu.dma_semaphore, #tpu.memory_space<semaphore_mem>>, %arg31: memref<!tpu.dma_semaphore, #tpu.memory_space<semaphore_mem>>, %arg32: memref<!tpu.dma_semaphore, #tpu.memory_space<semaphore_mem>>) attributes {dimension_semantics = [#tpu.dimension_semantics<core_parallel>, #tpu.dimension_semantics<subcore_parallel>], iteration_bounds = array<i64: 2, 16>, scalar_prefetch = 0 : i64, scratch_operands = 27 : i64, tpu.core_type = #tpu.core_type<sc_vector_subcore>, window_params = [{transform_indices = #map}, {transform_indices = #map1}, {transform_indices = #map1}, {transform_indices = #map}]} {
    %mul3A = arith.constant 16 : i32
    %mul3A_0 = arith.muli %arg0, %mul3A : i32
    %add3A = arith.addi %mul3A_0, %arg1 : i32
    %mul3A_1 = arith.constant 625 : i32
    %mul3A_2 = arith.muli %arg1, %mul3A_1 : i32
    %scan3A = arith.constant 0 : i32
    %scan3A_3 = arith.constant 0 : i32
    %scan3A_4 = arith.constant 500 : i32
    %scan3A_5 = arith.addi %scan3A_3, %scan3A_4 : i32
    %scan3A_6 = arith.constant 1 : i32
    %scan3A_7 = scf.for %scan3A_140 = %scan3A_3 to %scan3A_5 step %scan3A_6 iter_args(%scan3A_141 = %scan3A) -> (i32)  : i32 {
      %broadcast_in_dim3A = arith.constant 0.000000e+00 : f32
      %broadcast_in_dim3A_142 = vector.broadcast %broadcast_in_dim3A : f32 to vector<16xf32>
      %jit3A = arith.constant 4 : i32
      %div3A = arith.divsi %scan3A_140, %jit3A : i32
      %sign3A = arith.constant 0 : i32
      %sign3A_143 = arith.cmpi sgt, %scan3A_140, %sign3A : i32
      %sign3A_144 = arith.extui %sign3A_143 : i1 to i32
      %sign3A_145 = arith.constant 0 : i32
      %sign3A_146 = arith.cmpi slt, %scan3A_140, %sign3A_145 : i32
      %sign3A_147 = arith.extui %sign3A_146 : i1 to i32
      %sign3A_148 = arith.subi %sign3A_144, %sign3A_147 : i32
      %sign3A_149 = arith.constant 0 : i32
      %sign3A_150 = arith.cmpi sgt, %jit3A, %sign3A_149 : i32
      %sign3A_151 = arith.extui %sign3A_150 : i1 to i32
      %sign3A_152 = arith.constant 0 : i32
      %sign3A_153 = arith.cmpi slt, %jit3A, %sign3A_152 : i32
      %sign3A_154 = arith.extui %sign3A_153 : i1 to i32
      %sign3A_155 = arith.subi %sign3A_151, %sign3A_154 : i32
      %ne3A = arith.cmpi ne, %sign3A_148, %sign3A_155 : i32
      %rem3A = arith.remsi %scan3A_140, %jit3A : i32
      %ne3A_156 = arith.constant 0 : i32
      %ne3A_157 = arith.cmpi ne, %rem3A, %ne3A_156 : i32
      %and3A = arith.andi %ne3A, %ne3A_157 : i1
      %sub3A = arith.constant 1 : i32
      %sub3A_158 = arith.subi %div3A, %sub3A : i32
      %select_n3A = arith.select %and3A, %sub3A_158, %div3A : i32
      %jit3A_159 = arith.constant 4 : i32
      %eq3A = arith.constant 0 : i32
      %eq3A_160 = arith.cmpi eq, %jit3A_159, %eq3A : i32
      %jit3A_161 = arith.constant 1 : i32
      %select_n3A_162 = arith.select %eq3A_160, %jit3A_161, %jit3A_159 : i32
      %rem3A_163 = arith.remsi %scan3A_140, %select_n3A_162 : i32
      %ne3A_164 = arith.constant 0 : i32
      %ne3A_165 = arith.cmpi ne, %rem3A_163, %ne3A_164 : i32
      %lt3A = arith.constant 0 : i32
      %lt3A_166 = arith.cmpi slt, %rem3A_163, %lt3A : i32
      %lt3A_167 = arith.constant 0 : i32
      %lt3A_168 = arith.cmpi slt, %select_n3A_162, %lt3A_167 : i32
      %ne3A_169 = arith.xori %lt3A_166, %lt3A_168 : i1
      %and3A_170 = arith.andi %ne3A_169, %ne3A_165 : i1
      %add3A_171 = arith.addi %rem3A_163, %select_n3A_162 : i32
      %select_n3A_172 = arith.select %and3A_170, %add3A_171, %rem3A_163 : i32
      %mul3A_173 = arith.constant 16 : i32
      %mul3A_174 = arith.muli %select_n3A_172, %mul3A_173 : i32
      %swap3A = arith.index_cast %select_n3A : i32 to index
      %swap3A_175 = arith.index_cast %mul3A_174 : i32 to index
      %swap3A_176 = tpu.vector_load %arg8[%swap3A, %swap3A_175] {strides = array<i32>} : memref<125x64xf32, #tpu.memory_space<vmem>>, vector<1x16xf32>,
      %swap3A_177 = vector.shape_cast %swap3A_176 : vector<1x16xf32> to vector<16xf32>
      %swap3A_178 = vector.shape_cast %broadcast_in_dim3A_142 : vector<16xf32> to vector<1x16xf32>
      tpu.vector_store %arg8[%swap3A, %swap3A_175], %swap3A_178 {strides = array<i32>} : memref<125x64xf32, #tpu.memory_space<vmem>>, vector<1x16xf32>,
      %scan3A_179 = arith.constant 0 : i32
      scf.yield %scan3A_179 : i32
    }
    %scan3A_8 = arith.constant 500 : i32
    %add3A_9 = arith.constant 0 : i32
    %add3A_10 = arith.addi %mul3A_2, %add3A_9 : i32
    "tpu.region"() ({
      %run_scoped3A = tpu.sem_alloc : memref<!tpu.dma_semaphore, #tpu.memory_space<semaphore_mem>>
      %dma_start3A_140 = arith.constant 0 : i32
      %dma_start3A_141 = tpu.memref_slice %arg16[%add3A_10, %dma_start3A_140] : memref<10240x64xf32, #tpu.memory_space<vmem_shared>> -> memref<125x64xf32, #tpu.memory_space<vmem_shared>>
      %dma_start3A_142 = arith.constant 0 : i32
      %dma_start3A_143 = tpu.memref_slice %arg16[%add3A_10, %dma_start3A_142] : memref<10240x64xf32, #tpu.memory_space<vmem_shared>> -> memref<125x64xf32, #tpu.memory_space<vmem_shared>>
      tpu.enqueue_dma source(%arg8 : memref<125x64xf32, #tpu.memory_space<vmem>>) target(%dma_start3A_143 : memref<125x64xf32, #tpu.memory_space<vmem_shared>>) target_semaphore(%run_scoped3A : memref<!tpu.dma_semaphore, #tpu.memory_space<semaphore_mem>>)
      %dma_wait3A_144 = arith.constant 0 : i32
      %dma_wait3A_145 = tpu.memref_slice %arg16[%add3A_10, %dma_wait3A_144] : memref<10240x64xf32, #tpu.memory_space<vmem_shared>> -> memref<125x64xf32, #tpu.memory_space<vmem_shared>>
      %dma_wait3A_146 = arith.constant 0 : i32
      %dma_wait3A_147 = tpu.memref_slice %arg16[%add3A_10, %dma_wait3A_146] : memref<10240x64xf32, #tpu.memory_space<vmem_shared>> -> memref<125x64xf32, #tpu.memory_space<vmem_shared>>
      tpu.wait_dma2 semaphore(%run_scoped3A : memref<!tpu.dma_semaphore, #tpu.memory_space<semaphore_mem>>) src(%arg8 : memref<125x64xf32, #tpu.memory_space<vmem>>) dst(%dma_wait3A_147 : memref<125x64xf32, #tpu.memory_space<vmem_shared>>)
      tpu.yield
    }) : () -> ()
    %add3A_11 = arith.constant 125 : i32
    %add3A_12 = arith.addi %mul3A_2, %add3A_11 : i32
    "tpu.region"() ({
      %run_scoped3A = tpu.sem_alloc : memref<!tpu.dma_semaphore, #tpu.memory_space<semaphore_mem>>
      %dma_start3A_140 = arith.constant 0 : i32
      %dma_start3A_141 = tpu.memref_slice %arg16[%add3A_12, %dma_start3A_140] : memref<10240x64xf32, #tpu.memory_space<vmem_shared>> -> memref<125x64xf32, #tpu.memory_space<vmem_shared>>
      %dma_start3A_142 = arith.constant 0 : i32
      %dma_start3A_143 = tpu.memref_slice %arg16[%add3A_12, %dma_start3A_142] : memref<10240x64xf32, #tpu.memory_space<vmem_shared>> -> memref<125x64xf32, #tpu.memory_space<vmem_shared>>
      tpu.enqueue_dma source(%arg8 : memref<125x64xf32, #tpu.memory_space<vmem>>) target(%dma_start3A_143 : memref<125x64xf32, #tpu.memory_space<vmem_shared>>) target_semaphore(%run_scoped3A : memref<!tpu.dma_semaphore, #tpu.memory_space<semaphore_mem>>)
      %dma_wait3A_144 = arith.constant 0 : i32
      %dma_wait3A_145 = tpu.memref_slice %arg16[%add3A_12, %dma_wait3A_144] : memref<10240x64xf32, #tpu.memory_space<vmem_shared>> -> memref<125x64xf32, #tpu.memory_space<vmem_shared>>
      %dma_wait3A_146 = arith.constant 0 : i32
      %dma_wait3A_147 = tpu.memref_slice %arg16[%add3A_12, %dma_wait3A_146] : memref<10240x64xf32, #tpu.memory_space<vmem_shared>> -> memref<125x64xf32, #tpu.memory_space<vmem_shared>>
      tpu.wait_dma2 semaphore(%run_scoped3A : memref<!tpu.dma_semaphore, #tpu.memory_space<semaphore_mem>>) src(%arg8 : memref<125x64xf32, #tpu.memory_space<vmem>>) dst(%dma_wait3A_147 : memref<125x64xf32, #tpu.memory_space<vmem_shared>>)
      tpu.yield
    }) : () -> ()
    %add3A_13 = arith.constant 250 : i32
    %add3A_14 = arith.addi %mul3A_2, %add3A_13 : i32
    "tpu.region"() ({
      %run_scoped3A = tpu.sem_alloc : memref<!tpu.dma_semaphore, #tpu.memory_space<semaphore_mem>>
      %dma_start3A_140 = arith.constant 0 : i32
      %dma_start3A_141 = tpu.memref_slice %arg16[%add3A_14, %dma_start3A_140] : memref<10240x64xf32, #tpu.memory_space<vmem_shared>> -> memref<125x64xf32, #tpu.memory_space<vmem_shared>>
      %dma_start3A_142 = arith.constant 0 : i32
      %dma_start3A_143 = tpu.memref_slice %arg16[%add3A_14, %dma_start3A_142] : memref<10240x64xf32, #tpu.memory_space<vmem_shared>> -> memref<125x64xf32, #tpu.memory_space<vmem_shared>>
      tpu.enqueue_dma source(%arg8 : memref<125x64xf32, #tpu.memory_space<vmem>>) target(%dma_start3A_143 : memref<125x64xf32, #tpu.memory_space<vmem_shared>>) target_semaphore(%run_scoped3A : memref<!tpu.dma_semaphore, #tpu.memory_space<semaphore_mem>>)
      %dma_wait3A_144 = arith.constant 0 : i32
      %dma_wait3A_145 = tpu.memref_slice %arg16[%add3A_14, %dma_wait3A_144] : memref<10240x64xf32, #tpu.memory_space<vmem_shared>> -> memref<125x64xf32, #tpu.memory_space<vmem_shared>>
      %dma_wait3A_146 = arith.constant 0 : i32
      %dma_wait3A_147 = tpu.memref_slice %arg16[%add3A_14, %dma_wait3A_146] : memref<10240x64xf32, #tpu.memory_space<vmem_shared>> -> memref<125x64xf32, #tpu.memory_space<vmem_shared>>
      tpu.wait_dma2 semaphore(%run_scoped3A : memref<!tpu.dma_semaphore, #tpu.memory_space<semaphore_mem>>) src(%arg8 : memref<125x64xf32, #tpu.memory_space<vmem>>) dst(%dma_wait3A_147 : memref<125x64xf32, #tpu.memory_space<vmem_shared>>)
      tpu.yield
    }) : () -> ()
    %add3A_15 = arith.constant 375 : i32
    %add3A_16 = arith.addi %mul3A_2, %add3A_15 : i32
    "tpu.region"() ({
      %run_scoped3A = tpu.sem_alloc : memref<!tpu.dma_semaphore, #tpu.memory_space<semaphore_mem>>
      %dma_start3A_140 = arith.constant 0 : i32
      %dma_start3A_141 = tpu.memref_slice %arg16[%add3A_16, %dma_start3A_140] : memref<10240x64xf32, #tpu.memory_space<vmem_shared>> -> memref<125x64xf32, #tpu.memory_space<vmem_shared>>
      %dma_start3A_142 = arith.constant 0 : i32
      %dma_start3A_143 = tpu.memref_slice %arg16[%add3A_16, %dma_start3A_142] : memref<10240x64xf32, #tpu.memory_space<vmem_shared>> -> memref<125x64xf32, #tpu.memory_space<vmem_shared>>
      tpu.enqueue_dma source(%arg8 : memref<125x64xf32, #tpu.memory_space<vmem>>) target(%dma_start3A_143 : memref<125x64xf32, #tpu.memory_space<vmem_shared>>) target_semaphore(%run_scoped3A : memref<!tpu.dma_semaphore, #tpu.memory_space<semaphore_mem>>)
      %dma_wait3A_144 = arith.constant 0 : i32
      %dma_wait3A_145 = tpu.memref_slice %arg16[%add3A_16, %dma_wait3A_144] : memref<10240x64xf32, #tpu.memory_space<vmem_shared>> -> memref<125x64xf32, #tpu.memory_space<vmem_shared>>
      %dma_wait3A_146 = arith.constant 0 : i32
      %dma_wait3A_147 = tpu.memref_slice %arg16[%add3A_16, %dma_wait3A_146] : memref<10240x64xf32, #tpu.memory_space<vmem_shared>> -> memref<125x64xf32, #tpu.memory_space<vmem_shared>>
      tpu.wait_dma2 semaphore(%run_scoped3A : memref<!tpu.dma_semaphore, #tpu.memory_space<semaphore_mem>>) src(%arg8 : memref<125x64xf32, #tpu.memory_space<vmem>>) dst(%dma_wait3A_147 : memref<125x64xf32, #tpu.memory_space<vmem_shared>>)
      tpu.yield
    }) : () -> ()
    %add3A_17 = arith.constant 500 : i32
    %add3A_18 = arith.addi %mul3A_2, %add3A_17 : i32
    "tpu.region"() ({
      %run_scoped3A = tpu.sem_alloc : memref<!tpu.dma_semaphore, #tpu.memory_space<semaphore_mem>>
      %dma_start3A_140 = arith.constant 0 : i32
      %dma_start3A_141 = tpu.memref_slice %arg16[%add3A_18, %dma_start3A_140] : memref<10240x64xf32, #tpu.memory_space<vmem_shared>> -> memref<125x64xf32, #tpu.memory_space<vmem_shared>>
      %dma_start3A_142 = arith.constant 0 : i32
      %dma_start3A_143 = tpu.memref_slice %arg16[%add3A_18, %dma_start3A_142] : memref<10240x64xf32, #tpu.memory_space<vmem_shared>> -> memref<125x64xf32, #tpu.memory_space<vmem_shared>>
      tpu.enqueue_dma source(%arg8 : memref<125x64xf32, #tpu.memory_space<vmem>>) target(%dma_start3A_143 : memref<125x64xf32, #tpu.memory_space<vmem_shared>>) target_semaphore(%run_scoped3A : memref<!tpu.dma_semaphore, #tpu.memory_space<semaphore_mem>>)
      %dma_wait3A_144 = arith.constant 0 : i32
      %dma_wait3A_145 = tpu.memref_slice %arg16[%add3A_18, %dma_wait3A_144] : memref<10240x64xf32, #tpu.memory_space<vmem_shared>> -> memref<125x64xf32, #tpu.memory_space<vmem_shared>>
      %dma_wait3A_146 = arith.constant 0 : i32
      %dma_wait3A_147 = tpu.memref_slice %arg16[%add3A_18, %dma_wait3A_146] : memref<10240x64xf32, #tpu.memory_space<vmem_shared>> -> memref<125x64xf32, #tpu.memory_space<vmem_shared>>
      tpu.wait_dma2 semaphore(%run_scoped3A : memref<!tpu.dma_semaphore, #tpu.memory_space<semaphore_mem>>) src(%arg8 : memref<125x64xf32, #tpu.memory_space<vmem>>) dst(%dma_wait3A_147 : memref<125x64xf32, #tpu.memory_space<vmem_shared>>)
      tpu.yield
    }) : () -> ()
    "tpu.region"() ({
      %run_scoped3A = tpu.sem_alloc : memref<!tpu.dma_semaphore, #tpu.memory_space<semaphore_mem>>
      %dma_start3A_140 = arith.constant 0 : i32
      %dma_start3A_141 = arith.constant 0 : i32
      %dma_start3A_142 = tpu.memref_slice %arg3[%add3A, %dma_start3A_140, %dma_start3A_141] : memref<32x80x125xi32, #tpu.memory_space<hbm>> -> memref<1x80x125xi32, #tpu.memory_space<hbm>>
      %dma_start3A_143 = tpu.memref_squeeze %dma_start3A_142 : memref<1x80x125xi32, #tpu.memory_space<hbm>> -> memref<80x125xi32, #tpu.memory_space<hbm>>
      %dma_start3A_144 = arith.constant 0 : i32
      %dma_start3A_145 = arith.constant 0 : i32
      %dma_start3A_146 = tpu.memref_slice %arg3[%add3A, %dma_start3A_144, %dma_start3A_145] : memref<32x80x125xi32, #tpu.memory_space<hbm>> -> memref<1x80x125xi32, #tpu.memory_space<hbm>>
      %dma_start3A_147 = tpu.memref_squeeze %dma_start3A_146 : memref<1x80x125xi32, #tpu.memory_space<hbm>> -> memref<80x125xi32, #tpu.memory_space<hbm>>
      tpu.enqueue_dma source(%dma_start3A_147 : memref<80x125xi32, #tpu.memory_space<hbm>>) target(%arg6 : memref<80x125xi32, #tpu.memory_space<vmem>>) target_semaphore(%run_scoped3A : memref<!tpu.dma_semaphore, #tpu.memory_space<semaphore_mem>>)
      %dma_wait3A_148 = arith.constant 0 : i32
      %dma_wait3A_149 = arith.constant 0 : i32
      %dma_wait3A_150 = tpu.memref_slice %arg3[%add3A, %dma_wait3A_148, %dma_wait3A_149] : memref<32x80x125xi32, #tpu.memory_space<hbm>> -> memref<1x80x125xi32, #tpu.memory_space<hbm>>
      %dma_wait3A_151 = tpu.memref_squeeze %dma_wait3A_150 : memref<1x80x125xi32, #tpu.memory_space<hbm>> -> memref<80x125xi32, #tpu.memory_space<hbm>>
      %dma_wait3A_152 = arith.constant 0 : i32
      %dma_wait3A_153 = arith.constant 0 : i32
      %dma_wait3A_154 = tpu.memref_slice %arg3[%add3A, %dma_wait3A_152, %dma_wait3A_153] : memref<32x80x125xi32, #tpu.memory_space<hbm>> -> memref<1x80x125xi32, #tpu.memory_space<hbm>>
      %dma_wait3A_155 = tpu.memref_squeeze %dma_wait3A_154 : memref<1x80x125xi32, #tpu.memory_space<hbm>> -> memref<80x125xi32, #tpu.memory_space<hbm>>
      tpu.wait_dma2 semaphore(%run_scoped3A : memref<!tpu.dma_semaphore, #tpu.memory_space<semaphore_mem>>) src(%dma_wait3A_155 : memref<80x125xi32, #tpu.memory_space<hbm>>) dst(%arg6 : memref<80x125xi32, #tpu.memory_space<vmem>>)
      tpu.yield
    }) : () -> ()
    "tpu.region"() ({
      %run_scoped3A = tpu.sem_alloc : memref<!tpu.dma_semaphore, #tpu.memory_space<semaphore_mem>>
      %dma_start3A_140 = arith.constant 0 : i32
      %dma_start3A_141 = arith.constant 0 : i32
      %dma_start3A_142 = tpu.memref_slice %arg4[%add3A, %dma_start3A_140, %dma_start3A_141] : memref<32x80x125xi32, #tpu.memory_space<hbm>> -> memref<1x80x125xi32, #tpu.memory_space<hbm>>
      %dma_start3A_143 = tpu.memref_squeeze %dma_start3A_142 : memref<1x80x125xi32, #tpu.memory_space<hbm>> -> memref<80x125xi32, #tpu.memory_space<hbm>>
      %dma_start3A_144 = arith.constant 0 : i32
      %dma_start3A_145 = arith.constant 0 : i32
      %dma_start3A_146 = tpu.memref_slice %arg4[%add3A, %dma_start3A_144, %dma_start3A_145] : memref<32x80x125xi32, #tpu.memory_space<hbm>> -> memref<1x80x125xi32, #tpu.memory_space<hbm>>
      %dma_start3A_147 = tpu.memref_squeeze %dma_start3A_146 : memref<1x80x125xi32, #tpu.memory_space<hbm>> -> memref<80x125xi32, #tpu.memory_space<hbm>>
      tpu.enqueue_dma source(%dma_start3A_147 : memref<80x125xi32, #tpu.memory_space<hbm>>) target(%arg7 : memref<80x125xi32, #tpu.memory_space<vmem>>) target_semaphore(%run_scoped3A : memref<!tpu.dma_semaphore, #tpu.memory_space<semaphore_mem>>)
      %dma_wait3A_148 = arith.constant 0 : i32
      %dma_wait3A_149 = arith.constant 0 : i32
      %dma_wait3A_150 = tpu.memref_slice %arg4[%add3A, %dma_wait3A_148, %dma_wait3A_149] : memref<32x80x125xi32, #tpu.memory_space<hbm>> -> memref<1x80x125xi32, #tpu.memory_space<hbm>>
      %dma_wait3A_151 = tpu.memref_squeeze %dma_wait3A_150 : memref<1x80x125xi32, #tpu.memory_space<hbm>> -> memref<80x125xi32, #tpu.memory_space<hbm>>
      %dma_wait3A_152 = arith.constant 0 : i32
      %dma_wait3A_153 = arith.constant 0 : i32
      %dma_wait3A_154 = tpu.memref_slice %arg4[%add3A, %dma_wait3A_152, %dma_wait3A_153] : memref<32x80x125xi32, #tpu.memory_space<hbm>> -> memref<1x80x125xi32, #tpu.memory_space<hbm>>
      %dma_wait3A_155 = tpu.memref_squeeze %dma_wait3A_154 : memref<1x80x125xi32, #tpu.memory_space<hbm>> -> memref<80x125xi32, #tpu.memory_space<hbm>>
      tpu.wait_dma2 semaphore(%run_scoped3A : memref<!tpu.dma_semaphore, #tpu.memory_space<semaphore_mem>>) src(%dma_wait3A_155 : memref<80x125xi32, #tpu.memory_space<hbm>>) dst(%arg7 : memref<80x125xi32, #tpu.memory_space<vmem>>)
      tpu.yield
    }) : () -> ()
    %barrier3A = arith.constant 0 : index
    tpu.barrier barrier_id(%barrier3A)
    %dma_start3A = arith.constant 0 : i32
    %dma_start3A_19 = arith.constant 0 : i32
    %dma_start3A_20 = tpu.memref_slice %arg6[%dma_start3A, %dma_start3A_19] : memref<80x125xi32, #tpu.memory_space<vmem>> -> memref<1x125xi32, #tpu.memory_space<vmem>>
    %dma_start3A_21 = tpu.memref_squeeze %dma_start3A_20 : memref<1x125xi32, #tpu.memory_space<vmem>> -> memref<125xi32, #tpu.memory_space<vmem>>
    %dma_start3A_22 = arith.constant 0 : i32
    %dma_start3A_23 = arith.constant 0 : i32
    %dma_start3A_24 = tpu.memref_slice %arg2[%dma_start3A_22, %dma_start3A_23] : memref<10000x64xf32, #tpu.memory_space<hbm>> -> memref<10000x64xf32, #tpu.memory_space<hbm>>
    tpu.enqueue_indirect_dma source(%dma_start3A_24 : memref<10000x64xf32, #tpu.memory_space<hbm>>) target(%arg8 : memref<125x64xf32, #tpu.memory_space<vmem>>) offsets(%dma_start3A_21 : memref<125xi32, #tpu.memory_space<vmem>>) semaphore(%arg17 : memref<!tpu.dma_semaphore, #tpu.memory_space<semaphore_mem>>)
    %dma_start3A_25 = arith.constant 1 : i32
    %dma_start3A_26 = arith.constant 0 : i32
    %dma_start3A_27 = tpu.memref_slice %arg6[%dma_start3A_25, %dma_start3A_26] : memref<80x125xi32, #tpu.memory_space<vmem>> -> memref<1x125xi32, #tpu.memory_space<vmem>>
    %dma_start3A_28 = tpu.memref_squeeze %dma_start3A_27 : memref<1x125xi32, #tpu.memory_space<vmem>> -> memref<125xi32, #tpu.memory_space<vmem>>
    %dma_start3A_29 = arith.constant 0 : i32
    %dma_start3A_30 = arith.constant 0 : i32
    %dma_start3A_31 = tpu.memref_slice %arg2[%dma_start3A_29, %dma_start3A_30] : memref<10000x64xf32, #tpu.memory_space<hbm>> -> memref<10000x64xf32, #tpu.memory_space<hbm>>
    tpu.enqueue_indirect_dma source(%dma_start3A_31 : memref<10000x64xf32, #tpu.memory_space<hbm>>) target(%arg9 : memref<125x64xf32, #tpu.memory_space<vmem>>) offsets(%dma_start3A_28 : memref<125xi32, #tpu.memory_space<vmem>>) semaphore(%arg18 : memref<!tpu.dma_semaphore, #tpu.memory_space<semaphore_mem>>)
    %dma_start3A_32 = arith.constant 2 : i32
    %dma_start3A_33 = arith.constant 0 : i32
    %dma_start3A_34 = tpu.memref_slice %arg6[%dma_start3A_32, %dma_start3A_33] : memref<80x125xi32, #tpu.memory_space<vmem>> -> memref<1x125xi32, #tpu.memory_space<vmem>>
    %dma_start3A_35 = tpu.memref_squeeze %dma_start3A_34 : memref<1x125xi32, #tpu.memory_space<vmem>> -> memref<125xi32, #tpu.memory_space<vmem>>
    %dma_start3A_36 = arith.constant 0 : i32
    %dma_start3A_37 = arith.constant 0 : i32
    %dma_start3A_38 = tpu.memref_slice %arg2[%dma_start3A_36, %dma_start3A_37] : memref<10000x64xf32, #tpu.memory_space<hbm>> -> memref<10000x64xf32, #tpu.memory_space<hbm>>
    tpu.enqueue_indirect_dma source(%dma_start3A_38 : memref<10000x64xf32, #tpu.memory_space<hbm>>) target(%arg10 : memref<125x64xf32, #tpu.memory_space<vmem>>) offsets(%dma_start3A_35 : memref<125xi32, #tpu.memory_space<vmem>>) semaphore(%arg19 : memref<!tpu.dma_semaphore, #tpu.memory_space<semaphore_mem>>)
    %dma_start3A_39 = arith.constant 3 : i32
    %dma_start3A_40 = arith.constant 0 : i32
    %dma_start3A_41 = tpu.memref_slice %arg6[%dma_start3A_39, %dma_start3A_40] : memref<80x125xi32, #tpu.memory_space<vmem>> -> memref<1x125xi32, #tpu.memory_space<vmem>>
    %dma_start3A_42 = tpu.memref_squeeze %dma_start3A_41 : memref<1x125xi32, #tpu.memory_space<vmem>> -> memref<125xi32, #tpu.memory_space<vmem>>
    %dma_start3A_43 = arith.constant 0 : i32
    %dma_start3A_44 = arith.constant 0 : i32
    %dma_start3A_45 = tpu.memref_slice %arg2[%dma_start3A_43, %dma_start3A_44] : memref<10000x64xf32, #tpu.memory_space<hbm>> -> memref<10000x64xf32, #tpu.memory_space<hbm>>
    tpu.enqueue_indirect_dma source(%dma_start3A_45 : memref<10000x64xf32, #tpu.memory_space<hbm>>) target(%arg11 : memref<125x64xf32, #tpu.memory_space<vmem>>) offsets(%dma_start3A_42 : memref<125xi32, #tpu.memory_space<vmem>>) semaphore(%arg20 : memref<!tpu.dma_semaphore, #tpu.memory_space<semaphore_mem>>)
    %dma_start3A_46 = arith.constant 4 : i32
    %dma_start3A_47 = arith.constant 0 : i32
    %dma_start3A_48 = tpu.memref_slice %arg6[%dma_start3A_46, %dma_start3A_47] : memref<80x125xi32, #tpu.memory_space<vmem>> -> memref<1x125xi32, #tpu.memory_space<vmem>>
    %dma_start3A_49 = tpu.memref_squeeze %dma_start3A_48 : memref<1x125xi32, #tpu.memory_space<vmem>> -> memref<125xi32, #tpu.memory_space<vmem>>
    %dma_start3A_50 = arith.constant 0 : i32
    %dma_start3A_51 = arith.constant 0 : i32
    %dma_start3A_52 = tpu.memref_slice %arg2[%dma_start3A_50, %dma_start3A_51] : memref<10000x64xf32, #tpu.memory_space<hbm>> -> memref<10000x64xf32, #tpu.memory_space<hbm>>
    tpu.enqueue_indirect_dma source(%dma_start3A_52 : memref<10000x64xf32, #tpu.memory_space<hbm>>) target(%arg12 : memref<125x64xf32, #tpu.memory_space<vmem>>) offsets(%dma_start3A_49 : memref<125xi32, #tpu.memory_space<vmem>>) semaphore(%arg21 : memref<!tpu.dma_semaphore, #tpu.memory_space<semaphore_mem>>)
    %dma_start3A_53 = arith.constant 5 : i32
    %dma_start3A_54 = arith.constant 0 : i32
    %dma_start3A_55 = tpu.memref_slice %arg6[%dma_start3A_53, %dma_start3A_54] : memref<80x125xi32, #tpu.memory_space<vmem>> -> memref<1x125xi32, #tpu.memory_space<vmem>>
    %dma_start3A_56 = tpu.memref_squeeze %dma_start3A_55 : memref<1x125xi32, #tpu.memory_space<vmem>> -> memref<125xi32, #tpu.memory_space<vmem>>
    %dma_start3A_57 = arith.constant 0 : i32
    %dma_start3A_58 = arith.constant 0 : i32
    %dma_start3A_59 = tpu.memref_slice %arg2[%dma_start3A_57, %dma_start3A_58] : memref<10000x64xf32, #tpu.memory_space<hbm>> -> memref<10000x64xf32, #tpu.memory_space<hbm>>
    tpu.enqueue_indirect_dma source(%dma_start3A_59 : memref<10000x64xf32, #tpu.memory_space<hbm>>) target(%arg13 : memref<125x64xf32, #tpu.memory_space<vmem>>) offsets(%dma_start3A_56 : memref<125xi32, #tpu.memory_space<vmem>>) semaphore(%arg22 : memref<!tpu.dma_semaphore, #tpu.memory_space<semaphore_mem>>)
    %dma_start3A_60 = arith.constant 6 : i32
    %dma_start3A_61 = arith.constant 0 : i32
    %dma_start3A_62 = tpu.memref_slice %arg6[%dma_start3A_60, %dma_start3A_61] : memref<80x125xi32, #tpu.memory_space<vmem>> -> memref<1x125xi32, #tpu.memory_space<vmem>>
    %dma_start3A_63 = tpu.memref_squeeze %dma_start3A_62 : memref<1x125xi32, #tpu.memory_space<vmem>> -> memref<125xi32, #tpu.memory_space<vmem>>
    %dma_start3A_64 = arith.constant 0 : i32
    %dma_start3A_65 = arith.constant 0 : i32
    %dma_start3A_66 = tpu.memref_slice %arg2[%dma_start3A_64, %dma_start3A_65] : memref<10000x64xf32, #tpu.memory_space<hbm>> -> memref<10000x64xf32, #tpu.memory_space<hbm>>
    tpu.enqueue_indirect_dma source(%dma_start3A_66 : memref<10000x64xf32, #tpu.memory_space<hbm>>) target(%arg14 : memref<125x64xf32, #tpu.memory_space<vmem>>) offsets(%dma_start3A_63 : memref<125xi32, #tpu.memory_space<vmem>>) semaphore(%arg23 : memref<!tpu.dma_semaphore, #tpu.memory_space<semaphore_mem>>)
    %dma_start3A_67 = arith.constant 7 : i32
    %dma_start3A_68 = arith.constant 0 : i32
    %dma_start3A_69 = tpu.memref_slice %arg6[%dma_start3A_67, %dma_start3A_68] : memref<80x125xi32, #tpu.memory_space<vmem>> -> memref<1x125xi32, #tpu.memory_space<vmem>>
    %dma_start3A_70 = tpu.memref_squeeze %dma_start3A_69 : memref<1x125xi32, #tpu.memory_space<vmem>> -> memref<125xi32, #tpu.memory_space<vmem>>
    %dma_start3A_71 = arith.constant 0 : i32
    %dma_start3A_72 = arith.constant 0 : i32
    %dma_start3A_73 = tpu.memref_slice %arg2[%dma_start3A_71, %dma_start3A_72] : memref<10000x64xf32, #tpu.memory_space<hbm>> -> memref<10000x64xf32, #tpu.memory_space<hbm>>
    tpu.enqueue_indirect_dma source(%dma_start3A_73 : memref<10000x64xf32, #tpu.memory_space<hbm>>) target(%arg15 : memref<125x64xf32, #tpu.memory_space<vmem>>) offsets(%dma_start3A_70 : memref<125xi32, #tpu.memory_space<vmem>>) semaphore(%arg24 : memref<!tpu.dma_semaphore, #tpu.memory_space<semaphore_mem>>)
    %scan3A_74 = arith.constant 0 : i32
    %scan3A_75 = arith.constant 0 : i32
    %scan3A_76 = arith.constant 10 : i32
    %scan3A_77 = arith.addi %scan3A_75, %scan3A_76 : i32
    %scan3A_78 = arith.constant 1 : i32
    %scan3A_79 = scf.for %scan3A_140 = %scan3A_75 to %scan3A_77 step %scan3A_78 iter_args(%scan3A_141 = %scan3A_74) -> (i32)  : i32 {
      %mul3A_142 = arith.constant 8 : i32
      %mul3A_143 = arith.muli %scan3A_140, %mul3A_142 : i32
      %add3A_144 = arith.constant 0 : i32
      %add3A_145 = arith.addi %mul3A_143, %add3A_144 : i32
      %dma_wait3A_146 = arith.constant 0 : i32
      %dma_wait3A_147 = tpu.memref_slice %arg6[%add3A_145, %dma_wait3A_146] : memref<80x125xi32, #tpu.memory_space<vmem>> -> memref<1x125xi32, #tpu.memory_space<vmem>>
      %dma_wait3A_148 = tpu.memref_squeeze %dma_wait3A_147 : memref<1x125xi32, #tpu.memory_space<vmem>> -> memref<125xi32, #tpu.memory_space<vmem>>
      %dma_wait3A_149 = arith.constant 0 : i32
      %dma_wait3A_150 = arith.constant 0 : i32
      %dma_wait3A_151 = tpu.memref_slice %arg2[%dma_wait3A_149, %dma_wait3A_150] : memref<10000x64xf32, #tpu.memory_space<hbm>> -> memref<10000x64xf32, #tpu.memory_space<hbm>>
      tpu.wait_indirect_dma semaphore(%arg17 : memref<!tpu.dma_semaphore, #tpu.memory_space<semaphore_mem>>) src(%dma_wait3A_151 : memref<10000x64xf32, #tpu.memory_space<hbm>>) dst(%arg8 : memref<125x64xf32, #tpu.memory_space<vmem>>)
      %dma_start3A_152 = arith.constant 0 : i32
      %dma_start3A_153 = tpu.memref_slice %arg7[%add3A_145, %dma_start3A_152] : memref<80x125xi32, #tpu.memory_space<vmem>> -> memref<1x125xi32, #tpu.memory_space<vmem>>
      %dma_start3A_154 = tpu.memref_squeeze %dma_start3A_153 : memref<1x125xi32, #tpu.memory_space<vmem>> -> memref<125xi32, #tpu.memory_space<vmem>>
      %dma_start3A_155 = arith.constant 0 : i32
      %dma_start3A_156 = arith.constant 0 : i32
      %dma_start3A_157 = tpu.memref_slice %arg16[%dma_start3A_155, %dma_start3A_156] : memref<10240x64xf32, #tpu.memory_space<vmem_shared>> -> memref<10240x64xf32, #tpu.memory_space<vmem_shared>>
      tpu.enqueue_indirect_dma source(%arg8 : memref<125x64xf32, #tpu.memory_space<vmem>>) target(%dma_start3A_157 : memref<10240x64xf32, #tpu.memory_space<vmem_shared>>) offsets(%dma_start3A_154 : memref<125xi32, #tpu.memory_space<vmem>>) semaphore(%arg25 : memref<!tpu.dma_semaphore, #tpu.memory_space<semaphore_mem>>) {add = true}
      %add3A_158 = arith.constant 1 : i32
      %add3A_159 = arith.addi %mul3A_143, %add3A_158 : i32
      %dma_wait3A_160 = arith.constant 0 : i32
      %dma_wait3A_161 = tpu.memref_slice %arg6[%add3A_159, %dma_wait3A_160] : memref<80x125xi32, #tpu.memory_space<vmem>> -> memref<1x125xi32, #tpu.memory_space<vmem>>
      %dma_wait3A_162 = tpu.memref_squeeze %dma_wait3A_161 : memref<1x125xi32, #tpu.memory_space<vmem>> -> memref<125xi32, #tpu.memory_space<vmem>>
      %dma_wait3A_163 = arith.constant 0 : i32
      %dma_wait3A_164 = arith.constant 0 : i32
      %dma_wait3A_165 = tpu.memref_slice %arg2[%dma_wait3A_163, %dma_wait3A_164] : memref<10000x64xf32, #tpu.memory_space<hbm>> -> memref<10000x64xf32, #tpu.memory_space<hbm>>
      tpu.wait_indirect_dma semaphore(%arg18 : memref<!tpu.dma_semaphore, #tpu.memory_space<semaphore_mem>>) src(%dma_wait3A_165 : memref<10000x64xf32, #tpu.memory_space<hbm>>) dst(%arg9 : memref<125x64xf32, #tpu.memory_space<vmem>>)
      %dma_start3A_166 = arith.constant 0 : i32
      %dma_start3A_167 = tpu.memref_slice %arg7[%add3A_159, %dma_start3A_166] : memref<80x125xi32, #tpu.memory_space<vmem>> -> memref<1x125xi32, #tpu.memory_space<vmem>>
      %dma_start3A_168 = tpu.memref_squeeze %dma_start3A_167 : memref<1x125xi32, #tpu.memory_space<vmem>> -> memref<125xi32, #tpu.memory_space<vmem>>
      %dma_start3A_169 = arith.constant 0 : i32
      %dma_start3A_170 = arith.constant 0 : i32
      %dma_start3A_171 = tpu.memref_slice %arg16[%dma_start3A_169, %dma_start3A_170] : memref<10240x64xf32, #tpu.memory_space<vmem_shared>> -> memref<10240x64xf32, #tpu.memory_space<vmem_shared>>
      tpu.enqueue_indirect_dma source(%arg9 : memref<125x64xf32, #tpu.memory_space<vmem>>) target(%dma_start3A_171 : memref<10240x64xf32, #tpu.memory_space<vmem_shared>>) offsets(%dma_start3A_168 : memref<125xi32, #tpu.memory_space<vmem>>) semaphore(%arg26 : memref<!tpu.dma_semaphore, #tpu.memory_space<semaphore_mem>>) {add = true}
      %add3A_172 = arith.constant 2 : i32
      %add3A_173 = arith.addi %mul3A_143, %add3A_172 : i32
      %dma_wait3A_174 = arith.constant 0 : i32
      %dma_wait3A_175 = tpu.memref_slice %arg6[%add3A_173, %dma_wait3A_174] : memref<80x125xi32, #tpu.memory_space<vmem>> -> memref<1x125xi32, #tpu.memory_space<vmem>>
      %dma_wait3A_176 = tpu.memref_squeeze %dma_wait3A_175 : memref<1x125xi32, #tpu.memory_space<vmem>> -> memref<125xi32, #tpu.memory_space<vmem>>
      %dma_wait3A_177 = arith.constant 0 : i32
      %dma_wait3A_178 = arith.constant 0 : i32
      %dma_wait3A_179 = tpu.memref_slice %arg2[%dma_wait3A_177, %dma_wait3A_178] : memref<10000x64xf32, #tpu.memory_space<hbm>> -> memref<10000x64xf32, #tpu.memory_space<hbm>>
      tpu.wait_indirect_dma semaphore(%arg19 : memref<!tpu.dma_semaphore, #tpu.memory_space<semaphore_mem>>) src(%dma_wait3A_179 : memref<10000x64xf32, #tpu.memory_space<hbm>>) dst(%arg10 : memref<125x64xf32, #tpu.memory_space<vmem>>)
      %dma_start3A_180 = arith.constant 0 : i32
      %dma_start3A_181 = tpu.memref_slice %arg7[%add3A_173, %dma_start3A_180] : memref<80x125xi32, #tpu.memory_space<vmem>> -> memref<1x125xi32, #tpu.memory_space<vmem>>
      %dma_start3A_182 = tpu.memref_squeeze %dma_start3A_181 : memref<1x125xi32, #tpu.memory_space<vmem>> -> memref<125xi32, #tpu.memory_space<vmem>>
      %dma_start3A_183 = arith.constant 0 : i32
      %dma_start3A_184 = arith.constant 0 : i32
      %dma_start3A_185 = tpu.memref_slice %arg16[%dma_start3A_183, %dma_start3A_184] : memref<10240x64xf32, #tpu.memory_space<vmem_shared>> -> memref<10240x64xf32, #tpu.memory_space<vmem_shared>>
      tpu.enqueue_indirect_dma source(%arg10 : memref<125x64xf32, #tpu.memory_space<vmem>>) target(%dma_start3A_185 : memref<10240x64xf32, #tpu.memory_space<vmem_shared>>) offsets(%dma_start3A_182 : memref<125xi32, #tpu.memory_space<vmem>>) semaphore(%arg27 : memref<!tpu.dma_semaphore, #tpu.memory_space<semaphore_mem>>) {add = true}
      %add3A_186 = arith.constant 3 : i32
      %add3A_187 = arith.addi %mul3A_143, %add3A_186 : i32
      %dma_wait3A_188 = arith.constant 0 : i32
      %dma_wait3A_189 = tpu.memref_slice %arg6[%add3A_187, %dma_wait3A_188] : memref<80x125xi32, #tpu.memory_space<vmem>> -> memref<1x125xi32, #tpu.memory_space<vmem>>
      %dma_wait3A_190 = tpu.memref_squeeze %dma_wait3A_189 : memref<1x125xi32, #tpu.memory_space<vmem>> -> memref<125xi32, #tpu.memory_space<vmem>>
      %dma_wait3A_191 = arith.constant 0 : i32
      %dma_wait3A_192 = arith.constant 0 : i32
      %dma_wait3A_193 = tpu.memref_slice %arg2[%dma_wait3A_191, %dma_wait3A_192] : memref<10000x64xf32, #tpu.memory_space<hbm>> -> memref<10000x64xf32, #tpu.memory_space<hbm>>
      tpu.wait_indirect_dma semaphore(%arg20 : memref<!tpu.dma_semaphore, #tpu.memory_space<semaphore_mem>>) src(%dma_wait3A_193 : memref<10000x64xf32, #tpu.memory_space<hbm>>) dst(%arg11 : memref<125x64xf32, #tpu.memory_space<vmem>>)
      %dma_start3A_194 = arith.constant 0 : i32
      %dma_start3A_195 = tpu.memref_slice %arg7[%add3A_187, %dma_start3A_194] : memref<80x125xi32, #tpu.memory_space<vmem>> -> memref<1x125xi32, #tpu.memory_space<vmem>>
      %dma_start3A_196 = tpu.memref_squeeze %dma_start3A_195 : memref<1x125xi32, #tpu.memory_space<vmem>> -> memref<125xi32, #tpu.memory_space<vmem>>
      %dma_start3A_197 = arith.constant 0 : i32
      %dma_start3A_198 = arith.constant 0 : i32
      %dma_start3A_199 = tpu.memref_slice %arg16[%dma_start3A_197, %dma_start3A_198] : memref<10240x64xf32, #tpu.memory_space<vmem_shared>> -> memref<10240x64xf32, #tpu.memory_space<vmem_shared>>
      tpu.enqueue_indirect_dma source(%arg11 : memref<125x64xf32, #tpu.memory_space<vmem>>) target(%dma_start3A_199 : memref<10240x64xf32, #tpu.memory_space<vmem_shared>>) offsets(%dma_start3A_196 : memref<125xi32, #tpu.memory_space<vmem>>) semaphore(%arg28 : memref<!tpu.dma_semaphore, #tpu.memory_space<semaphore_mem>>) {add = true}
      %add3A_200 = arith.constant 4 : i32
      %add3A_201 = arith.addi %mul3A_143, %add3A_200 : i32
      %dma_wait3A_202 = arith.constant 0 : i32
      %dma_wait3A_203 = tpu.memref_slice %arg6[%add3A_201, %dma_wait3A_202] : memref<80x125xi32, #tpu.memory_space<vmem>> -> memref<1x125xi32, #tpu.memory_space<vmem>>
      %dma_wait3A_204 = tpu.memref_squeeze %dma_wait3A_203 : memref<1x125xi32, #tpu.memory_space<vmem>> -> memref<125xi32, #tpu.memory_space<vmem>>
      %dma_wait3A_205 = arith.constant 0 : i32
      %dma_wait3A_206 = arith.constant 0 : i32
      %dma_wait3A_207 = tpu.memref_slice %arg2[%dma_wait3A_205, %dma_wait3A_206] : memref<10000x64xf32, #tpu.memory_space<hbm>> -> memref<10000x64xf32, #tpu.memory_space<hbm>>
      tpu.wait_indirect_dma semaphore(%arg21 : memref<!tpu.dma_semaphore, #tpu.memory_space<semaphore_mem>>) src(%dma_wait3A_207 : memref<10000x64xf32, #tpu.memory_space<hbm>>) dst(%arg12 : memref<125x64xf32, #tpu.memory_space<vmem>>)
      %dma_start3A_208 = arith.constant 0 : i32
      %dma_start3A_209 = tpu.memref_slice %arg7[%add3A_201, %dma_start3A_208] : memref<80x125xi32, #tpu.memory_space<vmem>> -> memref<1x125xi32, #tpu.memory_space<vmem>>
      %dma_start3A_210 = tpu.memref_squeeze %dma_start3A_209 : memref<1x125xi32, #tpu.memory_space<vmem>> -> memref<125xi32, #tpu.memory_space<vmem>>
      %dma_start3A_211 = arith.constant 0 : i32
      %dma_start3A_212 = arith.constant 0 : i32
      %dma_start3A_213 = tpu.memref_slice %arg16[%dma_start3A_211, %dma_start3A_212] : memref<10240x64xf32, #tpu.memory_space<vmem_shared>> -> memref<10240x64xf32, #tpu.memory_space<vmem_shared>>
      tpu.enqueue_indirect_dma source(%arg12 : memref<125x64xf32, #tpu.memory_space<vmem>>) target(%dma_start3A_213 : memref<10240x64xf32, #tpu.memory_space<vmem_shared>>) offsets(%dma_start3A_210 : memref<125xi32, #tpu.memory_space<vmem>>) semaphore(%arg29 : memref<!tpu.dma_semaphore, #tpu.memory_space<semaphore_mem>>) {add = true}
      %add3A_214 = arith.constant 5 : i32
      %add3A_215 = arith.addi %mul3A_143, %add3A_214 : i32
      %dma_wait3A_216 = arith.constant 0 : i32
      %dma_wait3A_217 = tpu.memref_slice %arg6[%add3A_215, %dma_wait3A_216] : memref<80x125xi32, #tpu.memory_space<vmem>> -> memref<1x125xi32, #tpu.memory_space<vmem>>
      %dma_wait3A_218 = tpu.memref_squeeze %dma_wait3A_217 : memref<1x125xi32, #tpu.memory_space<vmem>> -> memref<125xi32, #tpu.memory_space<vmem>>
      %dma_wait3A_219 = arith.constant 0 : i32
      %dma_wait3A_220 = arith.constant 0 : i32
      %dma_wait3A_221 = tpu.memref_slice %arg2[%dma_wait3A_219, %dma_wait3A_220] : memref<10000x64xf32, #tpu.memory_space<hbm>> -> memref<10000x64xf32, #tpu.memory_space<hbm>>
      tpu.wait_indirect_dma semaphore(%arg22 : memref<!tpu.dma_semaphore, #tpu.memory_space<semaphore_mem>>) src(%dma_wait3A_221 : memref<10000x64xf32, #tpu.memory_space<hbm>>) dst(%arg13 : memref<125x64xf32, #tpu.memory_space<vmem>>)
      %dma_start3A_222 = arith.constant 0 : i32
      %dma_start3A_223 = tpu.memref_slice %arg7[%add3A_215, %dma_start3A_222] : memref<80x125xi32, #tpu.memory_space<vmem>> -> memref<1x125xi32, #tpu.memory_space<vmem>>
      %dma_start3A_224 = tpu.memref_squeeze %dma_start3A_223 : memref<1x125xi32, #tpu.memory_space<vmem>> -> memref<125xi32, #tpu.memory_space<vmem>>
      %dma_start3A_225 = arith.constant 0 : i32
      %dma_start3A_226 = arith.constant 0 : i32
      %dma_start3A_227 = tpu.memref_slice %arg16[%dma_start3A_225, %dma_start3A_226] : memref<10240x64xf32, #tpu.memory_space<vmem_shared>> -> memref<10240x64xf32, #tpu.memory_space<vmem_shared>>
      tpu.enqueue_indirect_dma source(%arg13 : memref<125x64xf32, #tpu.memory_space<vmem>>) target(%dma_start3A_227 : memref<10240x64xf32, #tpu.memory_space<vmem_shared>>) offsets(%dma_start3A_224 : memref<125xi32, #tpu.memory_space<vmem>>) semaphore(%arg30 : memref<!tpu.dma_semaphore, #tpu.memory_space<semaphore_mem>>) {add = true}
      %add3A_228 = arith.constant 6 : i32
      %add3A_229 = arith.addi %mul3A_143, %add3A_228 : i32
      %dma_wait3A_230 = arith.constant 0 : i32
      %dma_wait3A_231 = tpu.memref_slice %arg6[%add3A_229, %dma_wait3A_230] : memref<80x125xi32, #tpu.memory_space<vmem>> -> memref<1x125xi32, #tpu.memory_space<vmem>>
      %dma_wait3A_232 = tpu.memref_squeeze %dma_wait3A_231 : memref<1x125xi32, #tpu.memory_space<vmem>> -> memref<125xi32, #tpu.memory_space<vmem>>
      %dma_wait3A_233 = arith.constant 0 : i32
      %dma_wait3A_234 = arith.constant 0 : i32
      %dma_wait3A_235 = tpu.memref_slice %arg2[%dma_wait3A_233, %dma_wait3A_234] : memref<10000x64xf32, #tpu.memory_space<hbm>> -> memref<10000x64xf32, #tpu.memory_space<hbm>>
      tpu.wait_indirect_dma semaphore(%arg23 : memref<!tpu.dma_semaphore, #tpu.memory_space<semaphore_mem>>) src(%dma_wait3A_235 : memref<10000x64xf32, #tpu.memory_space<hbm>>) dst(%arg14 : memref<125x64xf32, #tpu.memory_space<vmem>>)
      %dma_start3A_236 = arith.constant 0 : i32
      %dma_start3A_237 = tpu.memref_slice %arg7[%add3A_229, %dma_start3A_236] : memref<80x125xi32, #tpu.memory_space<vmem>> -> memref<1x125xi32, #tpu.memory_space<vmem>>
      %dma_start3A_238 = tpu.memref_squeeze %dma_start3A_237 : memref<1x125xi32, #tpu.memory_space<vmem>> -> memref<125xi32, #tpu.memory_space<vmem>>
      %dma_start3A_239 = arith.constant 0 : i32
      %dma_start3A_240 = arith.constant 0 : i32
      %dma_start3A_241 = tpu.memref_slice %arg16[%dma_start3A_239, %dma_start3A_240] : memref<10240x64xf32, #tpu.memory_space<vmem_shared>> -> memref<10240x64xf32, #tpu.memory_space<vmem_shared>>
      tpu.enqueue_indirect_dma source(%arg14 : memref<125x64xf32, #tpu.memory_space<vmem>>) target(%dma_start3A_241 : memref<10240x64xf32, #tpu.memory_space<vmem_shared>>) offsets(%dma_start3A_238 : memref<125xi32, #tpu.memory_space<vmem>>) semaphore(%arg31 : memref<!tpu.dma_semaphore, #tpu.memory_space<semaphore_mem>>) {add = true}
      %add3A_242 = arith.constant 7 : i32
      %add3A_243 = arith.addi %mul3A_143, %add3A_242 : i32
      %dma_wait3A_244 = arith.constant 0 : i32
      %dma_wait3A_245 = tpu.memref_slice %arg6[%add3A_243, %dma_wait3A_244] : memref<80x125xi32, #tpu.memory_space<vmem>> -> memref<1x125xi32, #tpu.memory_space<vmem>>
      %dma_wait3A_246 = tpu.memref_squeeze %dma_wait3A_245 : memref<1x125xi32, #tpu.memory_space<vmem>> -> memref<125xi32, #tpu.memory_space<vmem>>
      %dma_wait3A_247 = arith.constant 0 : i32
      %dma_wait3A_248 = arith.constant 0 : i32
      %dma_wait3A_249 = tpu.memref_slice %arg2[%dma_wait3A_247, %dma_wait3A_248] : memref<10000x64xf32, #tpu.memory_space<hbm>> -> memref<10000x64xf32, #tpu.memory_space<hbm>>
      tpu.wait_indirect_dma semaphore(%arg24 : memref<!tpu.dma_semaphore, #tpu.memory_space<semaphore_mem>>) src(%dma_wait3A_249 : memref<10000x64xf32, #tpu.memory_space<hbm>>) dst(%arg15 : memref<125x64xf32, #tpu.memory_space<vmem>>)
      %dma_start3A_250 = arith.constant 0 : i32
      %dma_start3A_251 = tpu.memref_slice %arg7[%add3A_243, %dma_start3A_250] : memref<80x125xi32, #tpu.memory_space<vmem>> -> memref<1x125xi32, #tpu.memory_space<vmem>>
      %dma_start3A_252 = tpu.memref_squeeze %dma_start3A_251 : memref<1x125xi32, #tpu.memory_space<vmem>> -> memref<125xi32, #tpu.memory_space<vmem>>
      %dma_start3A_253 = arith.constant 0 : i32
      %dma_start3A_254 = arith.constant 0 : i32
      %dma_start3A_255 = tpu.memref_slice %arg16[%dma_start3A_253, %dma_start3A_254] : memref<10240x64xf32, #tpu.memory_space<vmem_shared>> -> memref<10240x64xf32, #tpu.memory_space<vmem_shared>>
      tpu.enqueue_indirect_dma source(%arg15 : memref<125x64xf32, #tpu.memory_space<vmem>>) target(%dma_start3A_255 : memref<10240x64xf32, #tpu.memory_space<vmem_shared>>) offsets(%dma_start3A_252 : memref<125xi32, #tpu.memory_space<vmem>>) semaphore(%arg32 : memref<!tpu.dma_semaphore, #tpu.memory_space<semaphore_mem>>) {add = true}
      %lt3A = arith.constant 9 : i32
      %lt3A_256 = arith.cmpi slt, %scan3A_140, %lt3A : i32
      %convert_element_type3A = arith.extui %lt3A_256 : i1 to i32
      %cond3A = arith.constant 0 : i32
      %cond3A_257 = arith.cmpi ne, %convert_element_type3A, %cond3A : i32
      scf.if %cond3A_257 {
        %add3A_259 = arith.constant 0 : i32
        %add3A_260 = arith.addi %mul3A_143, %add3A_259 : i32
        %dma_wait3A_261 = arith.constant 0 : i32
        %dma_wait3A_262 = tpu.memref_slice %arg7[%add3A_260, %dma_wait3A_261] : memref<80x125xi32, #tpu.memory_space<vmem>> -> memref<1x125xi32, #tpu.memory_space<vmem>>
        %dma_wait3A_263 = tpu.memref_squeeze %dma_wait3A_262 : memref<1x125xi32, #tpu.memory_space<vmem>> -> memref<125xi32, #tpu.memory_space<vmem>>
        %dma_wait3A_264 = arith.constant 0 : i32
        %dma_wait3A_265 = arith.constant 0 : i32
        %dma_wait3A_266 = tpu.memref_slice %arg16[%dma_wait3A_264, %dma_wait3A_265] : memref<10240x64xf32, #tpu.memory_space<vmem_shared>> -> memref<10240x64xf32, #tpu.memory_space<vmem_shared>>
        tpu.wait_indirect_dma semaphore(%arg25 : memref<!tpu.dma_semaphore, #tpu.memory_space<semaphore_mem>>) src(%arg8 : memref<125x64xf32, #tpu.memory_space<vmem>>) dst(%dma_wait3A_266 : memref<10240x64xf32, #tpu.memory_space<vmem_shared>>)
        %add3A_267 = arith.constant 8 : i32
        %add3A_268 = arith.addi %add3A_260, %add3A_267 : i32
        %dma_start3A_269 = arith.constant 0 : i32
        %dma_start3A_270 = tpu.memref_slice %arg6[%add3A_268, %dma_start3A_269] : memref<80x125xi32, #tpu.memory_space<vmem>> -> memref<1x125xi32, #tpu.memory_space<vmem>>
        %dma_start3A_271 = tpu.memref_squeeze %dma_start3A_270 : memref<1x125xi32, #tpu.memory_space<vmem>> -> memref<125xi32, #tpu.memory_space<vmem>>
        %dma_start3A_272 = arith.constant 0 : i32
        %dma_start3A_273 = arith.constant 0 : i32
        %dma_start3A_274 = tpu.memref_slice %arg2[%dma_start3A_272, %dma_start3A_273] : memref<10000x64xf32, #tpu.memory_space<hbm>> -> memref<10000x64xf32, #tpu.memory_space<hbm>>
        tpu.enqueue_indirect_dma source(%dma_start3A_274 : memref<10000x64xf32, #tpu.memory_space<hbm>>) target(%arg8 : memref<125x64xf32, #tpu.memory_space<vmem>>) offsets(%dma_start3A_271 : memref<125xi32, #tpu.memory_space<vmem>>) semaphore(%arg17 : memref<!tpu.dma_semaphore, #tpu.memory_space<semaphore_mem>>)
        %add3A_275 = arith.constant 1 : i32
        %add3A_276 = arith.addi %mul3A_143, %add3A_275 : i32
        %dma_wait3A_277 = arith.constant 0 : i32
        %dma_wait3A_278 = tpu.memref_slice %arg7[%add3A_276, %dma_wait3A_277] : memref<80x125xi32, #tpu.memory_space<vmem>> -> memref<1x125xi32, #tpu.memory_space<vmem>>
        %dma_wait3A_279 = tpu.memref_squeeze %dma_wait3A_278 : memref<1x125xi32, #tpu.memory_space<vmem>> -> memref<125xi32, #tpu.memory_space<vmem>>
        %dma_wait3A_280 = arith.constant 0 : i32
        %dma_wait3A_281 = arith.constant 0 : i32
        %dma_wait3A_282 = tpu.memref_slice %arg16[%dma_wait3A_280, %dma_wait3A_281] : memref<10240x64xf32, #tpu.memory_space<vmem_shared>> -> memref<10240x64xf32, #tpu.memory_space<vmem_shared>>
        tpu.wait_indirect_dma semaphore(%arg26 : memref<!tpu.dma_semaphore, #tpu.memory_space<semaphore_mem>>) src(%arg9 : memref<125x64xf32, #tpu.memory_space<vmem>>) dst(%dma_wait3A_282 : memref<10240x64xf32, #tpu.memory_space<vmem_shared>>)
        %add3A_283 = arith.constant 8 : i32
        %add3A_284 = arith.addi %add3A_276, %add3A_283 : i32
        %dma_start3A_285 = arith.constant 0 : i32
        %dma_start3A_286 = tpu.memref_slice %arg6[%add3A_284, %dma_start3A_285] : memref<80x125xi32, #tpu.memory_space<vmem>> -> memref<1x125xi32, #tpu.memory_space<vmem>>
        %dma_start3A_287 = tpu.memref_squeeze %dma_start3A_286 : memref<1x125xi32, #tpu.memory_space<vmem>> -> memref<125xi32, #tpu.memory_space<vmem>>
        %dma_start3A_288 = arith.constant 0 : i32
        %dma_start3A_289 = arith.constant 0 : i32
        %dma_start3A_290 = tpu.memref_slice %arg2[%dma_start3A_288, %dma_start3A_289] : memref<10000x64xf32, #tpu.memory_space<hbm>> -> memref<10000x64xf32, #tpu.memory_space<hbm>>
        tpu.enqueue_indirect_dma source(%dma_start3A_290 : memref<10000x64xf32, #tpu.memory_space<hbm>>) target(%arg9 : memref<125x64xf32, #tpu.memory_space<vmem>>) offsets(%dma_start3A_287 : memref<125xi32, #tpu.memory_space<vmem>>) semaphore(%arg18 : memref<!tpu.dma_semaphore, #tpu.memory_space<semaphore_mem>>)
        %add3A_291 = arith.constant 2 : i32
        %add3A_292 = arith.addi %mul3A_143, %add3A_291 : i32
        %dma_wait3A_293 = arith.constant 0 : i32
        %dma_wait3A_294 = tpu.memref_slice %arg7[%add3A_292, %dma_wait3A_293] : memref<80x125xi32, #tpu.memory_space<vmem>> -> memref<1x125xi32, #tpu.memory_space<vmem>>
        %dma_wait3A_295 = tpu.memref_squeeze %dma_wait3A_294 : memref<1x125xi32, #tpu.memory_space<vmem>> -> memref<125xi32, #tpu.memory_space<vmem>>
        %dma_wait3A_296 = arith.constant 0 : i32
        %dma_wait3A_297 = arith.constant 0 : i32
        %dma_wait3A_298 = tpu.memref_slice %arg16[%dma_wait3A_296, %dma_wait3A_297] : memref<10240x64xf32, #tpu.memory_space<vmem_shared>> -> memref<10240x64xf32, #tpu.memory_space<vmem_shared>>
        tpu.wait_indirect_dma semaphore(%arg27 : memref<!tpu.dma_semaphore, #tpu.memory_space<semaphore_mem>>) src(%arg10 : memref<125x64xf32, #tpu.memory_space<vmem>>) dst(%dma_wait3A_298 : memref<10240x64xf32, #tpu.memory_space<vmem_shared>>)
        %add3A_299 = arith.constant 8 : i32
        %add3A_300 = arith.addi %add3A_292, %add3A_299 : i32
        %dma_start3A_301 = arith.constant 0 : i32
        %dma_start3A_302 = tpu.memref_slice %arg6[%add3A_300, %dma_start3A_301] : memref<80x125xi32, #tpu.memory_space<vmem>> -> memref<1x125xi32, #tpu.memory_space<vmem>>
        %dma_start3A_303 = tpu.memref_squeeze %dma_start3A_302 : memref<1x125xi32, #tpu.memory_space<vmem>> -> memref<125xi32, #tpu.memory_space<vmem>>
        %dma_start3A_304 = arith.constant 0 : i32
        %dma_start3A_305 = arith.constant 0 : i32
        %dma_start3A_306 = tpu.memref_slice %arg2[%dma_start3A_304, %dma_start3A_305] : memref<10000x64xf32, #tpu.memory_space<hbm>> -> memref<10000x64xf32, #tpu.memory_space<hbm>>
        tpu.enqueue_indirect_dma source(%dma_start3A_306 : memref<10000x64xf32, #tpu.memory_space<hbm>>) target(%arg10 : memref<125x64xf32, #tpu.memory_space<vmem>>) offsets(%dma_start3A_303 : memref<125xi32, #tpu.memory_space<vmem>>) semaphore(%arg19 : memref<!tpu.dma_semaphore, #tpu.memory_space<semaphore_mem>>)
        %add3A_307 = arith.constant 3 : i32
        %add3A_308 = arith.addi %mul3A_143, %add3A_307 : i32
        %dma_wait3A_309 = arith.constant 0 : i32
        %dma_wait3A_310 = tpu.memref_slice %arg7[%add3A_308, %dma_wait3A_309] : memref<80x125xi32, #tpu.memory_space<vmem>> -> memref<1x125xi32, #tpu.memory_space<vmem>>
        %dma_wait3A_311 = tpu.memref_squeeze %dma_wait3A_310 : memref<1x125xi32, #tpu.memory_space<vmem>> -> memref<125xi32, #tpu.memory_space<vmem>>
        %dma_wait3A_312 = arith.constant 0 : i32
        %dma_wait3A_313 = arith.constant 0 : i32
        %dma_wait3A_314 = tpu.memref_slice %arg16[%dma_wait3A_312, %dma_wait3A_313] : memref<10240x64xf32, #tpu.memory_space<vmem_shared>> -> memref<10240x64xf32, #tpu.memory_space<vmem_shared>>
        tpu.wait_indirect_dma semaphore(%arg28 : memref<!tpu.dma_semaphore, #tpu.memory_space<semaphore_mem>>) src(%arg11 : memref<125x64xf32, #tpu.memory_space<vmem>>) dst(%dma_wait3A_314 : memref<10240x64xf32, #tpu.memory_space<vmem_shared>>)
        %add3A_315 = arith.constant 8 : i32
        %add3A_316 = arith.addi %add3A_308, %add3A_315 : i32
        %dma_start3A_317 = arith.constant 0 : i32
        %dma_start3A_318 = tpu.memref_slice %arg6[%add3A_316, %dma_start3A_317] : memref<80x125xi32, #tpu.memory_space<vmem>> -> memref<1x125xi32, #tpu.memory_space<vmem>>
        %dma_start3A_319 = tpu.memref_squeeze %dma_start3A_318 : memref<1x125xi32, #tpu.memory_space<vmem>> -> memref<125xi32, #tpu.memory_space<vmem>>
        %dma_start3A_320 = arith.constant 0 : i32
        %dma_start3A_321 = arith.constant 0 : i32
        %dma_start3A_322 = tpu.memref_slice %arg2[%dma_start3A_320, %dma_start3A_321] : memref<10000x64xf32, #tpu.memory_space<hbm>> -> memref<10000x64xf32, #tpu.memory_space<hbm>>
        tpu.enqueue_indirect_dma source(%dma_start3A_322 : memref<10000x64xf32, #tpu.memory_space<hbm>>) target(%arg11 : memref<125x64xf32, #tpu.memory_space<vmem>>) offsets(%dma_start3A_319 : memref<125xi32, #tpu.memory_space<vmem>>) semaphore(%arg20 : memref<!tpu.dma_semaphore, #tpu.memory_space<semaphore_mem>>)
        %add3A_323 = arith.constant 4 : i32
        %add3A_324 = arith.addi %mul3A_143, %add3A_323 : i32
        %dma_wait3A_325 = arith.constant 0 : i32
        %dma_wait3A_326 = tpu.memref_slice %arg7[%add3A_324, %dma_wait3A_325] : memref<80x125xi32, #tpu.memory_space<vmem>> -> memref<1x125xi32, #tpu.memory_space<vmem>>
        %dma_wait3A_327 = tpu.memref_squeeze %dma_wait3A_326 : memref<1x125xi32, #tpu.memory_space<vmem>> -> memref<125xi32, #tpu.memory_space<vmem>>
        %dma_wait3A_328 = arith.constant 0 : i32
        %dma_wait3A_329 = arith.constant 0 : i32
        %dma_wait3A_330 = tpu.memref_slice %arg16[%dma_wait3A_328, %dma_wait3A_329] : memref<10240x64xf32, #tpu.memory_space<vmem_shared>> -> memref<10240x64xf32, #tpu.memory_space<vmem_shared>>
        tpu.wait_indirect_dma semaphore(%arg29 : memref<!tpu.dma_semaphore, #tpu.memory_space<semaphore_mem>>) src(%arg12 : memref<125x64xf32, #tpu.memory_space<vmem>>) dst(%dma_wait3A_330 : memref<10240x64xf32, #tpu.memory_space<vmem_shared>>)
        %add3A_331 = arith.constant 8 : i32
        %add3A_332 = arith.addi %add3A_324, %add3A_331 : i32
        %dma_start3A_333 = arith.constant 0 : i32
        %dma_start3A_334 = tpu.memref_slice %arg6[%add3A_332, %dma_start3A_333] : memref<80x125xi32, #tpu.memory_space<vmem>> -> memref<1x125xi32, #tpu.memory_space<vmem>>
        %dma_start3A_335 = tpu.memref_squeeze %dma_start3A_334 : memref<1x125xi32, #tpu.memory_space<vmem>> -> memref<125xi32, #tpu.memory_space<vmem>>
        %dma_start3A_336 = arith.constant 0 : i32
        %dma_start3A_337 = arith.constant 0 : i32
        %dma_start3A_338 = tpu.memref_slice %arg2[%dma_start3A_336, %dma_start3A_337] : memref<10000x64xf32, #tpu.memory_space<hbm>> -> memref<10000x64xf32, #tpu.memory_space<hbm>>
        tpu.enqueue_indirect_dma source(%dma_start3A_338 : memref<10000x64xf32, #tpu.memory_space<hbm>>) target(%arg12 : memref<125x64xf32, #tpu.memory_space<vmem>>) offsets(%dma_start3A_335 : memref<125xi32, #tpu.memory_space<vmem>>) semaphore(%arg21 : memref<!tpu.dma_semaphore, #tpu.memory_space<semaphore_mem>>)
        %add3A_339 = arith.constant 5 : i32
        %add3A_340 = arith.addi %mul3A_143, %add3A_339 : i32
        %dma_wait3A_341 = arith.constant 0 : i32
        %dma_wait3A_342 = tpu.memref_slice %arg7[%add3A_340, %dma_wait3A_341] : memref<80x125xi32, #tpu.memory_space<vmem>> -> memref<1x125xi32, #tpu.memory_space<vmem>>
        %dma_wait3A_343 = tpu.memref_squeeze %dma_wait3A_342 : memref<1x125xi32, #tpu.memory_space<vmem>> -> memref<125xi32, #tpu.memory_space<vmem>>
        %dma_wait3A_344 = arith.constant 0 : i32
        %dma_wait3A_345 = arith.constant 0 : i32
        %dma_wait3A_346 = tpu.memref_slice %arg16[%dma_wait3A_344, %dma_wait3A_345] : memref<10240x64xf32, #tpu.memory_space<vmem_shared>> -> memref<10240x64xf32, #tpu.memory_space<vmem_shared>>
        tpu.wait_indirect_dma semaphore(%arg30 : memref<!tpu.dma_semaphore, #tpu.memory_space<semaphore_mem>>) src(%arg13 : memref<125x64xf32, #tpu.memory_space<vmem>>) dst(%dma_wait3A_346 : memref<10240x64xf32, #tpu.memory_space<vmem_shared>>)
        %add3A_347 = arith.constant 8 : i32
        %add3A_348 = arith.addi %add3A_340, %add3A_347 : i32
        %dma_start3A_349 = arith.constant 0 : i32
        %dma_start3A_350 = tpu.memref_slice %arg6[%add3A_348, %dma_start3A_349] : memref<80x125xi32, #tpu.memory_space<vmem>> -> memref<1x125xi32, #tpu.memory_space<vmem>>
        %dma_start3A_351 = tpu.memref_squeeze %dma_start3A_350 : memref<1x125xi32, #tpu.memory_space<vmem>> -> memref<125xi32, #tpu.memory_space<vmem>>
        %dma_start3A_352 = arith.constant 0 : i32
        %dma_start3A_353 = arith.constant 0 : i32
        %dma_start3A_354 = tpu.memref_slice %arg2[%dma_start3A_352, %dma_start3A_353] : memref<10000x64xf32, #tpu.memory_space<hbm>> -> memref<10000x64xf32, #tpu.memory_space<hbm>>
        tpu.enqueue_indirect_dma source(%dma_start3A_354 : memref<10000x64xf32, #tpu.memory_space<hbm>>) target(%arg13 : memref<125x64xf32, #tpu.memory_space<vmem>>) offsets(%dma_start3A_351 : memref<125xi32, #tpu.memory_space<vmem>>) semaphore(%arg22 : memref<!tpu.dma_semaphore, #tpu.memory_space<semaphore_mem>>)
        %add3A_355 = arith.constant 6 : i32
        %add3A_356 = arith.addi %mul3A_143, %add3A_355 : i32
        %dma_wait3A_357 = arith.constant 0 : i32
        %dma_wait3A_358 = tpu.memref_slice %arg7[%add3A_356, %dma_wait3A_357] : memref<80x125xi32, #tpu.memory_space<vmem>> -> memref<1x125xi32, #tpu.memory_space<vmem>>
        %dma_wait3A_359 = tpu.memref_squeeze %dma_wait3A_358 : memref<1x125xi32, #tpu.memory_space<vmem>> -> memref<125xi32, #tpu.memory_space<vmem>>
        %dma_wait3A_360 = arith.constant 0 : i32
        %dma_wait3A_361 = arith.constant 0 : i32
        %dma_wait3A_362 = tpu.memref_slice %arg16[%dma_wait3A_360, %dma_wait3A_361] : memref<10240x64xf32, #tpu.memory_space<vmem_shared>> -> memref<10240x64xf32, #tpu.memory_space<vmem_shared>>
        tpu.wait_indirect_dma semaphore(%arg31 : memref<!tpu.dma_semaphore, #tpu.memory_space<semaphore_mem>>) src(%arg14 : memref<125x64xf32, #tpu.memory_space<vmem>>) dst(%dma_wait3A_362 : memref<10240x64xf32, #tpu.memory_space<vmem_shared>>)
        %add3A_363 = arith.constant 8 : i32
        %add3A_364 = arith.addi %add3A_356, %add3A_363 : i32
        %dma_start3A_365 = arith.constant 0 : i32
        %dma_start3A_366 = tpu.memref_slice %arg6[%add3A_364, %dma_start3A_365] : memref<80x125xi32, #tpu.memory_space<vmem>> -> memref<1x125xi32, #tpu.memory_space<vmem>>
        %dma_start3A_367 = tpu.memref_squeeze %dma_start3A_366 : memref<1x125xi32, #tpu.memory_space<vmem>> -> memref<125xi32, #tpu.memory_space<vmem>>
        %dma_start3A_368 = arith.constant 0 : i32
        %dma_start3A_369 = arith.constant 0 : i32
        %dma_start3A_370 = tpu.memref_slice %arg2[%dma_start3A_368, %dma_start3A_369] : memref<10000x64xf32, #tpu.memory_space<hbm>> -> memref<10000x64xf32, #tpu.memory_space<hbm>>
        tpu.enqueue_indirect_dma source(%dma_start3A_370 : memref<10000x64xf32, #tpu.memory_space<hbm>>) target(%arg14 : memref<125x64xf32, #tpu.memory_space<vmem>>) offsets(%dma_start3A_367 : memref<125xi32, #tpu.memory_space<vmem>>) semaphore(%arg23 : memref<!tpu.dma_semaphore, #tpu.memory_space<semaphore_mem>>)
        %add3A_371 = arith.constant 7 : i32
        %add3A_372 = arith.addi %mul3A_143, %add3A_371 : i32
        %dma_wait3A_373 = arith.constant 0 : i32
        %dma_wait3A_374 = tpu.memref_slice %arg7[%add3A_372, %dma_wait3A_373] : memref<80x125xi32, #tpu.memory_space<vmem>> -> memref<1x125xi32, #tpu.memory_space<vmem>>
        %dma_wait3A_375 = tpu.memref_squeeze %dma_wait3A_374 : memref<1x125xi32, #tpu.memory_space<vmem>> -> memref<125xi32, #tpu.memory_space<vmem>>
        %dma_wait3A_376 = arith.constant 0 : i32
        %dma_wait3A_377 = arith.constant 0 : i32
        %dma_wait3A_378 = tpu.memref_slice %arg16[%dma_wait3A_376, %dma_wait3A_377] : memref<10240x64xf32, #tpu.memory_space<vmem_shared>> -> memref<10240x64xf32, #tpu.memory_space<vmem_shared>>
        tpu.wait_indirect_dma semaphore(%arg32 : memref<!tpu.dma_semaphore, #tpu.memory_space<semaphore_mem>>) src(%arg15 : memref<125x64xf32, #tpu.memory_space<vmem>>) dst(%dma_wait3A_378 : memref<10240x64xf32, #tpu.memory_space<vmem_shared>>)
        %add3A_379 = arith.constant 8 : i32
        %add3A_380 = arith.addi %add3A_372, %add3A_379 : i32
        %dma_start3A_381 = arith.constant 0 : i32
        %dma_start3A_382 = tpu.memref_slice %arg6[%add3A_380, %dma_start3A_381] : memref<80x125xi32, #tpu.memory_space<vmem>> -> memref<1x125xi32, #tpu.memory_space<vmem>>
        %dma_start3A_383 = tpu.memref_squeeze %dma_start3A_382 : memref<1x125xi32, #tpu.memory_space<vmem>> -> memref<125xi32, #tpu.memory_space<vmem>>
        %dma_start3A_384 = arith.constant 0 : i32
        %dma_start3A_385 = arith.constant 0 : i32
        %dma_start3A_386 = tpu.memref_slice %arg2[%dma_start3A_384, %dma_start3A_385] : memref<10000x64xf32, #tpu.memory_space<hbm>> -> memref<10000x64xf32, #tpu.memory_space<hbm>>
        tpu.enqueue_indirect_dma source(%dma_start3A_386 : memref<10000x64xf32, #tpu.memory_space<hbm>>) target(%arg15 : memref<125x64xf32, #tpu.memory_space<vmem>>) offsets(%dma_start3A_383 : memref<125xi32, #tpu.memory_space<vmem>>) semaphore(%arg24 : memref<!tpu.dma_semaphore, #tpu.memory_space<semaphore_mem>>)
      } else {
      }
      %scan3A_258 = arith.constant 0 : i32
      scf.yield %scan3A_258 : i32
    }
    %scan3A_80 = arith.constant 10 : i32
    %dma_wait3A = arith.constant 72 : i32
    %dma_wait3A_81 = arith.constant 0 : i32
    %dma_wait3A_82 = tpu.memref_slice %arg7[%dma_wait3A, %dma_wait3A_81] : memref<80x125xi32, #tpu.memory_space<vmem>> -> memref<1x125xi32, #tpu.memory_space<vmem>>
    %dma_wait3A_83 = tpu.memref_squeeze %dma_wait3A_82 : memref<1x125xi32, #tpu.memory_space<vmem>> -> memref<125xi32, #tpu.memory_space<vmem>>
    %dma_wait3A_84 = arith.constant 0 : i32
    %dma_wait3A_85 = arith.constant 0 : i32
    %dma_wait3A_86 = tpu.memref_slice %arg16[%dma_wait3A_84, %dma_wait3A_85] : memref<10240x64xf32, #tpu.memory_space<vmem_shared>> -> memref<10240x64xf32, #tpu.memory_space<vmem_shared>>
    tpu.wait_indirect_dma semaphore(%arg25 : memref<!tpu.dma_semaphore, #tpu.memory_space<semaphore_mem>>) src(%arg8 : memref<125x64xf32, #tpu.memory_space<vmem>>) dst(%dma_wait3A_86 : memref<10240x64xf32, #tpu.memory_space<vmem_shared>>)
    %dma_wait3A_87 = arith.constant 73 : i32
    %dma_wait3A_88 = arith.constant 0 : i32
    %dma_wait3A_89 = tpu.memref_slice %arg7[%dma_wait3A_87, %dma_wait3A_88] : memref<80x125xi32, #tpu.memory_space<vmem>> -> memref<1x125xi32, #tpu.memory_space<vmem>>
    %dma_wait3A_90 = tpu.memref_squeeze %dma_wait3A_89 : memref<1x125xi32, #tpu.memory_space<vmem>> -> memref<125xi32, #tpu.memory_space<vmem>>
    %dma_wait3A_91 = arith.constant 0 : i32
    %dma_wait3A_92 = arith.constant 0 : i32
    %dma_wait3A_93 = tpu.memref_slice %arg16[%dma_wait3A_91, %dma_wait3A_92] : memref<10240x64xf32, #tpu.memory_space<vmem_shared>> -> memref<10240x64xf32, #tpu.memory_space<vmem_shared>>
    tpu.wait_indirect_dma semaphore(%arg26 : memref<!tpu.dma_semaphore, #tpu.memory_space<semaphore_mem>>) src(%arg9 : memref<125x64xf32, #tpu.memory_space<vmem>>) dst(%dma_wait3A_93 : memref<10240x64xf32, #tpu.memory_space<vmem_shared>>)
    %dma_wait3A_94 = arith.constant 74 : i32
    %dma_wait3A_95 = arith.constant 0 : i32
    %dma_wait3A_96 = tpu.memref_slice %arg7[%dma_wait3A_94, %dma_wait3A_95] : memref<80x125xi32, #tpu.memory_space<vmem>> -> memref<1x125xi32, #tpu.memory_space<vmem>>
    %dma_wait3A_97 = tpu.memref_squeeze %dma_wait3A_96 : memref<1x125xi32, #tpu.memory_space<vmem>> -> memref<125xi32, #tpu.memory_space<vmem>>
    %dma_wait3A_98 = arith.constant 0 : i32
    %dma_wait3A_99 = arith.constant 0 : i32
    %dma_wait3A_100 = tpu.memref_slice %arg16[%dma_wait3A_98, %dma_wait3A_99] : memref<10240x64xf32, #tpu.memory_space<vmem_shared>> -> memref<10240x64xf32, #tpu.memory_space<vmem_shared>>
    tpu.wait_indirect_dma semaphore(%arg27 : memref<!tpu.dma_semaphore, #tpu.memory_space<semaphore_mem>>) src(%arg10 : memref<125x64xf32, #tpu.memory_space<vmem>>) dst(%dma_wait3A_100 : memref<10240x64xf32, #tpu.memory_space<vmem_shared>>)
    %dma_wait3A_101 = arith.constant 75 : i32
    %dma_wait3A_102 = arith.constant 0 : i32
    %dma_wait3A_103 = tpu.memref_slice %arg7[%dma_wait3A_101, %dma_wait3A_102] : memref<80x125xi32, #tpu.memory_space<vmem>> -> memref<1x125xi32, #tpu.memory_space<vmem>>
    %dma_wait3A_104 = tpu.memref_squeeze %dma_wait3A_103 : memref<1x125xi32, #tpu.memory_space<vmem>> -> memref<125xi32, #tpu.memory_space<vmem>>
    %dma_wait3A_105 = arith.constant 0 : i32
    %dma_wait3A_106 = arith.constant 0 : i32
    %dma_wait3A_107 = tpu.memref_slice %arg16[%dma_wait3A_105, %dma_wait3A_106] : memref<10240x64xf32, #tpu.memory_space<vmem_shared>> -> memref<10240x64xf32, #tpu.memory_space<vmem_shared>>
    tpu.wait_indirect_dma semaphore(%arg28 : memref<!tpu.dma_semaphore, #tpu.memory_space<semaphore_mem>>) src(%arg11 : memref<125x64xf32, #tpu.memory_space<vmem>>) dst(%dma_wait3A_107 : memref<10240x64xf32, #tpu.memory_space<vmem_shared>>)
    %dma_wait3A_108 = arith.constant 76 : i32
    %dma_wait3A_109 = arith.constant 0 : i32
    %dma_wait3A_110 = tpu.memref_slice %arg7[%dma_wait3A_108, %dma_wait3A_109] : memref<80x125xi32, #tpu.memory_space<vmem>> -> memref<1x125xi32, #tpu.memory_space<vmem>>
    %dma_wait3A_111 = tpu.memref_squeeze %dma_wait3A_110 : memref<1x125xi32, #tpu.memory_space<vmem>> -> memref<125xi32, #tpu.memory_space<vmem>>
    %dma_wait3A_112 = arith.constant 0 : i32
    %dma_wait3A_113 = arith.constant 0 : i32
    %dma_wait3A_114 = tpu.memref_slice %arg16[%dma_wait3A_112, %dma_wait3A_113] : memref<10240x64xf32, #tpu.memory_space<vmem_shared>> -> memref<10240x64xf32, #tpu.memory_space<vmem_shared>>
    tpu.wait_indirect_dma semaphore(%arg29 : memref<!tpu.dma_semaphore, #tpu.memory_space<semaphore_mem>>) src(%arg12 : memref<125x64xf32, #tpu.memory_space<vmem>>) dst(%dma_wait3A_114 : memref<10240x64xf32, #tpu.memory_space<vmem_shared>>)
    %dma_wait3A_115 = arith.constant 77 : i32
    %dma_wait3A_116 = arith.constant 0 : i32
    %dma_wait3A_117 = tpu.memref_slice %arg7[%dma_wait3A_115, %dma_wait3A_116] : memref<80x125xi32, #tpu.memory_space<vmem>> -> memref<1x125xi32, #tpu.memory_space<vmem>>
    %dma_wait3A_118 = tpu.memref_squeeze %dma_wait3A_117 : memref<1x125xi32, #tpu.memory_space<vmem>> -> memref<125xi32, #tpu.memory_space<vmem>>
    %dma_wait3A_119 = arith.constant 0 : i32
    %dma_wait3A_120 = arith.constant 0 : i32
    %dma_wait3A_121 = tpu.memref_slice %arg16[%dma_wait3A_119, %dma_wait3A_120] : memref<10240x64xf32, #tpu.memory_space<vmem_shared>> -> memref<10240x64xf32, #tpu.memory_space<vmem_shared>>
    tpu.wait_indirect_dma semaphore(%arg30 : memref<!tpu.dma_semaphore, #tpu.memory_space<semaphore_mem>>) src(%arg13 : memref<125x64xf32, #tpu.memory_space<vmem>>) dst(%dma_wait3A_121 : memref<10240x64xf32, #tpu.memory_space<vmem_shared>>)
    %dma_wait3A_122 = arith.constant 78 : i32
    %dma_wait3A_123 = arith.constant 0 : i32
    %dma_wait3A_124 = tpu.memref_slice %arg7[%dma_wait3A_122, %dma_wait3A_123] : memref<80x125xi32, #tpu.memory_space<vmem>> -> memref<1x125xi32, #tpu.memory_space<vmem>>
    %dma_wait3A_125 = tpu.memref_squeeze %dma_wait3A_124 : memref<1x125xi32, #tpu.memory_space<vmem>> -> memref<125xi32, #tpu.memory_space<vmem>>
    %dma_wait3A_126 = arith.constant 0 : i32
    %dma_wait3A_127 = arith.constant 0 : i32
    %dma_wait3A_128 = tpu.memref_slice %arg16[%dma_wait3A_126, %dma_wait3A_127] : memref<10240x64xf32, #tpu.memory_space<vmem_shared>> -> memref<10240x64xf32, #tpu.memory_space<vmem_shared>>
    tpu.wait_indirect_dma semaphore(%arg31 : memref<!tpu.dma_semaphore, #tpu.memory_space<semaphore_mem>>) src(%arg14 : memref<125x64xf32, #tpu.memory_space<vmem>>) dst(%dma_wait3A_128 : memref<10240x64xf32, #tpu.memory_space<vmem_shared>>)
    %dma_wait3A_129 = arith.constant 79 : i32
    %dma_wait3A_130 = arith.constant 0 : i32
    %dma_wait3A_131 = tpu.memref_slice %arg7[%dma_wait3A_129, %dma_wait3A_130] : memref<80x125xi32, #tpu.memory_space<vmem>> -> memref<1x125xi32, #tpu.memory_space<vmem>>
    %dma_wait3A_132 = tpu.memref_squeeze %dma_wait3A_131 : memref<1x125xi32, #tpu.memory_space<vmem>> -> memref<125xi32, #tpu.memory_space<vmem>>
    %dma_wait3A_133 = arith.constant 0 : i32
    %dma_wait3A_134 = arith.constant 0 : i32
    %dma_wait3A_135 = tpu.memref_slice %arg16[%dma_wait3A_133, %dma_wait3A_134] : memref<10240x64xf32, #tpu.memory_space<vmem_shared>> -> memref<10240x64xf32, #tpu.memory_space<vmem_shared>>
    tpu.wait_indirect_dma semaphore(%arg32 : memref<!tpu.dma_semaphore, #tpu.memory_space<semaphore_mem>>) src(%arg15 : memref<125x64xf32, #tpu.memory_space<vmem>>) dst(%dma_wait3A_135 : memref<10240x64xf32, #tpu.memory_space<vmem_shared>>)
    %barrier3A_136 = arith.constant 0 : index
    tpu.barrier barrier_id(%barrier3A_136)
    %mul3A_137 = arith.constant 10000 : i32
    %mul3A_138 = arith.muli %arg0, %mul3A_137 : i32
    %add3A_139 = arith.addi %mul3A_138, %mul3A_2 : i32
    "tpu.region"() ({
      %run_scoped3A = tpu.sem_alloc : memref<!tpu.dma_semaphore, #tpu.memory_space<semaphore_mem>>
      %dma_start3A_140 = arith.constant 0 : i32
      %dma_start3A_141 = tpu.memref_slice %arg5[%add3A_139, %dma_start3A_140] : memref<20000x64xf32, #tpu.memory_space<hbm>> -> memref<625x64xf32, #tpu.memory_space<hbm>>
      %dma_start3A_142 = arith.constant 0 : i32
      %dma_start3A_143 = tpu.memref_slice %arg16[%mul3A_2, %dma_start3A_142] : memref<10240x64xf32, #tpu.memory_space<vmem_shared>> -> memref<625x64xf32, #tpu.memory_space<vmem_shared>>
      tpu.enqueue_dma source(%dma_start3A_143 : memref<625x64xf32, #tpu.memory_space<vmem_shared>>) target(%dma_start3A_141 : memref<625x64xf32, #tpu.memory_space<hbm>>) target_semaphore(%run_scoped3A : memref<!tpu.dma_semaphore, #tpu.memory_space<semaphore_mem>>)
      %dma_wait3A_144 = arith.constant 0 : i32
      %dma_wait3A_145 = tpu.memref_slice %arg5[%add3A_139, %dma_wait3A_144] : memref<20000x64xf32, #tpu.memory_space<hbm>> -> memref<625x64xf32, #tpu.memory_space<hbm>>
      %dma_wait3A_146 = arith.constant 0 : i32
      %dma_wait3A_147 = tpu.memref_slice %arg16[%mul3A_2, %dma_wait3A_146] : memref<10240x64xf32, #tpu.memory_space<vmem_shared>> -> memref<625x64xf32, #tpu.memory_space<vmem_shared>>
      tpu.wait_dma2 semaphore(%run_scoped3A : memref<!tpu.dma_semaphore, #tpu.memory_space<semaphore_mem>>) src(%dma_wait3A_147 : memref<625x64xf32, #tpu.memory_space<vmem_shared>>) dst(%dma_wait3A_145 : memref<625x64xf32, #tpu.memory_space<hbm>>)
      tpu.yield
    }) : () -> ()
    return
  }
}

#map = affine_map<(d0, d1) -> (0, 0, 0)>
#map1 = affine_map<(d0, d1) -> (0)>
module attributes {stable_mosaic.version = 14 : i64} {
  func.func @_sc_degree_body(%arg0: i32, %arg1: i32, %arg2: memref<32x80x125xi32, #tpu.memory_space<hbm>>, %arg3: memref<20480xf32, #tpu.memory_space<hbm>>, %arg4: memref<80x125xi32, #tpu.memory_space<vmem>>, %arg5: memref<640xf32, #tpu.memory_space<vmem>>, %arg6: memref<128xf32, #tpu.memory_space<vmem>>, %arg7: memref<10240xf32, #tpu.memory_space<vmem_shared>>) attributes {dimension_semantics = [#tpu.dimension_semantics<core_parallel>, #tpu.dimension_semantics<subcore_parallel>], iteration_bounds = array<i64: 2, 16>, scalar_prefetch = 0 : i64, scratch_operands = 4 : i64, tpu.core_type = #tpu.core_type<sc_vector_subcore>, window_params = [{transform_indices = #map}, {transform_indices = #map1}]} {
    %mul3A = arith.constant 16 : i32
    %mul3A_0 = arith.muli %arg0, %mul3A : i32
    %add3A = arith.addi %mul3A_0, %arg1 : i32
    %mul3A_1 = arith.constant 640 : i32
    %mul3A_2 = arith.muli %arg1, %mul3A_1 : i32
    %scan3A = arith.constant 0 : i32
    %scan3A_3 = arith.constant 0 : i32
    %scan3A_4 = arith.constant 40 : i32
    %scan3A_5 = arith.addi %scan3A_3, %scan3A_4 : i32
    %scan3A_6 = arith.constant 1 : i32
    %scan3A_7 = scf.for %scan3A_27 = %scan3A_3 to %scan3A_5 step %scan3A_6 iter_args(%scan3A_28 = %scan3A) -> (i32)  : i32 {
      %broadcast_in_dim3A = arith.constant 0.000000e+00 : f32
      %broadcast_in_dim3A_29 = vector.broadcast %broadcast_in_dim3A : f32 to vector<16xf32>
      %mul3A_30 = arith.constant 16 : i32
      %mul3A_31 = arith.muli %scan3A_27, %mul3A_30 : i32
      %swap3A = arith.index_cast %mul3A_31 : i32 to index
      %swap3A_32 = tpu.vector_load %arg5[%swap3A] {strides = array<i32>} : memref<640xf32, #tpu.memory_space<vmem>>, vector<16xf32>,
      %swap3A_33 = vector.shape_cast %swap3A_32 : vector<16xf32> to vector<16xf32>
      %swap3A_34 = vector.shape_cast %broadcast_in_dim3A_29 : vector<16xf32> to vector<16xf32>
      tpu.vector_store %arg5[%swap3A], %swap3A_34 {strides = array<i32>} : memref<640xf32, #tpu.memory_space<vmem>>, vector<16xf32>,
      %scan3A_35 = arith.constant 0 : i32
      scf.yield %scan3A_35 : i32
    }
    %scan3A_8 = arith.constant 40 : i32
    %scan3A_9 = arith.constant 0 : i32
    %scan3A_10 = arith.constant 0 : i32
    %scan3A_11 = arith.constant 8 : i32
    %scan3A_12 = arith.addi %scan3A_10, %scan3A_11 : i32
    %scan3A_13 = arith.constant 1 : i32
    %scan3A_14 = scf.for %scan3A_27 = %scan3A_10 to %scan3A_12 step %scan3A_13 iter_args(%scan3A_28 = %scan3A_9) -> (i32)  : i32 {
      %broadcast_in_dim3A = arith.constant 1.000000e+00 : f32
      %broadcast_in_dim3A_29 = vector.broadcast %broadcast_in_dim3A : f32 to vector<16xf32>
      %mul3A_30 = arith.constant 16 : i32
      %mul3A_31 = arith.muli %scan3A_27, %mul3A_30 : i32
      %swap3A = arith.index_cast %mul3A_31 : i32 to index
      %swap3A_32 = tpu.vector_load %arg6[%swap3A] {strides = array<i32>} : memref<128xf32, #tpu.memory_space<vmem>>, vector<16xf32>,
      %swap3A_33 = vector.shape_cast %swap3A_32 : vector<16xf32> to vector<16xf32>
      %swap3A_34 = vector.shape_cast %broadcast_in_dim3A_29 : vector<16xf32> to vector<16xf32>
      tpu.vector_store %arg6[%swap3A], %swap3A_34 {strides = array<i32>} : memref<128xf32, #tpu.memory_space<vmem>>, vector<16xf32>,
      %scan3A_35 = arith.constant 0 : i32
      scf.yield %scan3A_35 : i32
    }
    %scan3A_15 = arith.constant 8 : i32
    "tpu.region"() ({
      %run_scoped3A = tpu.sem_alloc : memref<!tpu.dma_semaphore, #tpu.memory_space<semaphore_mem>>
      %dma_start3A = arith.constant 0 : i32
      %dma_start3A_27 = arith.constant 0 : i32
      %dma_start3A_28 = tpu.memref_slice %arg2[%add3A, %dma_start3A, %dma_start3A_27] : memref<32x80x125xi32, #tpu.memory_space<hbm>> -> memref<1x80x125xi32, #tpu.memory_space<hbm>>
      %dma_start3A_29 = tpu.memref_squeeze %dma_start3A_28 : memref<1x80x125xi32, #tpu.memory_space<hbm>> -> memref<80x125xi32, #tpu.memory_space<hbm>>
      %dma_start3A_30 = arith.constant 0 : i32
      %dma_start3A_31 = arith.constant 0 : i32
      %dma_start3A_32 = tpu.memref_slice %arg2[%add3A, %dma_start3A_30, %dma_start3A_31] : memref<32x80x125xi32, #tpu.memory_space<hbm>> -> memref<1x80x125xi32, #tpu.memory_space<hbm>>
      %dma_start3A_33 = tpu.memref_squeeze %dma_start3A_32 : memref<1x80x125xi32, #tpu.memory_space<hbm>> -> memref<80x125xi32, #tpu.memory_space<hbm>>
      tpu.enqueue_dma source(%dma_start3A_33 : memref<80x125xi32, #tpu.memory_space<hbm>>) target(%arg4 : memref<80x125xi32, #tpu.memory_space<vmem>>) target_semaphore(%run_scoped3A : memref<!tpu.dma_semaphore, #tpu.memory_space<semaphore_mem>>)
      %dma_wait3A = arith.constant 0 : i32
      %dma_wait3A_34 = arith.constant 0 : i32
      %dma_wait3A_35 = tpu.memref_slice %arg2[%add3A, %dma_wait3A, %dma_wait3A_34] : memref<32x80x125xi32, #tpu.memory_space<hbm>> -> memref<1x80x125xi32, #tpu.memory_space<hbm>>
      %dma_wait3A_36 = tpu.memref_squeeze %dma_wait3A_35 : memref<1x80x125xi32, #tpu.memory_space<hbm>> -> memref<80x125xi32, #tpu.memory_space<hbm>>
      %dma_wait3A_37 = arith.constant 0 : i32
      %dma_wait3A_38 = arith.constant 0 : i32
      %dma_wait3A_39 = tpu.memref_slice %arg2[%add3A, %dma_wait3A_37, %dma_wait3A_38] : memref<32x80x125xi32, #tpu.memory_space<hbm>> -> memref<1x80x125xi32, #tpu.memory_space<hbm>>
      %dma_wait3A_40 = tpu.memref_squeeze %dma_wait3A_39 : memref<1x80x125xi32, #tpu.memory_space<hbm>> -> memref<80x125xi32, #tpu.memory_space<hbm>>
      tpu.wait_dma2 semaphore(%run_scoped3A : memref<!tpu.dma_semaphore, #tpu.memory_space<semaphore_mem>>) src(%dma_wait3A_40 : memref<80x125xi32, #tpu.memory_space<hbm>>) dst(%arg4 : memref<80x125xi32, #tpu.memory_space<vmem>>)
      tpu.yield
    }) : () -> ()
    "tpu.region"() ({
      %run_scoped3A = tpu.sem_alloc : memref<!tpu.dma_semaphore, #tpu.memory_space<semaphore_mem>>
      %dma_start3A = tpu.memref_slice %arg7[%mul3A_2] : memref<10240xf32, #tpu.memory_space<vmem_shared>> -> memref<640xf32, #tpu.memory_space<vmem_shared>>
      %dma_start3A_27 = tpu.memref_slice %arg7[%mul3A_2] : memref<10240xf32, #tpu.memory_space<vmem_shared>> -> memref<640xf32, #tpu.memory_space<vmem_shared>>
      tpu.enqueue_dma source(%arg5 : memref<640xf32, #tpu.memory_space<vmem>>) target(%dma_start3A_27 : memref<640xf32, #tpu.memory_space<vmem_shared>>) target_semaphore(%run_scoped3A : memref<!tpu.dma_semaphore, #tpu.memory_space<semaphore_mem>>)
      %dma_wait3A = tpu.memref_slice %arg7[%mul3A_2] : memref<10240xf32, #tpu.memory_space<vmem_shared>> -> memref<640xf32, #tpu.memory_space<vmem_shared>>
      %dma_wait3A_28 = tpu.memref_slice %arg7[%mul3A_2] : memref<10240xf32, #tpu.memory_space<vmem_shared>> -> memref<640xf32, #tpu.memory_space<vmem_shared>>
      tpu.wait_dma2 semaphore(%run_scoped3A : memref<!tpu.dma_semaphore, #tpu.memory_space<semaphore_mem>>) src(%arg5 : memref<640xf32, #tpu.memory_space<vmem>>) dst(%dma_wait3A_28 : memref<640xf32, #tpu.memory_space<vmem_shared>>)
      tpu.yield
    }) : () -> ()
    %barrier3A = arith.constant 0 : index
    tpu.barrier barrier_id(%barrier3A)
    %scan3A_16 = arith.constant 0 : i32
    %scan3A_17 = arith.constant 0 : i32
    %scan3A_18 = arith.constant 80 : i32
    %scan3A_19 = arith.addi %scan3A_17, %scan3A_18 : i32
    %scan3A_20 = arith.constant 1 : i32
    %scan3A_21 = scf.for %scan3A_27 = %scan3A_17 to %scan3A_19 step %scan3A_20 iter_args(%scan3A_28 = %scan3A_16) -> (i32)  : i32 {
      "tpu.region"() ({
        %run_scoped3A = tpu.sem_alloc : memref<!tpu.dma_semaphore, #tpu.memory_space<semaphore_mem>>
        %dma_start3A = arith.constant 0 : i32
        %dma_start3A_30 = tpu.memref_slice %arg6[%dma_start3A] : memref<128xf32, #tpu.memory_space<vmem>> -> memref<125xf32, #tpu.memory_space<vmem>>
        %dma_start3A_31 = arith.constant 0 : i32
        %dma_start3A_32 = tpu.memref_slice %arg4[%scan3A_27, %dma_start3A_31] : memref<80x125xi32, #tpu.memory_space<vmem>> -> memref<1x125xi32, #tpu.memory_space<vmem>>
        %dma_start3A_33 = tpu.memref_squeeze %dma_start3A_32 : memref<1x125xi32, #tpu.memory_space<vmem>> -> memref<125xi32, #tpu.memory_space<vmem>>
        %dma_start3A_34 = arith.constant 0 : i32
        %dma_start3A_35 = tpu.memref_slice %arg7[%dma_start3A_34] : memref<10240xf32, #tpu.memory_space<vmem_shared>> -> memref<10240xf32, #tpu.memory_space<vmem_shared>>
        tpu.enqueue_indirect_dma source(%dma_start3A_30 : memref<125xf32, #tpu.memory_space<vmem>>) target(%dma_start3A_35 : memref<10240xf32, #tpu.memory_space<vmem_shared>>) offsets(%dma_start3A_33 : memref<125xi32, #tpu.memory_space<vmem>>) semaphore(%run_scoped3A : memref<!tpu.dma_semaphore, #tpu.memory_space<semaphore_mem>>) {add = true}
        %dma_wait3A = arith.constant 0 : i32
        %dma_wait3A_36 = tpu.memref_slice %arg6[%dma_wait3A] : memref<128xf32, #tpu.memory_space<vmem>> -> memref<125xf32, #tpu.memory_space<vmem>>
        %dma_wait3A_37 = arith.constant 0 : i32
        %dma_wait3A_38 = tpu.memref_slice %arg4[%scan3A_27, %dma_wait3A_37] : memref<80x125xi32, #tpu.memory_space<vmem>> -> memref<1x125xi32, #tpu.memory_space<vmem>>
        %dma_wait3A_39 = tpu.memref_squeeze %dma_wait3A_38 : memref<1x125xi32, #tpu.memory_space<vmem>> -> memref<125xi32, #tpu.memory_space<vmem>>
        %dma_wait3A_40 = arith.constant 0 : i32
        %dma_wait3A_41 = tpu.memref_slice %arg7[%dma_wait3A_40] : memref<10240xf32, #tpu.memory_space<vmem_shared>> -> memref<10240xf32, #tpu.memory_space<vmem_shared>>
        tpu.wait_indirect_dma semaphore(%run_scoped3A : memref<!tpu.dma_semaphore, #tpu.memory_space<semaphore_mem>>) src(%dma_wait3A_36 : memref<125xf32, #tpu.memory_space<vmem>>) dst(%dma_wait3A_41 : memref<10240xf32, #tpu.memory_space<vmem_shared>>)
        tpu.yield
      }) : () -> ()
      %scan3A_29 = arith.constant 0 : i32
      scf.yield %scan3A_29 : i32
    }
    %scan3A_22 = arith.constant 80 : i32
    %barrier3A_23 = arith.constant 0 : index
    tpu.barrier barrier_id(%barrier3A_23)
    %mul3A_24 = arith.constant 10240 : i32
    %mul3A_25 = arith.muli %arg0, %mul3A_24 : i32
    %add3A_26 = arith.addi %mul3A_25, %mul3A_2 : i32
    "tpu.region"() ({
      %run_scoped3A = tpu.sem_alloc : memref<!tpu.dma_semaphore, #tpu.memory_space<semaphore_mem>>
      %dma_start3A = tpu.memref_slice %arg3[%add3A_26] : memref<20480xf32, #tpu.memory_space<hbm>> -> memref<640xf32, #tpu.memory_space<hbm>>
      %dma_start3A_27 = tpu.memref_slice %arg7[%mul3A_2] : memref<10240xf32, #tpu.memory_space<vmem_shared>> -> memref<640xf32, #tpu.memory_space<vmem_shared>>
      tpu.enqueue_dma source(%dma_start3A_27 : memref<640xf32, #tpu.memory_space<vmem_shared>>) target(%dma_start3A : memref<640xf32, #tpu.memory_space<hbm>>) target_semaphore(%run_scoped3A : memref<!tpu.dma_semaphore, #tpu.memory_space<semaphore_mem>>)
      %dma_wait3A = tpu.memref_slice %arg3[%add3A_26] : memref<20480xf32, #tpu.memory_space<hbm>> -> memref<640xf32, #tpu.memory_space<hbm>>
      %dma_wait3A_28 = tpu.memref_slice %arg7[%mul3A_2] : memref<10240xf32, #tpu.memory_space<vmem_shared>> -> memref<640xf32, #tpu.memory_space<vmem_shared>>
      tpu.wait_dma2 semaphore(%run_scoped3A : memref<!tpu.dma_semaphore, #tpu.memory_space<semaphore_mem>>) src(%dma_wait3A_28 : memref<640xf32, #tpu.memory_space<vmem_shared>>) dst(%dma_wait3A : memref<640xf32, #tpu.memory_space<hbm>>)
      tpu.yield
    }) : () -> ()
    return
  }
}

#map = affine_map<(d0, d1) -> (0, 0)>
#map1 = affine_map<(d0, d1) -> (0, 0, 0)>
module attributes {stable_mosaic.version = 14 : i64} {
  func.func @_sc_aggregate_body(%arg0: i32, %arg1: i32, %arg2: memref<10000x64xf32, #tpu.memory_space<hbm>>, %arg3: memref<32x80x125xi32, #tpu.memory_space<hbm>>, %arg4: memref<32x80x125xi32, #tpu.memory_space<hbm>>, %arg5: memref<20000x64xf32, #tpu.memory_space<hbm>>, %arg6: memref<80x125xi32, #tpu.memory_space<vmem>>, %arg7: memref<80x125xi32, #tpu.memory_space<vmem>>, %arg8: memref<125x64xf32, #tpu.memory_space<vmem>>, %arg9: memref<125x64xf32, #tpu.memory_space<vmem>>, %arg10: memref<125x64xf32, #tpu.memory_space<vmem>>, %arg11: memref<125x64xf32, #tpu.memory_space<vmem>>, %arg12: memref<125x64xf32, #tpu.memory_space<vmem>>, %arg13: memref<125x64xf32, #tpu.memory_space<vmem>>, %arg14: memref<125x64xf32, #tpu.memory_space<vmem>>, %arg15: memref<125x64xf32, #tpu.memory_space<vmem>>, %arg16: memref<10240x64xf32, #tpu.memory_space<vmem_shared>>, %arg17: memref<!tpu.dma_semaphore, #tpu.memory_space<semaphore_mem>>, %arg18: memref<!tpu.dma_semaphore, #tpu.memory_space<semaphore_mem>>, %arg19: memref<!tpu.dma_semaphore, #tpu.memory_space<semaphore_mem>>, %arg20: memref<!tpu.dma_semaphore, #tpu.memory_space<semaphore_mem>>, %arg21: memref<!tpu.dma_semaphore, #tpu.memory_space<semaphore_mem>>, %arg22: memref<!tpu.dma_semaphore, #tpu.memory_space<semaphore_mem>>, %arg23: memref<!tpu.dma_semaphore, #tpu.memory_space<semaphore_mem>>, %arg24: memref<!tpu.dma_semaphore, #tpu.memory_space<semaphore_mem>>, %arg25: memref<!tpu.dma_semaphore, #tpu.memory_space<semaphore_mem>>, %arg26: memref<!tpu.dma_semaphore, #tpu.memory_space<semaphore_mem>>, %arg27: memref<!tpu.dma_semaphore, #tpu.memory_space<semaphore_mem>>, %arg28: memref<!tpu.dma_semaphore, #tpu.memory_space<semaphore_mem>>, %arg29: memref<!tpu.dma_semaphore, #tpu.memory_space<semaphore_mem>>, %arg30: memref<!tpu.dma_semaphore, #tpu.memory_space<semaphore_mem>>, %arg31: memref<!tpu.dma_semaphore, #tpu.memory_space<semaphore_mem>>, %arg32: memref<!tpu.dma_semaphore, #tpu.memory_space<semaphore_mem>>) attributes {dimension_semantics = [#tpu.dimension_semantics<core_parallel>, #tpu.dimension_semantics<subcore_parallel>], iteration_bounds = array<i64: 2, 16>, scalar_prefetch = 0 : i64, scratch_operands = 27 : i64, tpu.core_type = #tpu.core_type<sc_vector_subcore>, window_params = [{transform_indices = #map}, {transform_indices = #map1}, {transform_indices = #map1}, {transform_indices = #map}]} {
    %mul3A = arith.constant 16 : i32
    %mul3A_0 = arith.muli %arg0, %mul3A : i32
    %add3A = arith.addi %mul3A_0, %arg1 : i32
    %mul3A_1 = arith.constant 625 : i32
    %mul3A_2 = arith.muli %arg1, %mul3A_1 : i32
    %scan3A = arith.constant 0 : i32
    %scan3A_3 = arith.constant 0 : i32
    %scan3A_4 = arith.constant 500 : i32
    %scan3A_5 = arith.addi %scan3A_3, %scan3A_4 : i32
    %scan3A_6 = arith.constant 1 : i32
    %scan3A_7 = scf.for %scan3A_140 = %scan3A_3 to %scan3A_5 step %scan3A_6 iter_args(%scan3A_141 = %scan3A) -> (i32)  : i32 {
      %broadcast_in_dim3A = arith.constant 0.000000e+00 : f32
      %broadcast_in_dim3A_142 = vector.broadcast %broadcast_in_dim3A : f32 to vector<16xf32>
      %jit3A = arith.constant 4 : i32
      %div3A = arith.divsi %scan3A_140, %jit3A : i32
      %sign3A = arith.constant 0 : i32
      %sign3A_143 = arith.cmpi sgt, %scan3A_140, %sign3A : i32
      %sign3A_144 = arith.extui %sign3A_143 : i1 to i32
      %sign3A_145 = arith.constant 0 : i32
      %sign3A_146 = arith.cmpi slt, %scan3A_140, %sign3A_145 : i32
      %sign3A_147 = arith.extui %sign3A_146 : i1 to i32
      %sign3A_148 = arith.subi %sign3A_144, %sign3A_147 : i32
      %sign3A_149 = arith.constant 0 : i32
      %sign3A_150 = arith.cmpi sgt, %jit3A, %sign3A_149 : i32
      %sign3A_151 = arith.extui %sign3A_150 : i1 to i32
      %sign3A_152 = arith.constant 0 : i32
      %sign3A_153 = arith.cmpi slt, %jit3A, %sign3A_152 : i32
      %sign3A_154 = arith.extui %sign3A_153 : i1 to i32
      %sign3A_155 = arith.subi %sign3A_151, %sign3A_154 : i32
      %ne3A = arith.cmpi ne, %sign3A_148, %sign3A_155 : i32
      %rem3A = arith.remsi %scan3A_140, %jit3A : i32
      %ne3A_156 = arith.constant 0 : i32
      %ne3A_157 = arith.cmpi ne, %rem3A, %ne3A_156 : i32
      %and3A = arith.andi %ne3A, %ne3A_157 : i1
      %sub3A = arith.constant 1 : i32
      %sub3A_158 = arith.subi %div3A, %sub3A : i32
      %select_n3A = arith.select %and3A, %sub3A_158, %div3A : i32
      %jit3A_159 = arith.constant 4 : i32
      %eq3A = arith.constant 0 : i32
      %eq3A_160 = arith.cmpi eq, %jit3A_159, %eq3A : i32
      %jit3A_161 = arith.constant 1 : i32
      %select_n3A_162 = arith.select %eq3A_160, %jit3A_161, %jit3A_159 : i32
      %rem3A_163 = arith.remsi %scan3A_140, %select_n3A_162 : i32
      %ne3A_164 = arith.constant 0 : i32
      %ne3A_165 = arith.cmpi ne, %rem3A_163, %ne3A_164 : i32
      %lt3A = arith.constant 0 : i32
      %lt3A_166 = arith.cmpi slt, %rem3A_163, %lt3A : i32
      %lt3A_167 = arith.constant 0 : i32
      %lt3A_168 = arith.cmpi slt, %select_n3A_162, %lt3A_167 : i32
      %ne3A_169 = arith.xori %lt3A_166, %lt3A_168 : i1
      %and3A_170 = arith.andi %ne3A_169, %ne3A_165 : i1
      %add3A_171 = arith.addi %rem3A_163, %select_n3A_162 : i32
      %select_n3A_172 = arith.select %and3A_170, %add3A_171, %rem3A_163 : i32
      %mul3A_173 = arith.constant 16 : i32
      %mul3A_174 = arith.muli %select_n3A_172, %mul3A_173 : i32
      %swap3A = arith.index_cast %select_n3A : i32 to index
      %swap3A_175 = arith.index_cast %mul3A_174 : i32 to index
      %swap3A_176 = tpu.vector_load %arg8[%swap3A, %swap3A_175] {strides = array<i32>} : memref<125x64xf32, #tpu.memory_space<vmem>>, vector<1x16xf32>,
      %swap3A_177 = vector.shape_cast %swap3A_176 : vector<1x16xf32> to vector<16xf32>
      %swap3A_178 = vector.shape_cast %broadcast_in_dim3A_142 : vector<16xf32> to vector<1x16xf32>
      tpu.vector_store %arg8[%swap3A, %swap3A_175], %swap3A_178 {strides = array<i32>} : memref<125x64xf32, #tpu.memory_space<vmem>>, vector<1x16xf32>,
      %scan3A_179 = arith.constant 0 : i32
      scf.yield %scan3A_179 : i32
    }
    %scan3A_8 = arith.constant 500 : i32
    %add3A_9 = arith.constant 0 : i32
    %add3A_10 = arith.addi %mul3A_2, %add3A_9 : i32
    "tpu.region"() ({
      %run_scoped3A = tpu.sem_alloc : memref<!tpu.dma_semaphore, #tpu.memory_space<semaphore_mem>>
      %dma_start3A_140 = arith.constant 0 : i32
      %dma_start3A_141 = tpu.memref_slice %arg16[%add3A_10, %dma_start3A_140] : memref<10240x64xf32, #tpu.memory_space<vmem_shared>> -> memref<125x64xf32, #tpu.memory_space<vmem_shared>>
      %dma_start3A_142 = arith.constant 0 : i32
      %dma_start3A_143 = tpu.memref_slice %arg16[%add3A_10, %dma_start3A_142] : memref<10240x64xf32, #tpu.memory_space<vmem_shared>> -> memref<125x64xf32, #tpu.memory_space<vmem_shared>>
      tpu.enqueue_dma source(%arg8 : memref<125x64xf32, #tpu.memory_space<vmem>>) target(%dma_start3A_143 : memref<125x64xf32, #tpu.memory_space<vmem_shared>>) target_semaphore(%run_scoped3A : memref<!tpu.dma_semaphore, #tpu.memory_space<semaphore_mem>>)
      %dma_wait3A_144 = arith.constant 0 : i32
      %dma_wait3A_145 = tpu.memref_slice %arg16[%add3A_10, %dma_wait3A_144] : memref<10240x64xf32, #tpu.memory_space<vmem_shared>> -> memref<125x64xf32, #tpu.memory_space<vmem_shared>>
      %dma_wait3A_146 = arith.constant 0 : i32
      %dma_wait3A_147 = tpu.memref_slice %arg16[%add3A_10, %dma_wait3A_146] : memref<10240x64xf32, #tpu.memory_space<vmem_shared>> -> memref<125x64xf32, #tpu.memory_space<vmem_shared>>
      tpu.wait_dma2 semaphore(%run_scoped3A : memref<!tpu.dma_semaphore, #tpu.memory_space<semaphore_mem>>) src(%arg8 : memref<125x64xf32, #tpu.memory_space<vmem>>) dst(%dma_wait3A_147 : memref<125x64xf32, #tpu.memory_space<vmem_shared>>)
      tpu.yield
    }) : () -> ()
    %add3A_11 = arith.constant 125 : i32
    %add3A_12 = arith.addi %mul3A_2, %add3A_11 : i32
    "tpu.region"() ({
      %run_scoped3A = tpu.sem_alloc : memref<!tpu.dma_semaphore, #tpu.memory_space<semaphore_mem>>
      %dma_start3A_140 = arith.constant 0 : i32
      %dma_start3A_141 = tpu.memref_slice %arg16[%add3A_12, %dma_start3A_140] : memref<10240x64xf32, #tpu.memory_space<vmem_shared>> -> memref<125x64xf32, #tpu.memory_space<vmem_shared>>
      %dma_start3A_142 = arith.constant 0 : i32
      %dma_start3A_143 = tpu.memref_slice %arg16[%add3A_12, %dma_start3A_142] : memref<10240x64xf32, #tpu.memory_space<vmem_shared>> -> memref<125x64xf32, #tpu.memory_space<vmem_shared>>
      tpu.enqueue_dma source(%arg8 : memref<125x64xf32, #tpu.memory_space<vmem>>) target(%dma_start3A_143 : memref<125x64xf32, #tpu.memory_space<vmem_shared>>) target_semaphore(%run_scoped3A : memref<!tpu.dma_semaphore, #tpu.memory_space<semaphore_mem>>)
      %dma_wait3A_144 = arith.constant 0 : i32
      %dma_wait3A_145 = tpu.memref_slice %arg16[%add3A_12, %dma_wait3A_144] : memref<10240x64xf32, #tpu.memory_space<vmem_shared>> -> memref<125x64xf32, #tpu.memory_space<vmem_shared>>
      %dma_wait3A_146 = arith.constant 0 : i32
      %dma_wait3A_147 = tpu.memref_slice %arg16[%add3A_12, %dma_wait3A_146] : memref<10240x64xf32, #tpu.memory_space<vmem_shared>> -> memref<125x64xf32, #tpu.memory_space<vmem_shared>>
      tpu.wait_dma2 semaphore(%run_scoped3A : memref<!tpu.dma_semaphore, #tpu.memory_space<semaphore_mem>>) src(%arg8 : memref<125x64xf32, #tpu.memory_space<vmem>>) dst(%dma_wait3A_147 : memref<125x64xf32, #tpu.memory_space<vmem_shared>>)
      tpu.yield
    }) : () -> ()
    %add3A_13 = arith.constant 250 : i32
    %add3A_14 = arith.addi %mul3A_2, %add3A_13 : i32
    "tpu.region"() ({
      %run_scoped3A = tpu.sem_alloc : memref<!tpu.dma_semaphore, #tpu.memory_space<semaphore_mem>>
      %dma_start3A_140 = arith.constant 0 : i32
      %dma_start3A_141 = tpu.memref_slice %arg16[%add3A_14, %dma_start3A_140] : memref<10240x64xf32, #tpu.memory_space<vmem_shared>> -> memref<125x64xf32, #tpu.memory_space<vmem_shared>>
      %dma_start3A_142 = arith.constant 0 : i32
      %dma_start3A_143 = tpu.memref_slice %arg16[%add3A_14, %dma_start3A_142] : memref<10240x64xf32, #tpu.memory_space<vmem_shared>> -> memref<125x64xf32, #tpu.memory_space<vmem_shared>>
      tpu.enqueue_dma source(%arg8 : memref<125x64xf32, #tpu.memory_space<vmem>>) target(%dma_start3A_143 : memref<125x64xf32, #tpu.memory_space<vmem_shared>>) target_semaphore(%run_scoped3A : memref<!tpu.dma_semaphore, #tpu.memory_space<semaphore_mem>>)
      %dma_wait3A_144 = arith.constant 0 : i32
      %dma_wait3A_145 = tpu.memref_slice %arg16[%add3A_14, %dma_wait3A_144] : memref<10240x64xf32, #tpu.memory_space<vmem_shared>> -> memref<125x64xf32, #tpu.memory_space<vmem_shared>>
      %dma_wait3A_146 = arith.constant 0 : i32
      %dma_wait3A_147 = tpu.memref_slice %arg16[%add3A_14, %dma_wait3A_146] : memref<10240x64xf32, #tpu.memory_space<vmem_shared>> -> memref<125x64xf32, #tpu.memory_space<vmem_shared>>
      tpu.wait_dma2 semaphore(%run_scoped3A : memref<!tpu.dma_semaphore, #tpu.memory_space<semaphore_mem>>) src(%arg8 : memref<125x64xf32, #tpu.memory_space<vmem>>) dst(%dma_wait3A_147 : memref<125x64xf32, #tpu.memory_space<vmem_shared>>)
      tpu.yield
    }) : () -> ()
    %add3A_15 = arith.constant 375 : i32
    %add3A_16 = arith.addi %mul3A_2, %add3A_15 : i32
    "tpu.region"() ({
      %run_scoped3A = tpu.sem_alloc : memref<!tpu.dma_semaphore, #tpu.memory_space<semaphore_mem>>
      %dma_start3A_140 = arith.constant 0 : i32
      %dma_start3A_141 = tpu.memref_slice %arg16[%add3A_16, %dma_start3A_140] : memref<10240x64xf32, #tpu.memory_space<vmem_shared>> -> memref<125x64xf32, #tpu.memory_space<vmem_shared>>
      %dma_start3A_142 = arith.constant 0 : i32
      %dma_start3A_143 = tpu.memref_slice %arg16[%add3A_16, %dma_start3A_142] : memref<10240x64xf32, #tpu.memory_space<vmem_shared>> -> memref<125x64xf32, #tpu.memory_space<vmem_shared>>
      tpu.enqueue_dma source(%arg8 : memref<125x64xf32, #tpu.memory_space<vmem>>) target(%dma_start3A_143 : memref<125x64xf32, #tpu.memory_space<vmem_shared>>) target_semaphore(%run_scoped3A : memref<!tpu.dma_semaphore, #tpu.memory_space<semaphore_mem>>)
      %dma_wait3A_144 = arith.constant 0 : i32
      %dma_wait3A_145 = tpu.memref_slice %arg16[%add3A_16, %dma_wait3A_144] : memref<10240x64xf32, #tpu.memory_space<vmem_shared>> -> memref<125x64xf32, #tpu.memory_space<vmem_shared>>
      %dma_wait3A_146 = arith.constant 0 : i32
      %dma_wait3A_147 = tpu.memref_slice %arg16[%add3A_16, %dma_wait3A_146] : memref<10240x64xf32, #tpu.memory_space<vmem_shared>> -> memref<125x64xf32, #tpu.memory_space<vmem_shared>>
      tpu.wait_dma2 semaphore(%run_scoped3A : memref<!tpu.dma_semaphore, #tpu.memory_space<semaphore_mem>>) src(%arg8 : memref<125x64xf32, #tpu.memory_space<vmem>>) dst(%dma_wait3A_147 : memref<125x64xf32, #tpu.memory_space<vmem_shared>>)
      tpu.yield
    }) : () -> ()
    %add3A_17 = arith.constant 500 : i32
    %add3A_18 = arith.addi %mul3A_2, %add3A_17 : i32
    "tpu.region"() ({
      %run_scoped3A = tpu.sem_alloc : memref<!tpu.dma_semaphore, #tpu.memory_space<semaphore_mem>>
      %dma_start3A_140 = arith.constant 0 : i32
      %dma_start3A_141 = tpu.memref_slice %arg16[%add3A_18, %dma_start3A_140] : memref<10240x64xf32, #tpu.memory_space<vmem_shared>> -> memref<125x64xf32, #tpu.memory_space<vmem_shared>>
      %dma_start3A_142 = arith.constant 0 : i32
      %dma_start3A_143 = tpu.memref_slice %arg16[%add3A_18, %dma_start3A_142] : memref<10240x64xf32, #tpu.memory_space<vmem_shared>> -> memref<125x64xf32, #tpu.memory_space<vmem_shared>>
      tpu.enqueue_dma source(%arg8 : memref<125x64xf32, #tpu.memory_space<vmem>>) target(%dma_start3A_143 : memref<125x64xf32, #tpu.memory_space<vmem_shared>>) target_semaphore(%run_scoped3A : memref<!tpu.dma_semaphore, #tpu.memory_space<semaphore_mem>>)
      %dma_wait3A_144 = arith.constant 0 : i32
      %dma_wait3A_145 = tpu.memref_slice %arg16[%add3A_18, %dma_wait3A_144] : memref<10240x64xf32, #tpu.memory_space<vmem_shared>> -> memref<125x64xf32, #tpu.memory_space<vmem_shared>>
      %dma_wait3A_146 = arith.constant 0 : i32
      %dma_wait3A_147 = tpu.memref_slice %arg16[%add3A_18, %dma_wait3A_146] : memref<10240x64xf32, #tpu.memory_space<vmem_shared>> -> memref<125x64xf32, #tpu.memory_space<vmem_shared>>
      tpu.wait_dma2 semaphore(%run_scoped3A : memref<!tpu.dma_semaphore, #tpu.memory_space<semaphore_mem>>) src(%arg8 : memref<125x64xf32, #tpu.memory_space<vmem>>) dst(%dma_wait3A_147 : memref<125x64xf32, #tpu.memory_space<vmem_shared>>)
      tpu.yield
    }) : () -> ()
    "tpu.region"() ({
      %run_scoped3A = tpu.sem_alloc : memref<!tpu.dma_semaphore, #tpu.memory_space<semaphore_mem>>
      %dma_start3A_140 = arith.constant 0 : i32
      %dma_start3A_141 = arith.constant 0 : i32
      %dma_start3A_142 = tpu.memref_slice %arg3[%add3A, %dma_start3A_140, %dma_start3A_141] : memref<32x80x125xi32, #tpu.memory_space<hbm>> -> memref<1x80x125xi32, #tpu.memory_space<hbm>>
      %dma_start3A_143 = tpu.memref_squeeze %dma_start3A_142 : memref<1x80x125xi32, #tpu.memory_space<hbm>> -> memref<80x125xi32, #tpu.memory_space<hbm>>
      %dma_start3A_144 = arith.constant 0 : i32
      %dma_start3A_145 = arith.constant 0 : i32
      %dma_start3A_146 = tpu.memref_slice %arg3[%add3A, %dma_start3A_144, %dma_start3A_145] : memref<32x80x125xi32, #tpu.memory_space<hbm>> -> memref<1x80x125xi32, #tpu.memory_space<hbm>>
      %dma_start3A_147 = tpu.memref_squeeze %dma_start3A_146 : memref<1x80x125xi32, #tpu.memory_space<hbm>> -> memref<80x125xi32, #tpu.memory_space<hbm>>
      tpu.enqueue_dma source(%dma_start3A_147 : memref<80x125xi32, #tpu.memory_space<hbm>>) target(%arg6 : memref<80x125xi32, #tpu.memory_space<vmem>>) target_semaphore(%run_scoped3A : memref<!tpu.dma_semaphore, #tpu.memory_space<semaphore_mem>>)
      %dma_wait3A_148 = arith.constant 0 : i32
      %dma_wait3A_149 = arith.constant 0 : i32
      %dma_wait3A_150 = tpu.memref_slice %arg3[%add3A, %dma_wait3A_148, %dma_wait3A_149] : memref<32x80x125xi32, #tpu.memory_space<hbm>> -> memref<1x80x125xi32, #tpu.memory_space<hbm>>
      %dma_wait3A_151 = tpu.memref_squeeze %dma_wait3A_150 : memref<1x80x125xi32, #tpu.memory_space<hbm>> -> memref<80x125xi32, #tpu.memory_space<hbm>>
      %dma_wait3A_152 = arith.constant 0 : i32
      %dma_wait3A_153 = arith.constant 0 : i32
      %dma_wait3A_154 = tpu.memref_slice %arg3[%add3A, %dma_wait3A_152, %dma_wait3A_153] : memref<32x80x125xi32, #tpu.memory_space<hbm>> -> memref<1x80x125xi32, #tpu.memory_space<hbm>>
      %dma_wait3A_155 = tpu.memref_squeeze %dma_wait3A_154 : memref<1x80x125xi32, #tpu.memory_space<hbm>> -> memref<80x125xi32, #tpu.memory_space<hbm>>
      tpu.wait_dma2 semaphore(%run_scoped3A : memref<!tpu.dma_semaphore, #tpu.memory_space<semaphore_mem>>) src(%dma_wait3A_155 : memref<80x125xi32, #tpu.memory_space<hbm>>) dst(%arg6 : memref<80x125xi32, #tpu.memory_space<vmem>>)
      tpu.yield
    }) : () -> ()
    "tpu.region"() ({
      %run_scoped3A = tpu.sem_alloc : memref<!tpu.dma_semaphore, #tpu.memory_space<semaphore_mem>>
      %dma_start3A_140 = arith.constant 0 : i32
      %dma_start3A_141 = arith.constant 0 : i32
      %dma_start3A_142 = tpu.memref_slice %arg4[%add3A, %dma_start3A_140, %dma_start3A_141] : memref<32x80x125xi32, #tpu.memory_space<hbm>> -> memref<1x80x125xi32, #tpu.memory_space<hbm>>
      %dma_start3A_143 = tpu.memref_squeeze %dma_start3A_142 : memref<1x80x125xi32, #tpu.memory_space<hbm>> -> memref<80x125xi32, #tpu.memory_space<hbm>>
      %dma_start3A_144 = arith.constant 0 : i32
      %dma_start3A_145 = arith.constant 0 : i32
      %dma_start3A_146 = tpu.memref_slice %arg4[%add3A, %dma_start3A_144, %dma_start3A_145] : memref<32x80x125xi32, #tpu.memory_space<hbm>> -> memref<1x80x125xi32, #tpu.memory_space<hbm>>
      %dma_start3A_147 = tpu.memref_squeeze %dma_start3A_146 : memref<1x80x125xi32, #tpu.memory_space<hbm>> -> memref<80x125xi32, #tpu.memory_space<hbm>>
      tpu.enqueue_dma source(%dma_start3A_147 : memref<80x125xi32, #tpu.memory_space<hbm>>) target(%arg7 : memref<80x125xi32, #tpu.memory_space<vmem>>) target_semaphore(%run_scoped3A : memref<!tpu.dma_semaphore, #tpu.memory_space<semaphore_mem>>)
      %dma_wait3A_148 = arith.constant 0 : i32
      %dma_wait3A_149 = arith.constant 0 : i32
      %dma_wait3A_150 = tpu.memref_slice %arg4[%add3A, %dma_wait3A_148, %dma_wait3A_149] : memref<32x80x125xi32, #tpu.memory_space<hbm>> -> memref<1x80x125xi32, #tpu.memory_space<hbm>>
      %dma_wait3A_151 = tpu.memref_squeeze %dma_wait3A_150 : memref<1x80x125xi32, #tpu.memory_space<hbm>> -> memref<80x125xi32, #tpu.memory_space<hbm>>
      %dma_wait3A_152 = arith.constant 0 : i32
      %dma_wait3A_153 = arith.constant 0 : i32
      %dma_wait3A_154 = tpu.memref_slice %arg4[%add3A, %dma_wait3A_152, %dma_wait3A_153] : memref<32x80x125xi32, #tpu.memory_space<hbm>> -> memref<1x80x125xi32, #tpu.memory_space<hbm>>
      %dma_wait3A_155 = tpu.memref_squeeze %dma_wait3A_154 : memref<1x80x125xi32, #tpu.memory_space<hbm>> -> memref<80x125xi32, #tpu.memory_space<hbm>>
      tpu.wait_dma2 semaphore(%run_scoped3A : memref<!tpu.dma_semaphore, #tpu.memory_space<semaphore_mem>>) src(%dma_wait3A_155 : memref<80x125xi32, #tpu.memory_space<hbm>>) dst(%arg7 : memref<80x125xi32, #tpu.memory_space<vmem>>)
      tpu.yield
    }) : () -> ()
    %barrier3A = arith.constant 0 : index
    tpu.barrier barrier_id(%barrier3A)
    %dma_start3A = arith.constant 0 : i32
    %dma_start3A_19 = arith.constant 0 : i32
    %dma_start3A_20 = tpu.memref_slice %arg6[%dma_start3A, %dma_start3A_19] : memref<80x125xi32, #tpu.memory_space<vmem>> -> memref<1x125xi32, #tpu.memory_space<vmem>>
    %dma_start3A_21 = tpu.memref_squeeze %dma_start3A_20 : memref<1x125xi32, #tpu.memory_space<vmem>> -> memref<125xi32, #tpu.memory_space<vmem>>
    %dma_start3A_22 = arith.constant 0 : i32
    %dma_start3A_23 = arith.constant 0 : i32
    %dma_start3A_24 = tpu.memref_slice %arg2[%dma_start3A_22, %dma_start3A_23] : memref<10000x64xf32, #tpu.memory_space<hbm>> -> memref<10000x64xf32, #tpu.memory_space<hbm>>
    tpu.enqueue_indirect_dma source(%dma_start3A_24 : memref<10000x64xf32, #tpu.memory_space<hbm>>) target(%arg8 : memref<125x64xf32, #tpu.memory_space<vmem>>) offsets(%dma_start3A_21 : memref<125xi32, #tpu.memory_space<vmem>>) semaphore(%arg17 : memref<!tpu.dma_semaphore, #tpu.memory_space<semaphore_mem>>)
    %dma_start3A_25 = arith.constant 1 : i32
    %dma_start3A_26 = arith.constant 0 : i32
    %dma_start3A_27 = tpu.memref_slice %arg6[%dma_start3A_25, %dma_start3A_26] : memref<80x125xi32, #tpu.memory_space<vmem>> -> memref<1x125xi32, #tpu.memory_space<vmem>>
    %dma_start3A_28 = tpu.memref_squeeze %dma_start3A_27 : memref<1x125xi32, #tpu.memory_space<vmem>> -> memref<125xi32, #tpu.memory_space<vmem>>
    %dma_start3A_29 = arith.constant 0 : i32
    %dma_start3A_30 = arith.constant 0 : i32
    %dma_start3A_31 = tpu.memref_slice %arg2[%dma_start3A_29, %dma_start3A_30] : memref<10000x64xf32, #tpu.memory_space<hbm>> -> memref<10000x64xf32, #tpu.memory_space<hbm>>
    tpu.enqueue_indirect_dma source(%dma_start3A_31 : memref<10000x64xf32, #tpu.memory_space<hbm>>) target(%arg9 : memref<125x64xf32, #tpu.memory_space<vmem>>) offsets(%dma_start3A_28 : memref<125xi32, #tpu.memory_space<vmem>>) semaphore(%arg18 : memref<!tpu.dma_semaphore, #tpu.memory_space<semaphore_mem>>)
    %dma_start3A_32 = arith.constant 2 : i32
    %dma_start3A_33 = arith.constant 0 : i32
    %dma_start3A_34 = tpu.memref_slice %arg6[%dma_start3A_32, %dma_start3A_33] : memref<80x125xi32, #tpu.memory_space<vmem>> -> memref<1x125xi32, #tpu.memory_space<vmem>>
    %dma_start3A_35 = tpu.memref_squeeze %dma_start3A_34 : memref<1x125xi32, #tpu.memory_space<vmem>> -> memref<125xi32, #tpu.memory_space<vmem>>
    %dma_start3A_36 = arith.constant 0 : i32
    %dma_start3A_37 = arith.constant 0 : i32
    %dma_start3A_38 = tpu.memref_slice %arg2[%dma_start3A_36, %dma_start3A_37] : memref<10000x64xf32, #tpu.memory_space<hbm>> -> memref<10000x64xf32, #tpu.memory_space<hbm>>
    tpu.enqueue_indirect_dma source(%dma_start3A_38 : memref<10000x64xf32, #tpu.memory_space<hbm>>) target(%arg10 : memref<125x64xf32, #tpu.memory_space<vmem>>) offsets(%dma_start3A_35 : memref<125xi32, #tpu.memory_space<vmem>>) semaphore(%arg19 : memref<!tpu.dma_semaphore, #tpu.memory_space<semaphore_mem>>)
    %dma_start3A_39 = arith.constant 3 : i32
    %dma_start3A_40 = arith.constant 0 : i32
    %dma_start3A_41 = tpu.memref_slice %arg6[%dma_start3A_39, %dma_start3A_40] : memref<80x125xi32, #tpu.memory_space<vmem>> -> memref<1x125xi32, #tpu.memory_space<vmem>>
    %dma_start3A_42 = tpu.memref_squeeze %dma_start3A_41 : memref<1x125xi32, #tpu.memory_space<vmem>> -> memref<125xi32, #tpu.memory_space<vmem>>
    %dma_start3A_43 = arith.constant 0 : i32
    %dma_start3A_44 = arith.constant 0 : i32
    %dma_start3A_45 = tpu.memref_slice %arg2[%dma_start3A_43, %dma_start3A_44] : memref<10000x64xf32, #tpu.memory_space<hbm>> -> memref<10000x64xf32, #tpu.memory_space<hbm>>
    tpu.enqueue_indirect_dma source(%dma_start3A_45 : memref<10000x64xf32, #tpu.memory_space<hbm>>) target(%arg11 : memref<125x64xf32, #tpu.memory_space<vmem>>) offsets(%dma_start3A_42 : memref<125xi32, #tpu.memory_space<vmem>>) semaphore(%arg20 : memref<!tpu.dma_semaphore, #tpu.memory_space<semaphore_mem>>)
    %dma_start3A_46 = arith.constant 4 : i32
    %dma_start3A_47 = arith.constant 0 : i32
    %dma_start3A_48 = tpu.memref_slice %arg6[%dma_start3A_46, %dma_start3A_47] : memref<80x125xi32, #tpu.memory_space<vmem>> -> memref<1x125xi32, #tpu.memory_space<vmem>>
    %dma_start3A_49 = tpu.memref_squeeze %dma_start3A_48 : memref<1x125xi32, #tpu.memory_space<vmem>> -> memref<125xi32, #tpu.memory_space<vmem>>
    %dma_start3A_50 = arith.constant 0 : i32
    %dma_start3A_51 = arith.constant 0 : i32
    %dma_start3A_52 = tpu.memref_slice %arg2[%dma_start3A_50, %dma_start3A_51] : memref<10000x64xf32, #tpu.memory_space<hbm>> -> memref<10000x64xf32, #tpu.memory_space<hbm>>
    tpu.enqueue_indirect_dma source(%dma_start3A_52 : memref<10000x64xf32, #tpu.memory_space<hbm>>) target(%arg12 : memref<125x64xf32, #tpu.memory_space<vmem>>) offsets(%dma_start3A_49 : memref<125xi32, #tpu.memory_space<vmem>>) semaphore(%arg21 : memref<!tpu.dma_semaphore, #tpu.memory_space<semaphore_mem>>)
    %dma_start3A_53 = arith.constant 5 : i32
    %dma_start3A_54 = arith.constant 0 : i32
    %dma_start3A_55 = tpu.memref_slice %arg6[%dma_start3A_53, %dma_start3A_54] : memref<80x125xi32, #tpu.memory_space<vmem>> -> memref<1x125xi32, #tpu.memory_space<vmem>>
    %dma_start3A_56 = tpu.memref_squeeze %dma_start3A_55 : memref<1x125xi32, #tpu.memory_space<vmem>> -> memref<125xi32, #tpu.memory_space<vmem>>
    %dma_start3A_57 = arith.constant 0 : i32
    %dma_start3A_58 = arith.constant 0 : i32
    %dma_start3A_59 = tpu.memref_slice %arg2[%dma_start3A_57, %dma_start3A_58] : memref<10000x64xf32, #tpu.memory_space<hbm>> -> memref<10000x64xf32, #tpu.memory_space<hbm>>
    tpu.enqueue_indirect_dma source(%dma_start3A_59 : memref<10000x64xf32, #tpu.memory_space<hbm>>) target(%arg13 : memref<125x64xf32, #tpu.memory_space<vmem>>) offsets(%dma_start3A_56 : memref<125xi32, #tpu.memory_space<vmem>>) semaphore(%arg22 : memref<!tpu.dma_semaphore, #tpu.memory_space<semaphore_mem>>)
    %dma_start3A_60 = arith.constant 6 : i32
    %dma_start3A_61 = arith.constant 0 : i32
    %dma_start3A_62 = tpu.memref_slice %arg6[%dma_start3A_60, %dma_start3A_61] : memref<80x125xi32, #tpu.memory_space<vmem>> -> memref<1x125xi32, #tpu.memory_space<vmem>>
    %dma_start3A_63 = tpu.memref_squeeze %dma_start3A_62 : memref<1x125xi32, #tpu.memory_space<vmem>> -> memref<125xi32, #tpu.memory_space<vmem>>
    %dma_start3A_64 = arith.constant 0 : i32
    %dma_start3A_65 = arith.constant 0 : i32
    %dma_start3A_66 = tpu.memref_slice %arg2[%dma_start3A_64, %dma_start3A_65] : memref<10000x64xf32, #tpu.memory_space<hbm>> -> memref<10000x64xf32, #tpu.memory_space<hbm>>
    tpu.enqueue_indirect_dma source(%dma_start3A_66 : memref<10000x64xf32, #tpu.memory_space<hbm>>) target(%arg14 : memref<125x64xf32, #tpu.memory_space<vmem>>) offsets(%dma_start3A_63 : memref<125xi32, #tpu.memory_space<vmem>>) semaphore(%arg23 : memref<!tpu.dma_semaphore, #tpu.memory_space<semaphore_mem>>)
    %dma_start3A_67 = arith.constant 7 : i32
    %dma_start3A_68 = arith.constant 0 : i32
    %dma_start3A_69 = tpu.memref_slice %arg6[%dma_start3A_67, %dma_start3A_68] : memref<80x125xi32, #tpu.memory_space<vmem>> -> memref<1x125xi32, #tpu.memory_space<vmem>>
    %dma_start3A_70 = tpu.memref_squeeze %dma_start3A_69 : memref<1x125xi32, #tpu.memory_space<vmem>> -> memref<125xi32, #tpu.memory_space<vmem>>
    %dma_start3A_71 = arith.constant 0 : i32
    %dma_start3A_72 = arith.constant 0 : i32
    %dma_start3A_73 = tpu.memref_slice %arg2[%dma_start3A_71, %dma_start3A_72] : memref<10000x64xf32, #tpu.memory_space<hbm>> -> memref<10000x64xf32, #tpu.memory_space<hbm>>
    tpu.enqueue_indirect_dma source(%dma_start3A_73 : memref<10000x64xf32, #tpu.memory_space<hbm>>) target(%arg15 : memref<125x64xf32, #tpu.memory_space<vmem>>) offsets(%dma_start3A_70 : memref<125xi32, #tpu.memory_space<vmem>>) semaphore(%arg24 : memref<!tpu.dma_semaphore, #tpu.memory_space<semaphore_mem>>)
    %scan3A_74 = arith.constant 0 : i32
    %scan3A_75 = arith.constant 0 : i32
    %scan3A_76 = arith.constant 10 : i32
    %scan3A_77 = arith.addi %scan3A_75, %scan3A_76 : i32
    %scan3A_78 = arith.constant 1 : i32
    %scan3A_79 = scf.for %scan3A_140 = %scan3A_75 to %scan3A_77 step %scan3A_78 iter_args(%scan3A_141 = %scan3A_74) -> (i32)  : i32 {
      %mul3A_142 = arith.constant 8 : i32
      %mul3A_143 = arith.muli %scan3A_140, %mul3A_142 : i32
      %add3A_144 = arith.constant 0 : i32
      %add3A_145 = arith.addi %mul3A_143, %add3A_144 : i32
      %dma_wait3A_146 = arith.constant 0 : i32
      %dma_wait3A_147 = tpu.memref_slice %arg6[%add3A_145, %dma_wait3A_146] : memref<80x125xi32, #tpu.memory_space<vmem>> -> memref<1x125xi32, #tpu.memory_space<vmem>>
      %dma_wait3A_148 = tpu.memref_squeeze %dma_wait3A_147 : memref<1x125xi32, #tpu.memory_space<vmem>> -> memref<125xi32, #tpu.memory_space<vmem>>
      %dma_wait3A_149 = arith.constant 0 : i32
      %dma_wait3A_150 = arith.constant 0 : i32
      %dma_wait3A_151 = tpu.memref_slice %arg2[%dma_wait3A_149, %dma_wait3A_150] : memref<10000x64xf32, #tpu.memory_space<hbm>> -> memref<10000x64xf32, #tpu.memory_space<hbm>>
      tpu.wait_indirect_dma semaphore(%arg17 : memref<!tpu.dma_semaphore, #tpu.memory_space<semaphore_mem>>) src(%dma_wait3A_151 : memref<10000x64xf32, #tpu.memory_space<hbm>>) dst(%arg8 : memref<125x64xf32, #tpu.memory_space<vmem>>)
      %dma_start3A_152 = arith.constant 0 : i32
      %dma_start3A_153 = tpu.memref_slice %arg7[%add3A_145, %dma_start3A_152] : memref<80x125xi32, #tpu.memory_space<vmem>> -> memref<1x125xi32, #tpu.memory_space<vmem>>
      %dma_start3A_154 = tpu.memref_squeeze %dma_start3A_153 : memref<1x125xi32, #tpu.memory_space<vmem>> -> memref<125xi32, #tpu.memory_space<vmem>>
      %dma_start3A_155 = arith.constant 0 : i32
      %dma_start3A_156 = arith.constant 0 : i32
      %dma_start3A_157 = tpu.memref_slice %arg16[%dma_start3A_155, %dma_start3A_156] : memref<10240x64xf32, #tpu.memory_space<vmem_shared>> -> memref<10240x64xf32, #tpu.memory_space<vmem_shared>>
      tpu.enqueue_indirect_dma source(%arg8 : memref<125x64xf32, #tpu.memory_space<vmem>>) target(%dma_start3A_157 : memref<10240x64xf32, #tpu.memory_space<vmem_shared>>) offsets(%dma_start3A_154 : memref<125xi32, #tpu.memory_space<vmem>>) semaphore(%arg25 : memref<!tpu.dma_semaphore, #tpu.memory_space<semaphore_mem>>) {add = true}
      %add3A_158 = arith.constant 1 : i32
      %add3A_159 = arith.addi %mul3A_143, %add3A_158 : i32
      %dma_wait3A_160 = arith.constant 0 : i32
      %dma_wait3A_161 = tpu.memref_slice %arg6[%add3A_159, %dma_wait3A_160] : memref<80x125xi32, #tpu.memory_space<vmem>> -> memref<1x125xi32, #tpu.memory_space<vmem>>
      %dma_wait3A_162 = tpu.memref_squeeze %dma_wait3A_161 : memref<1x125xi32, #tpu.memory_space<vmem>> -> memref<125xi32, #tpu.memory_space<vmem>>
      %dma_wait3A_163 = arith.constant 0 : i32
      %dma_wait3A_164 = arith.constant 0 : i32
      %dma_wait3A_165 = tpu.memref_slice %arg2[%dma_wait3A_163, %dma_wait3A_164] : memref<10000x64xf32, #tpu.memory_space<hbm>> -> memref<10000x64xf32, #tpu.memory_space<hbm>>
      tpu.wait_indirect_dma semaphore(%arg18 : memref<!tpu.dma_semaphore, #tpu.memory_space<semaphore_mem>>) src(%dma_wait3A_165 : memref<10000x64xf32, #tpu.memory_space<hbm>>) dst(%arg9 : memref<125x64xf32, #tpu.memory_space<vmem>>)
      %dma_start3A_166 = arith.constant 0 : i32
      %dma_start3A_167 = tpu.memref_slice %arg7[%add3A_159, %dma_start3A_166] : memref<80x125xi32, #tpu.memory_space<vmem>> -> memref<1x125xi32, #tpu.memory_space<vmem>>
      %dma_start3A_168 = tpu.memref_squeeze %dma_start3A_167 : memref<1x125xi32, #tpu.memory_space<vmem>> -> memref<125xi32, #tpu.memory_space<vmem>>
      %dma_start3A_169 = arith.constant 0 : i32
      %dma_start3A_170 = arith.constant 0 : i32
      %dma_start3A_171 = tpu.memref_slice %arg16[%dma_start3A_169, %dma_start3A_170] : memref<10240x64xf32, #tpu.memory_space<vmem_shared>> -> memref<10240x64xf32, #tpu.memory_space<vmem_shared>>
      tpu.enqueue_indirect_dma source(%arg9 : memref<125x64xf32, #tpu.memory_space<vmem>>) target(%dma_start3A_171 : memref<10240x64xf32, #tpu.memory_space<vmem_shared>>) offsets(%dma_start3A_168 : memref<125xi32, #tpu.memory_space<vmem>>) semaphore(%arg26 : memref<!tpu.dma_semaphore, #tpu.memory_space<semaphore_mem>>) {add = true}
      %add3A_172 = arith.constant 2 : i32
      %add3A_173 = arith.addi %mul3A_143, %add3A_172 : i32
      %dma_wait3A_174 = arith.constant 0 : i32
      %dma_wait3A_175 = tpu.memref_slice %arg6[%add3A_173, %dma_wait3A_174] : memref<80x125xi32, #tpu.memory_space<vmem>> -> memref<1x125xi32, #tpu.memory_space<vmem>>
      %dma_wait3A_176 = tpu.memref_squeeze %dma_wait3A_175 : memref<1x125xi32, #tpu.memory_space<vmem>> -> memref<125xi32, #tpu.memory_space<vmem>>
      %dma_wait3A_177 = arith.constant 0 : i32
      %dma_wait3A_178 = arith.constant 0 : i32
      %dma_wait3A_179 = tpu.memref_slice %arg2[%dma_wait3A_177, %dma_wait3A_178] : memref<10000x64xf32, #tpu.memory_space<hbm>> -> memref<10000x64xf32, #tpu.memory_space<hbm>>
      tpu.wait_indirect_dma semaphore(%arg19 : memref<!tpu.dma_semaphore, #tpu.memory_space<semaphore_mem>>) src(%dma_wait3A_179 : memref<10000x64xf32, #tpu.memory_space<hbm>>) dst(%arg10 : memref<125x64xf32, #tpu.memory_space<vmem>>)
      %dma_start3A_180 = arith.constant 0 : i32
      %dma_start3A_181 = tpu.memref_slice %arg7[%add3A_173, %dma_start3A_180] : memref<80x125xi32, #tpu.memory_space<vmem>> -> memref<1x125xi32, #tpu.memory_space<vmem>>
      %dma_start3A_182 = tpu.memref_squeeze %dma_start3A_181 : memref<1x125xi32, #tpu.memory_space<vmem>> -> memref<125xi32, #tpu.memory_space<vmem>>
      %dma_start3A_183 = arith.constant 0 : i32
      %dma_start3A_184 = arith.constant 0 : i32
      %dma_start3A_185 = tpu.memref_slice %arg16[%dma_start3A_183, %dma_start3A_184] : memref<10240x64xf32, #tpu.memory_space<vmem_shared>> -> memref<10240x64xf32, #tpu.memory_space<vmem_shared>>
      tpu.enqueue_indirect_dma source(%arg10 : memref<125x64xf32, #tpu.memory_space<vmem>>) target(%dma_start3A_185 : memref<10240x64xf32, #tpu.memory_space<vmem_shared>>) offsets(%dma_start3A_182 : memref<125xi32, #tpu.memory_space<vmem>>) semaphore(%arg27 : memref<!tpu.dma_semaphore, #tpu.memory_space<semaphore_mem>>) {add = true}
      %add3A_186 = arith.constant 3 : i32
      %add3A_187 = arith.addi %mul3A_143, %add3A_186 : i32
      %dma_wait3A_188 = arith.constant 0 : i32
      %dma_wait3A_189 = tpu.memref_slice %arg6[%add3A_187, %dma_wait3A_188] : memref<80x125xi32, #tpu.memory_space<vmem>> -> memref<1x125xi32, #tpu.memory_space<vmem>>
      %dma_wait3A_190 = tpu.memref_squeeze %dma_wait3A_189 : memref<1x125xi32, #tpu.memory_space<vmem>> -> memref<125xi32, #tpu.memory_space<vmem>>
      %dma_wait3A_191 = arith.constant 0 : i32
      %dma_wait3A_192 = arith.constant 0 : i32
      %dma_wait3A_193 = tpu.memref_slice %arg2[%dma_wait3A_191, %dma_wait3A_192] : memref<10000x64xf32, #tpu.memory_space<hbm>> -> memref<10000x64xf32, #tpu.memory_space<hbm>>
      tpu.wait_indirect_dma semaphore(%arg20 : memref<!tpu.dma_semaphore, #tpu.memory_space<semaphore_mem>>) src(%dma_wait3A_193 : memref<10000x64xf32, #tpu.memory_space<hbm>>) dst(%arg11 : memref<125x64xf32, #tpu.memory_space<vmem>>)
      %dma_start3A_194 = arith.constant 0 : i32
      %dma_start3A_195 = tpu.memref_slice %arg7[%add3A_187, %dma_start3A_194] : memref<80x125xi32, #tpu.memory_space<vmem>> -> memref<1x125xi32, #tpu.memory_space<vmem>>
      %dma_start3A_196 = tpu.memref_squeeze %dma_start3A_195 : memref<1x125xi32, #tpu.memory_space<vmem>> -> memref<125xi32, #tpu.memory_space<vmem>>
      %dma_start3A_197 = arith.constant 0 : i32
      %dma_start3A_198 = arith.constant 0 : i32
      %dma_start3A_199 = tpu.memref_slice %arg16[%dma_start3A_197, %dma_start3A_198] : memref<10240x64xf32, #tpu.memory_space<vmem_shared>> -> memref<10240x64xf32, #tpu.memory_space<vmem_shared>>
      tpu.enqueue_indirect_dma source(%arg11 : memref<125x64xf32, #tpu.memory_space<vmem>>) target(%dma_start3A_199 : memref<10240x64xf32, #tpu.memory_space<vmem_shared>>) offsets(%dma_start3A_196 : memref<125xi32, #tpu.memory_space<vmem>>) semaphore(%arg28 : memref<!tpu.dma_semaphore, #tpu.memory_space<semaphore_mem>>) {add = true}
      %add3A_200 = arith.constant 4 : i32
      %add3A_201 = arith.addi %mul3A_143, %add3A_200 : i32
      %dma_wait3A_202 = arith.constant 0 : i32
      %dma_wait3A_203 = tpu.memref_slice %arg6[%add3A_201, %dma_wait3A_202] : memref<80x125xi32, #tpu.memory_space<vmem>> -> memref<1x125xi32, #tpu.memory_space<vmem>>
      %dma_wait3A_204 = tpu.memref_squeeze %dma_wait3A_203 : memref<1x125xi32, #tpu.memory_space<vmem>> -> memref<125xi32, #tpu.memory_space<vmem>>
      %dma_wait3A_205 = arith.constant 0 : i32
      %dma_wait3A_206 = arith.constant 0 : i32
      %dma_wait3A_207 = tpu.memref_slice %arg2[%dma_wait3A_205, %dma_wait3A_206] : memref<10000x64xf32, #tpu.memory_space<hbm>> -> memref<10000x64xf32, #tpu.memory_space<hbm>>
      tpu.wait_indirect_dma semaphore(%arg21 : memref<!tpu.dma_semaphore, #tpu.memory_space<semaphore_mem>>) src(%dma_wait3A_207 : memref<10000x64xf32, #tpu.memory_space<hbm>>) dst(%arg12 : memref<125x64xf32, #tpu.memory_space<vmem>>)
      %dma_start3A_208 = arith.constant 0 : i32
      %dma_start3A_209 = tpu.memref_slice %arg7[%add3A_201, %dma_start3A_208] : memref<80x125xi32, #tpu.memory_space<vmem>> -> memref<1x125xi32, #tpu.memory_space<vmem>>
      %dma_start3A_210 = tpu.memref_squeeze %dma_start3A_209 : memref<1x125xi32, #tpu.memory_space<vmem>> -> memref<125xi32, #tpu.memory_space<vmem>>
      %dma_start3A_211 = arith.constant 0 : i32
      %dma_start3A_212 = arith.constant 0 : i32
      %dma_start3A_213 = tpu.memref_slice %arg16[%dma_start3A_211, %dma_start3A_212] : memref<10240x64xf32, #tpu.memory_space<vmem_shared>> -> memref<10240x64xf32, #tpu.memory_space<vmem_shared>>
      tpu.enqueue_indirect_dma source(%arg12 : memref<125x64xf32, #tpu.memory_space<vmem>>) target(%dma_start3A_213 : memref<10240x64xf32, #tpu.memory_space<vmem_shared>>) offsets(%dma_start3A_210 : memref<125xi32, #tpu.memory_space<vmem>>) semaphore(%arg29 : memref<!tpu.dma_semaphore, #tpu.memory_space<semaphore_mem>>) {add = true}
      %add3A_214 = arith.constant 5 : i32
      %add3A_215 = arith.addi %mul3A_143, %add3A_214 : i32
      %dma_wait3A_216 = arith.constant 0 : i32
      %dma_wait3A_217 = tpu.memref_slice %arg6[%add3A_215, %dma_wait3A_216] : memref<80x125xi32, #tpu.memory_space<vmem>> -> memref<1x125xi32, #tpu.memory_space<vmem>>
      %dma_wait3A_218 = tpu.memref_squeeze %dma_wait3A_217 : memref<1x125xi32, #tpu.memory_space<vmem>> -> memref<125xi32, #tpu.memory_space<vmem>>
      %dma_wait3A_219 = arith.constant 0 : i32
      %dma_wait3A_220 = arith.constant 0 : i32
      %dma_wait3A_221 = tpu.memref_slice %arg2[%dma_wait3A_219, %dma_wait3A_220] : memref<10000x64xf32, #tpu.memory_space<hbm>> -> memref<10000x64xf32, #tpu.memory_space<hbm>>
      tpu.wait_indirect_dma semaphore(%arg22 : memref<!tpu.dma_semaphore, #tpu.memory_space<semaphore_mem>>) src(%dma_wait3A_221 : memref<10000x64xf32, #tpu.memory_space<hbm>>) dst(%arg13 : memref<125x64xf32, #tpu.memory_space<vmem>>)
      %dma_start3A_222 = arith.constant 0 : i32
      %dma_start3A_223 = tpu.memref_slice %arg7[%add3A_215, %dma_start3A_222] : memref<80x125xi32, #tpu.memory_space<vmem>> -> memref<1x125xi32, #tpu.memory_space<vmem>>
      %dma_start3A_224 = tpu.memref_squeeze %dma_start3A_223 : memref<1x125xi32, #tpu.memory_space<vmem>> -> memref<125xi32, #tpu.memory_space<vmem>>
      %dma_start3A_225 = arith.constant 0 : i32
      %dma_start3A_226 = arith.constant 0 : i32
      %dma_start3A_227 = tpu.memref_slice %arg16[%dma_start3A_225, %dma_start3A_226] : memref<10240x64xf32, #tpu.memory_space<vmem_shared>> -> memref<10240x64xf32, #tpu.memory_space<vmem_shared>>
      tpu.enqueue_indirect_dma source(%arg13 : memref<125x64xf32, #tpu.memory_space<vmem>>) target(%dma_start3A_227 : memref<10240x64xf32, #tpu.memory_space<vmem_shared>>) offsets(%dma_start3A_224 : memref<125xi32, #tpu.memory_space<vmem>>) semaphore(%arg30 : memref<!tpu.dma_semaphore, #tpu.memory_space<semaphore_mem>>) {add = true}
      %add3A_228 = arith.constant 6 : i32
      %add3A_229 = arith.addi %mul3A_143, %add3A_228 : i32
      %dma_wait3A_230 = arith.constant 0 : i32
      %dma_wait3A_231 = tpu.memref_slice %arg6[%add3A_229, %dma_wait3A_230] : memref<80x125xi32, #tpu.memory_space<vmem>> -> memref<1x125xi32, #tpu.memory_space<vmem>>
      %dma_wait3A_232 = tpu.memref_squeeze %dma_wait3A_231 : memref<1x125xi32, #tpu.memory_space<vmem>> -> memref<125xi32, #tpu.memory_space<vmem>>
      %dma_wait3A_233 = arith.constant 0 : i32
      %dma_wait3A_234 = arith.constant 0 : i32
      %dma_wait3A_235 = tpu.memref_slice %arg2[%dma_wait3A_233, %dma_wait3A_234] : memref<10000x64xf32, #tpu.memory_space<hbm>> -> memref<10000x64xf32, #tpu.memory_space<hbm>>
      tpu.wait_indirect_dma semaphore(%arg23 : memref<!tpu.dma_semaphore, #tpu.memory_space<semaphore_mem>>) src(%dma_wait3A_235 : memref<10000x64xf32, #tpu.memory_space<hbm>>) dst(%arg14 : memref<125x64xf32, #tpu.memory_space<vmem>>)
      %dma_start3A_236 = arith.constant 0 : i32
      %dma_start3A_237 = tpu.memref_slice %arg7[%add3A_229, %dma_start3A_236] : memref<80x125xi32, #tpu.memory_space<vmem>> -> memref<1x125xi32, #tpu.memory_space<vmem>>
      %dma_start3A_238 = tpu.memref_squeeze %dma_start3A_237 : memref<1x125xi32, #tpu.memory_space<vmem>> -> memref<125xi32, #tpu.memory_space<vmem>>
      %dma_start3A_239 = arith.constant 0 : i32
      %dma_start3A_240 = arith.constant 0 : i32
      %dma_start3A_241 = tpu.memref_slice %arg16[%dma_start3A_239, %dma_start3A_240] : memref<10240x64xf32, #tpu.memory_space<vmem_shared>> -> memref<10240x64xf32, #tpu.memory_space<vmem_shared>>
      tpu.enqueue_indirect_dma source(%arg14 : memref<125x64xf32, #tpu.memory_space<vmem>>) target(%dma_start3A_241 : memref<10240x64xf32, #tpu.memory_space<vmem_shared>>) offsets(%dma_start3A_238 : memref<125xi32, #tpu.memory_space<vmem>>) semaphore(%arg31 : memref<!tpu.dma_semaphore, #tpu.memory_space<semaphore_mem>>) {add = true}
      %add3A_242 = arith.constant 7 : i32
      %add3A_243 = arith.addi %mul3A_143, %add3A_242 : i32
      %dma_wait3A_244 = arith.constant 0 : i32
      %dma_wait3A_245 = tpu.memref_slice %arg6[%add3A_243, %dma_wait3A_244] : memref<80x125xi32, #tpu.memory_space<vmem>> -> memref<1x125xi32, #tpu.memory_space<vmem>>
      %dma_wait3A_246 = tpu.memref_squeeze %dma_wait3A_245 : memref<1x125xi32, #tpu.memory_space<vmem>> -> memref<125xi32, #tpu.memory_space<vmem>>
      %dma_wait3A_247 = arith.constant 0 : i32
      %dma_wait3A_248 = arith.constant 0 : i32
      %dma_wait3A_249 = tpu.memref_slice %arg2[%dma_wait3A_247, %dma_wait3A_248] : memref<10000x64xf32, #tpu.memory_space<hbm>> -> memref<10000x64xf32, #tpu.memory_space<hbm>>
      tpu.wait_indirect_dma semaphore(%arg24 : memref<!tpu.dma_semaphore, #tpu.memory_space<semaphore_mem>>) src(%dma_wait3A_249 : memref<10000x64xf32, #tpu.memory_space<hbm>>) dst(%arg15 : memref<125x64xf32, #tpu.memory_space<vmem>>)
      %dma_start3A_250 = arith.constant 0 : i32
      %dma_start3A_251 = tpu.memref_slice %arg7[%add3A_243, %dma_start3A_250] : memref<80x125xi32, #tpu.memory_space<vmem>> -> memref<1x125xi32, #tpu.memory_space<vmem>>
      %dma_start3A_252 = tpu.memref_squeeze %dma_start3A_251 : memref<1x125xi32, #tpu.memory_space<vmem>> -> memref<125xi32, #tpu.memory_space<vmem>>
      %dma_start3A_253 = arith.constant 0 : i32
      %dma_start3A_254 = arith.constant 0 : i32
      %dma_start3A_255 = tpu.memref_slice %arg16[%dma_start3A_253, %dma_start3A_254] : memref<10240x64xf32, #tpu.memory_space<vmem_shared>> -> memref<10240x64xf32, #tpu.memory_space<vmem_shared>>
      tpu.enqueue_indirect_dma source(%arg15 : memref<125x64xf32, #tpu.memory_space<vmem>>) target(%dma_start3A_255 : memref<10240x64xf32, #tpu.memory_space<vmem_shared>>) offsets(%dma_start3A_252 : memref<125xi32, #tpu.memory_space<vmem>>) semaphore(%arg32 : memref<!tpu.dma_semaphore, #tpu.memory_space<semaphore_mem>>) {add = true}
      %lt3A = arith.constant 9 : i32
      %lt3A_256 = arith.cmpi slt, %scan3A_140, %lt3A : i32
      %convert_element_type3A = arith.extui %lt3A_256 : i1 to i32
      %cond3A = arith.constant 0 : i32
      %cond3A_257 = arith.cmpi ne, %convert_element_type3A, %cond3A : i32
      scf.if %cond3A_257 {
        %add3A_259 = arith.constant 0 : i32
        %add3A_260 = arith.addi %mul3A_143, %add3A_259 : i32
        %dma_wait3A_261 = arith.constant 0 : i32
        %dma_wait3A_262 = tpu.memref_slice %arg7[%add3A_260, %dma_wait3A_261] : memref<80x125xi32, #tpu.memory_space<vmem>> -> memref<1x125xi32, #tpu.memory_space<vmem>>
        %dma_wait3A_263 = tpu.memref_squeeze %dma_wait3A_262 : memref<1x125xi32, #tpu.memory_space<vmem>> -> memref<125xi32, #tpu.memory_space<vmem>>
        %dma_wait3A_264 = arith.constant 0 : i32
        %dma_wait3A_265 = arith.constant 0 : i32
        %dma_wait3A_266 = tpu.memref_slice %arg16[%dma_wait3A_264, %dma_wait3A_265] : memref<10240x64xf32, #tpu.memory_space<vmem_shared>> -> memref<10240x64xf32, #tpu.memory_space<vmem_shared>>
        tpu.wait_indirect_dma semaphore(%arg25 : memref<!tpu.dma_semaphore, #tpu.memory_space<semaphore_mem>>) src(%arg8 : memref<125x64xf32, #tpu.memory_space<vmem>>) dst(%dma_wait3A_266 : memref<10240x64xf32, #tpu.memory_space<vmem_shared>>)
        %add3A_267 = arith.constant 8 : i32
        %add3A_268 = arith.addi %add3A_260, %add3A_267 : i32
        %dma_start3A_269 = arith.constant 0 : i32
        %dma_start3A_270 = tpu.memref_slice %arg6[%add3A_268, %dma_start3A_269] : memref<80x125xi32, #tpu.memory_space<vmem>> -> memref<1x125xi32, #tpu.memory_space<vmem>>
        %dma_start3A_271 = tpu.memref_squeeze %dma_start3A_270 : memref<1x125xi32, #tpu.memory_space<vmem>> -> memref<125xi32, #tpu.memory_space<vmem>>
        %dma_start3A_272 = arith.constant 0 : i32
        %dma_start3A_273 = arith.constant 0 : i32
        %dma_start3A_274 = tpu.memref_slice %arg2[%dma_start3A_272, %dma_start3A_273] : memref<10000x64xf32, #tpu.memory_space<hbm>> -> memref<10000x64xf32, #tpu.memory_space<hbm>>
        tpu.enqueue_indirect_dma source(%dma_start3A_274 : memref<10000x64xf32, #tpu.memory_space<hbm>>) target(%arg8 : memref<125x64xf32, #tpu.memory_space<vmem>>) offsets(%dma_start3A_271 : memref<125xi32, #tpu.memory_space<vmem>>) semaphore(%arg17 : memref<!tpu.dma_semaphore, #tpu.memory_space<semaphore_mem>>)
        %add3A_275 = arith.constant 1 : i32
        %add3A_276 = arith.addi %mul3A_143, %add3A_275 : i32
        %dma_wait3A_277 = arith.constant 0 : i32
        %dma_wait3A_278 = tpu.memref_slice %arg7[%add3A_276, %dma_wait3A_277] : memref<80x125xi32, #tpu.memory_space<vmem>> -> memref<1x125xi32, #tpu.memory_space<vmem>>
        %dma_wait3A_279 = tpu.memref_squeeze %dma_wait3A_278 : memref<1x125xi32, #tpu.memory_space<vmem>> -> memref<125xi32, #tpu.memory_space<vmem>>
        %dma_wait3A_280 = arith.constant 0 : i32
        %dma_wait3A_281 = arith.constant 0 : i32
        %dma_wait3A_282 = tpu.memref_slice %arg16[%dma_wait3A_280, %dma_wait3A_281] : memref<10240x64xf32, #tpu.memory_space<vmem_shared>> -> memref<10240x64xf32, #tpu.memory_space<vmem_shared>>
        tpu.wait_indirect_dma semaphore(%arg26 : memref<!tpu.dma_semaphore, #tpu.memory_space<semaphore_mem>>) src(%arg9 : memref<125x64xf32, #tpu.memory_space<vmem>>) dst(%dma_wait3A_282 : memref<10240x64xf32, #tpu.memory_space<vmem_shared>>)
        %add3A_283 = arith.constant 8 : i32
        %add3A_284 = arith.addi %add3A_276, %add3A_283 : i32
        %dma_start3A_285 = arith.constant 0 : i32
        %dma_start3A_286 = tpu.memref_slice %arg6[%add3A_284, %dma_start3A_285] : memref<80x125xi32, #tpu.memory_space<vmem>> -> memref<1x125xi32, #tpu.memory_space<vmem>>
        %dma_start3A_287 = tpu.memref_squeeze %dma_start3A_286 : memref<1x125xi32, #tpu.memory_space<vmem>> -> memref<125xi32, #tpu.memory_space<vmem>>
        %dma_start3A_288 = arith.constant 0 : i32
        %dma_start3A_289 = arith.constant 0 : i32
        %dma_start3A_290 = tpu.memref_slice %arg2[%dma_start3A_288, %dma_start3A_289] : memref<10000x64xf32, #tpu.memory_space<hbm>> -> memref<10000x64xf32, #tpu.memory_space<hbm>>
        tpu.enqueue_indirect_dma source(%dma_start3A_290 : memref<10000x64xf32, #tpu.memory_space<hbm>>) target(%arg9 : memref<125x64xf32, #tpu.memory_space<vmem>>) offsets(%dma_start3A_287 : memref<125xi32, #tpu.memory_space<vmem>>) semaphore(%arg18 : memref<!tpu.dma_semaphore, #tpu.memory_space<semaphore_mem>>)
        %add3A_291 = arith.constant 2 : i32
        %add3A_292 = arith.addi %mul3A_143, %add3A_291 : i32
        %dma_wait3A_293 = arith.constant 0 : i32
        %dma_wait3A_294 = tpu.memref_slice %arg7[%add3A_292, %dma_wait3A_293] : memref<80x125xi32, #tpu.memory_space<vmem>> -> memref<1x125xi32, #tpu.memory_space<vmem>>
        %dma_wait3A_295 = tpu.memref_squeeze %dma_wait3A_294 : memref<1x125xi32, #tpu.memory_space<vmem>> -> memref<125xi32, #tpu.memory_space<vmem>>
        %dma_wait3A_296 = arith.constant 0 : i32
        %dma_wait3A_297 = arith.constant 0 : i32
        %dma_wait3A_298 = tpu.memref_slice %arg16[%dma_wait3A_296, %dma_wait3A_297] : memref<10240x64xf32, #tpu.memory_space<vmem_shared>> -> memref<10240x64xf32, #tpu.memory_space<vmem_shared>>
        tpu.wait_indirect_dma semaphore(%arg27 : memref<!tpu.dma_semaphore, #tpu.memory_space<semaphore_mem>>) src(%arg10 : memref<125x64xf32, #tpu.memory_space<vmem>>) dst(%dma_wait3A_298 : memref<10240x64xf32, #tpu.memory_space<vmem_shared>>)
        %add3A_299 = arith.constant 8 : i32
        %add3A_300 = arith.addi %add3A_292, %add3A_299 : i32
        %dma_start3A_301 = arith.constant 0 : i32
        %dma_start3A_302 = tpu.memref_slice %arg6[%add3A_300, %dma_start3A_301] : memref<80x125xi32, #tpu.memory_space<vmem>> -> memref<1x125xi32, #tpu.memory_space<vmem>>
        %dma_start3A_303 = tpu.memref_squeeze %dma_start3A_302 : memref<1x125xi32, #tpu.memory_space<vmem>> -> memref<125xi32, #tpu.memory_space<vmem>>
        %dma_start3A_304 = arith.constant 0 : i32
        %dma_start3A_305 = arith.constant 0 : i32
        %dma_start3A_306 = tpu.memref_slice %arg2[%dma_start3A_304, %dma_start3A_305] : memref<10000x64xf32, #tpu.memory_space<hbm>> -> memref<10000x64xf32, #tpu.memory_space<hbm>>
        tpu.enqueue_indirect_dma source(%dma_start3A_306 : memref<10000x64xf32, #tpu.memory_space<hbm>>) target(%arg10 : memref<125x64xf32, #tpu.memory_space<vmem>>) offsets(%dma_start3A_303 : memref<125xi32, #tpu.memory_space<vmem>>) semaphore(%arg19 : memref<!tpu.dma_semaphore, #tpu.memory_space<semaphore_mem>>)
        %add3A_307 = arith.constant 3 : i32
        %add3A_308 = arith.addi %mul3A_143, %add3A_307 : i32
        %dma_wait3A_309 = arith.constant 0 : i32
        %dma_wait3A_310 = tpu.memref_slice %arg7[%add3A_308, %dma_wait3A_309] : memref<80x125xi32, #tpu.memory_space<vmem>> -> memref<1x125xi32, #tpu.memory_space<vmem>>
        %dma_wait3A_311 = tpu.memref_squeeze %dma_wait3A_310 : memref<1x125xi32, #tpu.memory_space<vmem>> -> memref<125xi32, #tpu.memory_space<vmem>>
        %dma_wait3A_312 = arith.constant 0 : i32
        %dma_wait3A_313 = arith.constant 0 : i32
        %dma_wait3A_314 = tpu.memref_slice %arg16[%dma_wait3A_312, %dma_wait3A_313] : memref<10240x64xf32, #tpu.memory_space<vmem_shared>> -> memref<10240x64xf32, #tpu.memory_space<vmem_shared>>
        tpu.wait_indirect_dma semaphore(%arg28 : memref<!tpu.dma_semaphore, #tpu.memory_space<semaphore_mem>>) src(%arg11 : memref<125x64xf32, #tpu.memory_space<vmem>>) dst(%dma_wait3A_314 : memref<10240x64xf32, #tpu.memory_space<vmem_shared>>)
        %add3A_315 = arith.constant 8 : i32
        %add3A_316 = arith.addi %add3A_308, %add3A_315 : i32
        %dma_start3A_317 = arith.constant 0 : i32
        %dma_start3A_318 = tpu.memref_slice %arg6[%add3A_316, %dma_start3A_317] : memref<80x125xi32, #tpu.memory_space<vmem>> -> memref<1x125xi32, #tpu.memory_space<vmem>>
        %dma_start3A_319 = tpu.memref_squeeze %dma_start3A_318 : memref<1x125xi32, #tpu.memory_space<vmem>> -> memref<125xi32, #tpu.memory_space<vmem>>
        %dma_start3A_320 = arith.constant 0 : i32
        %dma_start3A_321 = arith.constant 0 : i32
        %dma_start3A_322 = tpu.memref_slice %arg2[%dma_start3A_320, %dma_start3A_321] : memref<10000x64xf32, #tpu.memory_space<hbm>> -> memref<10000x64xf32, #tpu.memory_space<hbm>>
        tpu.enqueue_indirect_dma source(%dma_start3A_322 : memref<10000x64xf32, #tpu.memory_space<hbm>>) target(%arg11 : memref<125x64xf32, #tpu.memory_space<vmem>>) offsets(%dma_start3A_319 : memref<125xi32, #tpu.memory_space<vmem>>) semaphore(%arg20 : memref<!tpu.dma_semaphore, #tpu.memory_space<semaphore_mem>>)
        %add3A_323 = arith.constant 4 : i32
        %add3A_324 = arith.addi %mul3A_143, %add3A_323 : i32
        %dma_wait3A_325 = arith.constant 0 : i32
        %dma_wait3A_326 = tpu.memref_slice %arg7[%add3A_324, %dma_wait3A_325] : memref<80x125xi32, #tpu.memory_space<vmem>> -> memref<1x125xi32, #tpu.memory_space<vmem>>
        %dma_wait3A_327 = tpu.memref_squeeze %dma_wait3A_326 : memref<1x125xi32, #tpu.memory_space<vmem>> -> memref<125xi32, #tpu.memory_space<vmem>>
        %dma_wait3A_328 = arith.constant 0 : i32
        %dma_wait3A_329 = arith.constant 0 : i32
        %dma_wait3A_330 = tpu.memref_slice %arg16[%dma_wait3A_328, %dma_wait3A_329] : memref<10240x64xf32, #tpu.memory_space<vmem_shared>> -> memref<10240x64xf32, #tpu.memory_space<vmem_shared>>
        tpu.wait_indirect_dma semaphore(%arg29 : memref<!tpu.dma_semaphore, #tpu.memory_space<semaphore_mem>>) src(%arg12 : memref<125x64xf32, #tpu.memory_space<vmem>>) dst(%dma_wait3A_330 : memref<10240x64xf32, #tpu.memory_space<vmem_shared>>)
        %add3A_331 = arith.constant 8 : i32
        %add3A_332 = arith.addi %add3A_324, %add3A_331 : i32
        %dma_start3A_333 = arith.constant 0 : i32
        %dma_start3A_334 = tpu.memref_slice %arg6[%add3A_332, %dma_start3A_333] : memref<80x125xi32, #tpu.memory_space<vmem>> -> memref<1x125xi32, #tpu.memory_space<vmem>>
        %dma_start3A_335 = tpu.memref_squeeze %dma_start3A_334 : memref<1x125xi32, #tpu.memory_space<vmem>> -> memref<125xi32, #tpu.memory_space<vmem>>
        %dma_start3A_336 = arith.constant 0 : i32
        %dma_start3A_337 = arith.constant 0 : i32
        %dma_start3A_338 = tpu.memref_slice %arg2[%dma_start3A_336, %dma_start3A_337] : memref<10000x64xf32, #tpu.memory_space<hbm>> -> memref<10000x64xf32, #tpu.memory_space<hbm>>
        tpu.enqueue_indirect_dma source(%dma_start3A_338 : memref<10000x64xf32, #tpu.memory_space<hbm>>) target(%arg12 : memref<125x64xf32, #tpu.memory_space<vmem>>) offsets(%dma_start3A_335 : memref<125xi32, #tpu.memory_space<vmem>>) semaphore(%arg21 : memref<!tpu.dma_semaphore, #tpu.memory_space<semaphore_mem>>)
        %add3A_339 = arith.constant 5 : i32
        %add3A_340 = arith.addi %mul3A_143, %add3A_339 : i32
        %dma_wait3A_341 = arith.constant 0 : i32
        %dma_wait3A_342 = tpu.memref_slice %arg7[%add3A_340, %dma_wait3A_341] : memref<80x125xi32, #tpu.memory_space<vmem>> -> memref<1x125xi32, #tpu.memory_space<vmem>>
        %dma_wait3A_343 = tpu.memref_squeeze %dma_wait3A_342 : memref<1x125xi32, #tpu.memory_space<vmem>> -> memref<125xi32, #tpu.memory_space<vmem>>
        %dma_wait3A_344 = arith.constant 0 : i32
        %dma_wait3A_345 = arith.constant 0 : i32
        %dma_wait3A_346 = tpu.memref_slice %arg16[%dma_wait3A_344, %dma_wait3A_345] : memref<10240x64xf32, #tpu.memory_space<vmem_shared>> -> memref<10240x64xf32, #tpu.memory_space<vmem_shared>>
        tpu.wait_indirect_dma semaphore(%arg30 : memref<!tpu.dma_semaphore, #tpu.memory_space<semaphore_mem>>) src(%arg13 : memref<125x64xf32, #tpu.memory_space<vmem>>) dst(%dma_wait3A_346 : memref<10240x64xf32, #tpu.memory_space<vmem_shared>>)
        %add3A_347 = arith.constant 8 : i32
        %add3A_348 = arith.addi %add3A_340, %add3A_347 : i32
        %dma_start3A_349 = arith.constant 0 : i32
        %dma_start3A_350 = tpu.memref_slice %arg6[%add3A_348, %dma_start3A_349] : memref<80x125xi32, #tpu.memory_space<vmem>> -> memref<1x125xi32, #tpu.memory_space<vmem>>
        %dma_start3A_351 = tpu.memref_squeeze %dma_start3A_350 : memref<1x125xi32, #tpu.memory_space<vmem>> -> memref<125xi32, #tpu.memory_space<vmem>>
        %dma_start3A_352 = arith.constant 0 : i32
        %dma_start3A_353 = arith.constant 0 : i32
        %dma_start3A_354 = tpu.memref_slice %arg2[%dma_start3A_352, %dma_start3A_353] : memref<10000x64xf32, #tpu.memory_space<hbm>> -> memref<10000x64xf32, #tpu.memory_space<hbm>>
        tpu.enqueue_indirect_dma source(%dma_start3A_354 : memref<10000x64xf32, #tpu.memory_space<hbm>>) target(%arg13 : memref<125x64xf32, #tpu.memory_space<vmem>>) offsets(%dma_start3A_351 : memref<125xi32, #tpu.memory_space<vmem>>) semaphore(%arg22 : memref<!tpu.dma_semaphore, #tpu.memory_space<semaphore_mem>>)
        %add3A_355 = arith.constant 6 : i32
        %add3A_356 = arith.addi %mul3A_143, %add3A_355 : i32
        %dma_wait3A_357 = arith.constant 0 : i32
        %dma_wait3A_358 = tpu.memref_slice %arg7[%add3A_356, %dma_wait3A_357] : memref<80x125xi32, #tpu.memory_space<vmem>> -> memref<1x125xi32, #tpu.memory_space<vmem>>
        %dma_wait3A_359 = tpu.memref_squeeze %dma_wait3A_358 : memref<1x125xi32, #tpu.memory_space<vmem>> -> memref<125xi32, #tpu.memory_space<vmem>>
        %dma_wait3A_360 = arith.constant 0 : i32
        %dma_wait3A_361 = arith.constant 0 : i32
        %dma_wait3A_362 = tpu.memref_slice %arg16[%dma_wait3A_360, %dma_wait3A_361] : memref<10240x64xf32, #tpu.memory_space<vmem_shared>> -> memref<10240x64xf32, #tpu.memory_space<vmem_shared>>
        tpu.wait_indirect_dma semaphore(%arg31 : memref<!tpu.dma_semaphore, #tpu.memory_space<semaphore_mem>>) src(%arg14 : memref<125x64xf32, #tpu.memory_space<vmem>>) dst(%dma_wait3A_362 : memref<10240x64xf32, #tpu.memory_space<vmem_shared>>)
        %add3A_363 = arith.constant 8 : i32
        %add3A_364 = arith.addi %add3A_356, %add3A_363 : i32
        %dma_start3A_365 = arith.constant 0 : i32
        %dma_start3A_366 = tpu.memref_slice %arg6[%add3A_364, %dma_start3A_365] : memref<80x125xi32, #tpu.memory_space<vmem>> -> memref<1x125xi32, #tpu.memory_space<vmem>>
        %dma_start3A_367 = tpu.memref_squeeze %dma_start3A_366 : memref<1x125xi32, #tpu.memory_space<vmem>> -> memref<125xi32, #tpu.memory_space<vmem>>
        %dma_start3A_368 = arith.constant 0 : i32
        %dma_start3A_369 = arith.constant 0 : i32
        %dma_start3A_370 = tpu.memref_slice %arg2[%dma_start3A_368, %dma_start3A_369] : memref<10000x64xf32, #tpu.memory_space<hbm>> -> memref<10000x64xf32, #tpu.memory_space<hbm>>
        tpu.enqueue_indirect_dma source(%dma_start3A_370 : memref<10000x64xf32, #tpu.memory_space<hbm>>) target(%arg14 : memref<125x64xf32, #tpu.memory_space<vmem>>) offsets(%dma_start3A_367 : memref<125xi32, #tpu.memory_space<vmem>>) semaphore(%arg23 : memref<!tpu.dma_semaphore, #tpu.memory_space<semaphore_mem>>)
        %add3A_371 = arith.constant 7 : i32
        %add3A_372 = arith.addi %mul3A_143, %add3A_371 : i32
        %dma_wait3A_373 = arith.constant 0 : i32
        %dma_wait3A_374 = tpu.memref_slice %arg7[%add3A_372, %dma_wait3A_373] : memref<80x125xi32, #tpu.memory_space<vmem>> -> memref<1x125xi32, #tpu.memory_space<vmem>>
        %dma_wait3A_375 = tpu.memref_squeeze %dma_wait3A_374 : memref<1x125xi32, #tpu.memory_space<vmem>> -> memref<125xi32, #tpu.memory_space<vmem>>
        %dma_wait3A_376 = arith.constant 0 : i32
        %dma_wait3A_377 = arith.constant 0 : i32
        %dma_wait3A_378 = tpu.memref_slice %arg16[%dma_wait3A_376, %dma_wait3A_377] : memref<10240x64xf32, #tpu.memory_space<vmem_shared>> -> memref<10240x64xf32, #tpu.memory_space<vmem_shared>>
        tpu.wait_indirect_dma semaphore(%arg32 : memref<!tpu.dma_semaphore, #tpu.memory_space<semaphore_mem>>) src(%arg15 : memref<125x64xf32, #tpu.memory_space<vmem>>) dst(%dma_wait3A_378 : memref<10240x64xf32, #tpu.memory_space<vmem_shared>>)
        %add3A_379 = arith.constant 8 : i32
        %add3A_380 = arith.addi %add3A_372, %add3A_379 : i32
        %dma_start3A_381 = arith.constant 0 : i32
        %dma_start3A_382 = tpu.memref_slice %arg6[%add3A_380, %dma_start3A_381] : memref<80x125xi32, #tpu.memory_space<vmem>> -> memref<1x125xi32, #tpu.memory_space<vmem>>
        %dma_start3A_383 = tpu.memref_squeeze %dma_start3A_382 : memref<1x125xi32, #tpu.memory_space<vmem>> -> memref<125xi32, #tpu.memory_space<vmem>>
        %dma_start3A_384 = arith.constant 0 : i32
        %dma_start3A_385 = arith.constant 0 : i32
        %dma_start3A_386 = tpu.memref_slice %arg2[%dma_start3A_384, %dma_start3A_385] : memref<10000x64xf32, #tpu.memory_space<hbm>> -> memref<10000x64xf32, #tpu.memory_space<hbm>>
        tpu.enqueue_indirect_dma source(%dma_start3A_386 : memref<10000x64xf32, #tpu.memory_space<hbm>>) target(%arg15 : memref<125x64xf32, #tpu.memory_space<vmem>>) offsets(%dma_start3A_383 : memref<125xi32, #tpu.memory_space<vmem>>) semaphore(%arg24 : memref<!tpu.dma_semaphore, #tpu.memory_space<semaphore_mem>>)
      } else {
      }
      %scan3A_258 = arith.constant 0 : i32
      scf.yield %scan3A_258 : i32
    }
    %scan3A_80 = arith.constant 10 : i32
    %dma_wait3A = arith.constant 72 : i32
    %dma_wait3A_81 = arith.constant 0 : i32
    %dma_wait3A_82 = tpu.memref_slice %arg7[%dma_wait3A, %dma_wait3A_81] : memref<80x125xi32, #tpu.memory_space<vmem>> -> memref<1x125xi32, #tpu.memory_space<vmem>>
    %dma_wait3A_83 = tpu.memref_squeeze %dma_wait3A_82 : memref<1x125xi32, #tpu.memory_space<vmem>> -> memref<125xi32, #tpu.memory_space<vmem>>
    %dma_wait3A_84 = arith.constant 0 : i32
    %dma_wait3A_85 = arith.constant 0 : i32
    %dma_wait3A_86 = tpu.memref_slice %arg16[%dma_wait3A_84, %dma_wait3A_85] : memref<10240x64xf32, #tpu.memory_space<vmem_shared>> -> memref<10240x64xf32, #tpu.memory_space<vmem_shared>>
    tpu.wait_indirect_dma semaphore(%arg25 : memref<!tpu.dma_semaphore, #tpu.memory_space<semaphore_mem>>) src(%arg8 : memref<125x64xf32, #tpu.memory_space<vmem>>) dst(%dma_wait3A_86 : memref<10240x64xf32, #tpu.memory_space<vmem_shared>>)
    %dma_wait3A_87 = arith.constant 73 : i32
    %dma_wait3A_88 = arith.constant 0 : i32
    %dma_wait3A_89 = tpu.memref_slice %arg7[%dma_wait3A_87, %dma_wait3A_88] : memref<80x125xi32, #tpu.memory_space<vmem>> -> memref<1x125xi32, #tpu.memory_space<vmem>>
    %dma_wait3A_90 = tpu.memref_squeeze %dma_wait3A_89 : memref<1x125xi32, #tpu.memory_space<vmem>> -> memref<125xi32, #tpu.memory_space<vmem>>
    %dma_wait3A_91 = arith.constant 0 : i32
    %dma_wait3A_92 = arith.constant 0 : i32
    %dma_wait3A_93 = tpu.memref_slice %arg16[%dma_wait3A_91, %dma_wait3A_92] : memref<10240x64xf32, #tpu.memory_space<vmem_shared>> -> memref<10240x64xf32, #tpu.memory_space<vmem_shared>>
    tpu.wait_indirect_dma semaphore(%arg26 : memref<!tpu.dma_semaphore, #tpu.memory_space<semaphore_mem>>) src(%arg9 : memref<125x64xf32, #tpu.memory_space<vmem>>) dst(%dma_wait3A_93 : memref<10240x64xf32, #tpu.memory_space<vmem_shared>>)
    %dma_wait3A_94 = arith.constant 74 : i32
    %dma_wait3A_95 = arith.constant 0 : i32
    %dma_wait3A_96 = tpu.memref_slice %arg7[%dma_wait3A_94, %dma_wait3A_95] : memref<80x125xi32, #tpu.memory_space<vmem>> -> memref<1x125xi32, #tpu.memory_space<vmem>>
    %dma_wait3A_97 = tpu.memref_squeeze %dma_wait3A_96 : memref<1x125xi32, #tpu.memory_space<vmem>> -> memref<125xi32, #tpu.memory_space<vmem>>
    %dma_wait3A_98 = arith.constant 0 : i32
    %dma_wait3A_99 = arith.constant 0 : i32
    %dma_wait3A_100 = tpu.memref_slice %arg16[%dma_wait3A_98, %dma_wait3A_99] : memref<10240x64xf32, #tpu.memory_space<vmem_shared>> -> memref<10240x64xf32, #tpu.memory_space<vmem_shared>>
    tpu.wait_indirect_dma semaphore(%arg27 : memref<!tpu.dma_semaphore, #tpu.memory_space<semaphore_mem>>) src(%arg10 : memref<125x64xf32, #tpu.memory_space<vmem>>) dst(%dma_wait3A_100 : memref<10240x64xf32, #tpu.memory_space<vmem_shared>>)
    %dma_wait3A_101 = arith.constant 75 : i32
    %dma_wait3A_102 = arith.constant 0 : i32
    %dma_wait3A_103 = tpu.memref_slice %arg7[%dma_wait3A_101, %dma_wait3A_102] : memref<80x125xi32, #tpu.memory_space<vmem>> -> memref<1x125xi32, #tpu.memory_space<vmem>>
    %dma_wait3A_104 = tpu.memref_squeeze %dma_wait3A_103 : memref<1x125xi32, #tpu.memory_space<vmem>> -> memref<125xi32, #tpu.memory_space<vmem>>
    %dma_wait3A_105 = arith.constant 0 : i32
    %dma_wait3A_106 = arith.constant 0 : i32
    %dma_wait3A_107 = tpu.memref_slice %arg16[%dma_wait3A_105, %dma_wait3A_106] : memref<10240x64xf32, #tpu.memory_space<vmem_shared>> -> memref<10240x64xf32, #tpu.memory_space<vmem_shared>>
    tpu.wait_indirect_dma semaphore(%arg28 : memref<!tpu.dma_semaphore, #tpu.memory_space<semaphore_mem>>) src(%arg11 : memref<125x64xf32, #tpu.memory_space<vmem>>) dst(%dma_wait3A_107 : memref<10240x64xf32, #tpu.memory_space<vmem_shared>>)
    %dma_wait3A_108 = arith.constant 76 : i32
    %dma_wait3A_109 = arith.constant 0 : i32
    %dma_wait3A_110 = tpu.memref_slice %arg7[%dma_wait3A_108, %dma_wait3A_109] : memref<80x125xi32, #tpu.memory_space<vmem>> -> memref<1x125xi32, #tpu.memory_space<vmem>>
    %dma_wait3A_111 = tpu.memref_squeeze %dma_wait3A_110 : memref<1x125xi32, #tpu.memory_space<vmem>> -> memref<125xi32, #tpu.memory_space<vmem>>
    %dma_wait3A_112 = arith.constant 0 : i32
    %dma_wait3A_113 = arith.constant 0 : i32
    %dma_wait3A_114 = tpu.memref_slice %arg16[%dma_wait3A_112, %dma_wait3A_113] : memref<10240x64xf32, #tpu.memory_space<vmem_shared>> -> memref<10240x64xf32, #tpu.memory_space<vmem_shared>>
    tpu.wait_indirect_dma semaphore(%arg29 : memref<!tpu.dma_semaphore, #tpu.memory_space<semaphore_mem>>) src(%arg12 : memref<125x64xf32, #tpu.memory_space<vmem>>) dst(%dma_wait3A_114 : memref<10240x64xf32, #tpu.memory_space<vmem_shared>>)
    %dma_wait3A_115 = arith.constant 77 : i32
    %dma_wait3A_116 = arith.constant 0 : i32
    %dma_wait3A_117 = tpu.memref_slice %arg7[%dma_wait3A_115, %dma_wait3A_116] : memref<80x125xi32, #tpu.memory_space<vmem>> -> memref<1x125xi32, #tpu.memory_space<vmem>>
    %dma_wait3A_118 = tpu.memref_squeeze %dma_wait3A_117 : memref<1x125xi32, #tpu.memory_space<vmem>> -> memref<125xi32, #tpu.memory_space<vmem>>
    %dma_wait3A_119 = arith.constant 0 : i32
    %dma_wait3A_120 = arith.constant 0 : i32
    %dma_wait3A_121 = tpu.memref_slice %arg16[%dma_wait3A_119, %dma_wait3A_120] : memref<10240x64xf32, #tpu.memory_space<vmem_shared>> -> memref<10240x64xf32, #tpu.memory_space<vmem_shared>>
    tpu.wait_indirect_dma semaphore(%arg30 : memref<!tpu.dma_semaphore, #tpu.memory_space<semaphore_mem>>) src(%arg13 : memref<125x64xf32, #tpu.memory_space<vmem>>) dst(%dma_wait3A_121 : memref<10240x64xf32, #tpu.memory_space<vmem_shared>>)
    %dma_wait3A_122 = arith.constant 78 : i32
    %dma_wait3A_123 = arith.constant 0 : i32
    %dma_wait3A_124 = tpu.memref_slice %arg7[%dma_wait3A_122, %dma_wait3A_123] : memref<80x125xi32, #tpu.memory_space<vmem>> -> memref<1x125xi32, #tpu.memory_space<vmem>>
    %dma_wait3A_125 = tpu.memref_squeeze %dma_wait3A_124 : memref<1x125xi32, #tpu.memory_space<vmem>> -> memref<125xi32, #tpu.memory_space<vmem>>
    %dma_wait3A_126 = arith.constant 0 : i32
    %dma_wait3A_127 = arith.constant 0 : i32
    %dma_wait3A_128 = tpu.memref_slice %arg16[%dma_wait3A_126, %dma_wait3A_127] : memref<10240x64xf32, #tpu.memory_space<vmem_shared>> -> memref<10240x64xf32, #tpu.memory_space<vmem_shared>>
    tpu.wait_indirect_dma semaphore(%arg31 : memref<!tpu.dma_semaphore, #tpu.memory_space<semaphore_mem>>) src(%arg14 : memref<125x64xf32, #tpu.memory_space<vmem>>) dst(%dma_wait3A_128 : memref<10240x64xf32, #tpu.memory_space<vmem_shared>>)
    %dma_wait3A_129 = arith.constant 79 : i32
    %dma_wait3A_130 = arith.constant 0 : i32
    %dma_wait3A_131 = tpu.memref_slice %arg7[%dma_wait3A_129, %dma_wait3A_130] : memref<80x125xi32, #tpu.memory_space<vmem>> -> memref<1x125xi32, #tpu.memory_space<vmem>>
    %dma_wait3A_132 = tpu.memref_squeeze %dma_wait3A_131 : memref<1x125xi32, #tpu.memory_space<vmem>> -> memref<125xi32, #tpu.memory_space<vmem>>
    %dma_wait3A_133 = arith.constant 0 : i32
    %dma_wait3A_134 = arith.constant 0 : i32
    %dma_wait3A_135 = tpu.memref_slice %arg16[%dma_wait3A_133, %dma_wait3A_134] : memref<10240x64xf32, #tpu.memory_space<vmem_shared>> -> memref<10240x64xf32, #tpu.memory_space<vmem_shared>>
    tpu.wait_indirect_dma semaphore(%arg32 : memref<!tpu.dma_semaphore, #tpu.memory_space<semaphore_mem>>) src(%arg15 : memref<125x64xf32, #tpu.memory_space<vmem>>) dst(%dma_wait3A_135 : memref<10240x64xf32, #tpu.memory_space<vmem_shared>>)
    %barrier3A_136 = arith.constant 0 : index
    tpu.barrier barrier_id(%barrier3A_136)
    %mul3A_137 = arith.constant 10000 : i32
    %mul3A_138 = arith.muli %arg0, %mul3A_137 : i32
    %add3A_139 = arith.addi %mul3A_138, %mul3A_2 : i32
    "tpu.region"() ({
      %run_scoped3A = tpu.sem_alloc : memref<!tpu.dma_semaphore, #tpu.memory_space<semaphore_mem>>
      %dma_start3A_140 = arith.constant 0 : i32
      %dma_start3A_141 = tpu.memref_slice %arg5[%add3A_139, %dma_start3A_140] : memref<20000x64xf32, #tpu.memory_space<hbm>> -> memref<625x64xf32, #tpu.memory_space<hbm>>
      %dma_start3A_142 = arith.constant 0 : i32
      %dma_start3A_143 = tpu.memref_slice %arg16[%mul3A_2, %dma_start3A_142] : memref<10240x64xf32, #tpu.memory_space<vmem_shared>> -> memref<625x64xf32, #tpu.memory_space<vmem_shared>>
      tpu.enqueue_dma source(%dma_start3A_143 : memref<625x64xf32, #tpu.memory_space<vmem_shared>>) target(%dma_start3A_141 : memref<625x64xf32, #tpu.memory_space<hbm>>) target_semaphore(%run_scoped3A : memref<!tpu.dma_semaphore, #tpu.memory_space<semaphore_mem>>)
      %dma_wait3A_144 = arith.constant 0 : i32
      %dma_wait3A_145 = tpu.memref_slice %arg5[%add3A_139, %dma_wait3A_144] : memref<20000x64xf32, #tpu.memory_space<hbm>> -> memref<625x64xf32, #tpu.memory_space<hbm>>
      %dma_wait3A_146 = arith.constant 0 : i32
      %dma_wait3A_147 = tpu.memref_slice %arg16[%mul3A_2, %dma_wait3A_146] : memref<10240x64xf32, #tpu.memory_space<vmem_shared>> -> memref<625x64xf32, #tpu.memory_space<vmem_shared>>
      tpu.wait_dma2 semaphore(%run_scoped3A : memref<!tpu.dma_semaphore, #tpu.memory_space<semaphore_mem>>) src(%dma_wait3A_147 : memref<625x64xf32, #tpu.memory_space<vmem_shared>>) dst(%dma_wait3A_145 : memref<625x64xf32, #tpu.memory_space<hbm>>)
      tpu.yield
    }) : () -> ()
    return
  }
}

module attributes {stable_mosaic.version = 14 : i64} {
  func.func @_tc1_body(%arg0: i32, %arg1: memref<2000x128xf32, #tpu.memory_space<vmem>>, %arg2: memref<2000x2xf32, #tpu.memory_space<vmem>>, %arg3: memref<128x64xf32, #tpu.memory_space<vmem>>, %arg4: memref<2000x64xf32, #tpu.memory_space<vmem>>) attributes {dimension_semantics = [#tpu.dimension_semantics<arbitrary>], iteration_bounds = array<i64: 5>, scalar_prefetch = 0 : i64, scratch_operands = 0 : i64, tpu.core_type = #tpu.core_type<tc>, window_params = [{transform_indices = @transform_0, window_bounds = array<i64: 2000, 128>}, {transform_indices = @transform_1, window_bounds = array<i64: 2000, 2>}, {pipeline_mode = #tpu.pipeline_mode<synchronous>, transform_indices = @transform_2, window_bounds = array<i64: 128, 64>}, {transform_indices = @transform_3, window_bounds = array<i64: 2000, 64>}]} {
    %get3A = arith.constant 0 : index
    %get3A_0 = arith.constant 0 : index
    %get3A_1 = vector.load %arg2[%get3A, %get3A_0] : memref<2000x2xf32, #tpu.memory_space<vmem>>, vector<2000x1xf32>
    %get3A_2 = arith.constant 0 : index
    %get3A_3 = arith.constant 1 : index
    %get3A_4 = vector.load %arg2[%get3A_2, %get3A_3] : memref<2000x2xf32, #tpu.memory_space<vmem>>, vector<2000x1xf32>
    %add3A = arith.addf %get3A_1, %get3A_4 : vector<2000x1xf32>
    %add3A_5 = arith.constant 1.000000e+00 : f32
    %add3A_6 = vector.broadcast %add3A_5 : f32 to vector<2000x1xf32>
    %add3A_7 = arith.addf %add3A, %add3A_6 : vector<2000x1xf32>
    %rsqrt3A = math.rsqrt %add3A_7 : vector<2000x1xf32>
    %get3A_8 = arith.constant 0 : index
    %get3A_9 = arith.constant 0 : index
    %get3A_10 = vector.load %arg1[%get3A_8, %get3A_9] : memref<2000x128xf32, #tpu.memory_space<vmem>>, vector<2000x128xf32>
    %get3A_11 = arith.constant 0 : index
    %get3A_12 = arith.constant 0 : index
    %get3A_13 = vector.load %arg3[%get3A_11, %get3A_12] : memref<128x64xf32, #tpu.memory_space<vmem>>, vector<128x64xf32>
    %dot_general3A = arith.constant dense<0.000000e+00> : vector<2000x64xf32>
    %dot_general3A_14 = tpu.matmul %get3A_10, %get3A_13, %dot_general3A {dimension_numbers = #tpu.dot_dimension_numbers<[1], [0], [0], [1], [0, 0, 1, 1], [], []>, transpose_lhs_hint = false} : vector<2000x128xf32>, vector<128x64xf32>, vector<2000x64xf32> -> vector<2000x64xf32>
    %mul3A = vector.broadcast %rsqrt3A : vector<2000x1xf32> to vector<2000x64xf32>
    %mul3A_15 = arith.mulf %dot_general3A_14, %mul3A : vector<2000x64xf32>
    %swap3A = arith.constant 0 : index
    %swap3A_16 = arith.constant 0 : index
    %swap3A_17 = vector.load %arg4[%swap3A, %swap3A_16] : memref<2000x64xf32, #tpu.memory_space<vmem>>, vector<2000x64xf32>
    tpu.vector_store %arg4[%swap3A, %swap3A_16], %mul3A_15 {strides = array<i32>} : memref<2000x64xf32, #tpu.memory_space<vmem>>, vector<2000x64xf32>,
    return
  }
  func.func @transform_0(%arg0: i32) -> (i32, i32) {
    %c0_i32 = arith.constant 0 : i32
    %c0_i32_0 = arith.constant 0 : i32
    return %arg0, %c0_i32 : i32, i32
  }
  func.func @transform_1(%arg0: i32) -> (i32, i32) {
    %c0_i32 = arith.constant 0 : i32
    %c0_i32_0 = arith.constant 0 : i32
    return %arg0, %c0_i32 : i32, i32
  }
  func.func @transform_2(%arg0: i32) -> (i32, i32) {
    %c0_i32 = arith.constant 0 : i32
    %c0_i32_0 = arith.constant 0 : i32
    %c0_i32_1 = arith.constant 0 : i32
    return %c0_i32, %c0_i32_0 : i32, i32
  }
  func.func @transform_3(%arg0: i32) -> (i32, i32) {
    %c0_i32 = arith.constant 0 : i32
    %c0_i32_0 = arith.constant 0 : i32
    return %arg0, %c0_i32 : i32, i32
  }
}

module attributes {stable_mosaic.version = 14 : i64} {
  func.func @_tc2_body(%arg0: i32, %arg1: memref<2000x64xf32, #tpu.memory_space<vmem>>, %arg2: memref<2000x64xf32, #tpu.memory_space<vmem>>, %arg3: memref<2000x64xf32, #tpu.memory_space<vmem>>, %arg4: memref<2000x2xf32, #tpu.memory_space<vmem>>, %arg5: memref<1x64xf32, #tpu.memory_space<vmem>>, %arg6: memref<64x64xf32, #tpu.memory_space<vmem>>, %arg7: memref<2000x64xf32, #tpu.memory_space<vmem>>) attributes {dimension_semantics = [#tpu.dimension_semantics<arbitrary>], iteration_bounds = array<i64: 5>, scalar_prefetch = 0 : i64, scratch_operands = 0 : i64, tpu.core_type = #tpu.core_type<tc>, window_params = [{transform_indices = @transform_0, window_bounds = array<i64: 2000, 64>}, {transform_indices = @transform_1, window_bounds = array<i64: 2000, 64>}, {transform_indices = @transform_2, window_bounds = array<i64: 2000, 64>}, {transform_indices = @transform_3, window_bounds = array<i64: 2000, 2>}, {pipeline_mode = #tpu.pipeline_mode<synchronous>, transform_indices = @transform_4, window_bounds = array<i64: 1, 64>}, {pipeline_mode = #tpu.pipeline_mode<synchronous>, transform_indices = @transform_5, window_bounds = array<i64: 64, 64>}, {transform_indices = @transform_6, window_bounds = array<i64: 2000, 64>}]} {
    %get3A = arith.constant 0 : index
    %get3A_0 = arith.constant 0 : index
    %get3A_1 = vector.load %arg4[%get3A, %get3A_0] : memref<2000x2xf32, #tpu.memory_space<vmem>>, vector<2000x1xf32>
    %get3A_2 = arith.constant 0 : index
    %get3A_3 = arith.constant 1 : index
    %get3A_4 = vector.load %arg4[%get3A_2, %get3A_3] : memref<2000x2xf32, #tpu.memory_space<vmem>>, vector<2000x1xf32>
    %add3A = arith.addf %get3A_1, %get3A_4 : vector<2000x1xf32>
    %add3A_5 = arith.constant 1.000000e+00 : f32
    %add3A_6 = vector.broadcast %add3A_5 : f32 to vector<2000x1xf32>
    %add3A_7 = arith.addf %add3A, %add3A_6 : vector<2000x1xf32>
    %rsqrt3A = math.rsqrt %add3A_7 : vector<2000x1xf32>
    %get3A_8 = arith.constant 0 : index
    %get3A_9 = arith.constant 0 : index
    %get3A_10 = vector.load %arg1[%get3A_8, %get3A_9] : memref<2000x64xf32, #tpu.memory_space<vmem>>, vector<2000x64xf32>
    %get3A_11 = arith.constant 0 : index
    %get3A_12 = arith.constant 0 : index
    %get3A_13 = vector.load %arg2[%get3A_11, %get3A_12] : memref<2000x64xf32, #tpu.memory_space<vmem>>, vector<2000x64xf32>
    %add3A_14 = arith.addf %get3A_10, %get3A_13 : vector<2000x64xf32>
    %get3A_15 = arith.constant 0 : index
    %get3A_16 = arith.constant 0 : index
    %get3A_17 = vector.load %arg3[%get3A_15, %get3A_16] : memref<2000x64xf32, #tpu.memory_space<vmem>>, vector<2000x64xf32>
    %add3A_18 = arith.addf %add3A_14, %get3A_17 : vector<2000x64xf32>
    %mul3A = vector.broadcast %rsqrt3A : vector<2000x1xf32> to vector<2000x64xf32>
    %mul3A_19 = arith.mulf %add3A_18, %mul3A : vector<2000x64xf32>
    %get3A_20 = arith.constant 0 : index
    %get3A_21 = arith.constant 0 : index
    %get3A_22 = vector.load %arg5[%get3A_20, %get3A_21] : memref<1x64xf32, #tpu.memory_space<vmem>>, vector<1x64xf32>
    %add3A_23 = vector.broadcast %get3A_22 : vector<1x64xf32> to vector<2000x64xf32>
    %add3A_24 = arith.addf %mul3A_19, %add3A_23 : vector<2000x64xf32>
    %max3A = arith.constant 0.000000e+00 : f32
    %max3A_25 = vector.broadcast %max3A : f32 to vector<2000x64xf32>
    %max3A_26 = arith.maximumf %add3A_24, %max3A_25 : vector<2000x64xf32>
    %get3A_27 = arith.constant 0 : index
    %get3A_28 = arith.constant 0 : index
    %get3A_29 = vector.load %arg6[%get3A_27, %get3A_28] : memref<64x64xf32, #tpu.memory_space<vmem>>, vector<64x64xf32>
    %dot_general3A = arith.constant dense<0.000000e+00> : vector<2000x64xf32>
    %dot_general3A_30 = tpu.matmul %max3A_26, %get3A_29, %dot_general3A {dimension_numbers = #tpu.dot_dimension_numbers<[1], [0], [0], [1], [0, 0, 1, 1], [], []>, transpose_lhs_hint = false} : vector<2000x64xf32>, vector<64x64xf32>, vector<2000x64xf32> -> vector<2000x64xf32>
    %mul3A_31 = vector.broadcast %rsqrt3A : vector<2000x1xf32> to vector<2000x64xf32>
    %mul3A_32 = arith.mulf %dot_general3A_30, %mul3A_31 : vector<2000x64xf32>
    %swap3A = arith.constant 0 : index
    %swap3A_33 = arith.constant 0 : index
    %swap3A_34 = vector.load %arg7[%swap3A, %swap3A_33] : memref<2000x64xf32, #tpu.memory_space<vmem>>, vector<2000x64xf32>
    tpu.vector_store %arg7[%swap3A, %swap3A_33], %mul3A_32 {strides = array<i32>} : memref<2000x64xf32, #tpu.memory_space<vmem>>, vector<2000x64xf32>,
    return
  }
  func.func @transform_0(%arg0: i32) -> (i32, i32) {
    %add3A = arith.constant 0 : i32
    %add3A_0 = arith.addi %add3A, %arg0 : i32
    %c0_i32 = arith.constant 0 : i32
    %c0_i32_1 = arith.constant 0 : i32
    return %add3A_0, %c0_i32 : i32, i32
  }
  func.func @transform_1(%arg0: i32) -> (i32, i32) {
    %add3A = arith.constant 5 : i32
    %add3A_0 = arith.addi %add3A, %arg0 : i32
    %c0_i32 = arith.constant 0 : i32
    %c0_i32_1 = arith.constant 0 : i32
    return %add3A_0, %c0_i32 : i32, i32
  }
  func.func @transform_2(%arg0: i32) -> (i32, i32) {
    %c0_i32 = arith.constant 0 : i32
    %c0_i32_0 = arith.constant 0 : i32
    return %arg0, %c0_i32 : i32, i32
  }
  func.func @transform_3(%arg0: i32) -> (i32, i32) {
    %c0_i32 = arith.constant 0 : i32
    %c0_i32_0 = arith.constant 0 : i32
    return %arg0, %c0_i32 : i32, i32
  }
  func.func @transform_4(%arg0: i32) -> (i32, i32) {
    %c0_i32 = arith.constant 0 : i32
    %c0_i32_0 = arith.constant 0 : i32
    %c0_i32_1 = arith.constant 0 : i32
    return %c0_i32, %c0_i32_0 : i32, i32
  }
  func.func @transform_5(%arg0: i32) -> (i32, i32) {
    %c0_i32 = arith.constant 0 : i32
    %c0_i32_0 = arith.constant 0 : i32
    %c0_i32_1 = arith.constant 0 : i32
    return %c0_i32, %c0_i32_0 : i32, i32
  }
  func.func @transform_6(%arg0: i32) -> (i32, i32) {
    %c0_i32 = arith.constant 0 : i32
    %c0_i32_0 = arith.constant 0 : i32
    return %arg0, %c0_i32 : i32, i32
  }
}

module attributes {stable_mosaic.version = 14 : i64} {
  func.func @_tc3_body(%arg0: i32, %arg1: memref<2000x64xf32, #tpu.memory_space<vmem>>, %arg2: memref<2000x64xf32, #tpu.memory_space<vmem>>, %arg3: memref<2000x64xf32, #tpu.memory_space<vmem>>, %arg4: memref<2000x2xf32, #tpu.memory_space<vmem>>, %arg5: memref<1x64xf32, #tpu.memory_space<vmem>>, %arg6: memref<64x64xf32, #tpu.memory_space<vmem>>, %arg7: memref<1x64xf32, #tpu.memory_space<vmem>>, %arg8: memref<64x64xf32, #tpu.memory_space<vmem>>, %arg9: memref<1x64xf32, #tpu.memory_space<vmem>>, %arg10: memref<64x128xf32, #tpu.memory_space<vmem>>, %arg11: memref<1x128xf32, #tpu.memory_space<vmem>>, %arg12: memref<2000x128xf32, #tpu.memory_space<vmem>>) attributes {dimension_semantics = [#tpu.dimension_semantics<arbitrary>], iteration_bounds = array<i64: 5>, scalar_prefetch = 0 : i64, scratch_operands = 0 : i64, tpu.core_type = #tpu.core_type<tc>, window_params = [{transform_indices = @transform_0, window_bounds = array<i64: 2000, 64>}, {transform_indices = @transform_1, window_bounds = array<i64: 2000, 64>}, {transform_indices = @transform_2, window_bounds = array<i64: 2000, 64>}, {transform_indices = @transform_3, window_bounds = array<i64: 2000, 2>}, {pipeline_mode = #tpu.pipeline_mode<synchronous>, transform_indices = @transform_4, window_bounds = array<i64: 1, 64>}, {pipeline_mode = #tpu.pipeline_mode<synchronous>, transform_indices = @transform_5, window_bounds = array<i64: 64, 64>}, {pipeline_mode = #tpu.pipeline_mode<synchronous>, transform_indices = @transform_6, window_bounds = array<i64: 1, 64>}, {pipeline_mode = #tpu.pipeline_mode<synchronous>, transform_indices = @transform_7, window_bounds = array<i64: 64, 64>}, {pipeline_mode = #tpu.pipeline_mode<synchronous>, transform_indices = @transform_8, window_bounds = array<i64: 1, 64>}, {pipeline_mode = #tpu.pipeline_mode<synchronous>, transform_indices = @transform_9, window_bounds = array<i64: 64, 128>}, {pipeline_mode = #tpu.pipeline_mode<synchronous>, transform_indices = @transform_10, window_bounds = array<i64: 1, 128>}, {transform_indices = @transform_11, window_bounds = array<i64: 2000, 128>}]} {
    %get3A = arith.constant 0 : index
    %get3A_0 = arith.constant 0 : index
    %get3A_1 = vector.load %arg4[%get3A, %get3A_0] : memref<2000x2xf32, #tpu.memory_space<vmem>>, vector<2000x1xf32>
    %get3A_2 = arith.constant 0 : index
    %get3A_3 = arith.constant 1 : index
    %get3A_4 = vector.load %arg4[%get3A_2, %get3A_3] : memref<2000x2xf32, #tpu.memory_space<vmem>>, vector<2000x1xf32>
    %add3A = arith.addf %get3A_1, %get3A_4 : vector<2000x1xf32>
    %add3A_5 = arith.constant 1.000000e+00 : f32
    %add3A_6 = vector.broadcast %add3A_5 : f32 to vector<2000x1xf32>
    %add3A_7 = arith.addf %add3A, %add3A_6 : vector<2000x1xf32>
    %rsqrt3A = math.rsqrt %add3A_7 : vector<2000x1xf32>
    %get3A_8 = arith.constant 0 : index
    %get3A_9 = arith.constant 0 : index
    %get3A_10 = vector.load %arg1[%get3A_8, %get3A_9] : memref<2000x64xf32, #tpu.memory_space<vmem>>, vector<2000x64xf32>
    %get3A_11 = arith.constant 0 : index
    %get3A_12 = arith.constant 0 : index
    %get3A_13 = vector.load %arg2[%get3A_11, %get3A_12] : memref<2000x64xf32, #tpu.memory_space<vmem>>, vector<2000x64xf32>
    %add3A_14 = arith.addf %get3A_10, %get3A_13 : vector<2000x64xf32>
    %get3A_15 = arith.constant 0 : index
    %get3A_16 = arith.constant 0 : index
    %get3A_17 = vector.load %arg3[%get3A_15, %get3A_16] : memref<2000x64xf32, #tpu.memory_space<vmem>>, vector<2000x64xf32>
    %add3A_18 = arith.addf %add3A_14, %get3A_17 : vector<2000x64xf32>
    %mul3A = vector.broadcast %rsqrt3A : vector<2000x1xf32> to vector<2000x64xf32>
    %mul3A_19 = arith.mulf %add3A_18, %mul3A : vector<2000x64xf32>
    %get3A_20 = arith.constant 0 : index
    %get3A_21 = arith.constant 0 : index
    %get3A_22 = vector.load %arg5[%get3A_20, %get3A_21] : memref<1x64xf32, #tpu.memory_space<vmem>>, vector<1x64xf32>
    %add3A_23 = vector.broadcast %get3A_22 : vector<1x64xf32> to vector<2000x64xf32>
    %add3A_24 = arith.addf %mul3A_19, %add3A_23 : vector<2000x64xf32>
    %max3A = arith.constant 0.000000e+00 : f32
    %max3A_25 = vector.broadcast %max3A : f32 to vector<2000x64xf32>
    %max3A_26 = arith.maximumf %add3A_24, %max3A_25 : vector<2000x64xf32>
    %get3A_27 = arith.constant 0 : index
    %get3A_28 = arith.constant 0 : index
    %get3A_29 = vector.load %arg6[%get3A_27, %get3A_28] : memref<64x64xf32, #tpu.memory_space<vmem>>, vector<64x64xf32>
    %dot_general3A = arith.constant dense<0.000000e+00> : vector<2000x64xf32>
    %dot_general3A_30 = tpu.matmul %max3A_26, %get3A_29, %dot_general3A {dimension_numbers = #tpu.dot_dimension_numbers<[1], [0], [0], [1], [0, 0, 1, 1], [], []>, transpose_lhs_hint = false} : vector<2000x64xf32>, vector<64x64xf32>, vector<2000x64xf32> -> vector<2000x64xf32>
    %get3A_31 = arith.constant 0 : index
    %get3A_32 = arith.constant 0 : index
    %get3A_33 = vector.load %arg7[%get3A_31, %get3A_32] : memref<1x64xf32, #tpu.memory_space<vmem>>, vector<1x64xf32>
    %add3A_34 = vector.broadcast %get3A_33 : vector<1x64xf32> to vector<2000x64xf32>
    %add3A_35 = arith.addf %dot_general3A_30, %add3A_34 : vector<2000x64xf32>
    %max3A_36 = arith.constant 0.000000e+00 : f32
    %max3A_37 = vector.broadcast %max3A_36 : f32 to vector<2000x64xf32>
    %max3A_38 = arith.maximumf %add3A_35, %max3A_37 : vector<2000x64xf32>
    %get3A_39 = arith.constant 0 : index
    %get3A_40 = arith.constant 0 : index
    %get3A_41 = vector.load %arg8[%get3A_39, %get3A_40] : memref<64x64xf32, #tpu.memory_space<vmem>>, vector<64x64xf32>
    %dot_general3A_42 = arith.constant dense<0.000000e+00> : vector<2000x64xf32>
    %dot_general3A_43 = tpu.matmul %max3A_38, %get3A_41, %dot_general3A_42 {dimension_numbers = #tpu.dot_dimension_numbers<[1], [0], [0], [1], [0, 0, 1, 1], [], []>, transpose_lhs_hint = false} : vector<2000x64xf32>, vector<64x64xf32>, vector<2000x64xf32> -> vector<2000x64xf32>
    %get3A_44 = arith.constant 0 : index
    %get3A_45 = arith.constant 0 : index
    %get3A_46 = vector.load %arg9[%get3A_44, %get3A_45] : memref<1x64xf32, #tpu.memory_space<vmem>>, vector<1x64xf32>
    %add3A_47 = vector.broadcast %get3A_46 : vector<1x64xf32> to vector<2000x64xf32>
    %add3A_48 = arith.addf %dot_general3A_43, %add3A_47 : vector<2000x64xf32>
    %max3A_49 = arith.constant 0.000000e+00 : f32
    %max3A_50 = vector.broadcast %max3A_49 : f32 to vector<2000x64xf32>
    %max3A_51 = arith.maximumf %add3A_48, %max3A_50 : vector<2000x64xf32>
    %get3A_52 = arith.constant 0 : index
    %get3A_53 = arith.constant 0 : index
    %get3A_54 = vector.load %arg10[%get3A_52, %get3A_53] : memref<64x128xf32, #tpu.memory_space<vmem>>, vector<64x128xf32>
    %dot_general3A_55 = arith.constant dense<0.000000e+00> : vector<2000x128xf32>
    %dot_general3A_56 = tpu.matmul %max3A_51, %get3A_54, %dot_general3A_55 {dimension_numbers = #tpu.dot_dimension_numbers<[1], [0], [0], [1], [0, 0, 1, 1], [], []>, transpose_lhs_hint = false} : vector<2000x64xf32>, vector<64x128xf32>, vector<2000x128xf32> -> vector<2000x128xf32>
    %get3A_57 = arith.constant 0 : index
    %get3A_58 = arith.constant 0 : index
    %get3A_59 = vector.load %arg11[%get3A_57, %get3A_58] : memref<1x128xf32, #tpu.memory_space<vmem>>, vector<1x128xf32>
    %add3A_60 = vector.broadcast %get3A_59 : vector<1x128xf32> to vector<2000x128xf32>
    %add3A_61 = arith.addf %dot_general3A_56, %add3A_60 : vector<2000x128xf32>
    %iota3A = tpu.iota {dimensions = array<i32: 1>} : vector<2000x128xi32>
    %lt3A = arith.constant 7 : i32
    %lt3A_62 = vector.broadcast %lt3A : i32 to vector<2000x128xi32>
    %lt3A_63 = arith.cmpi slt, %iota3A, %lt3A_62 : vector<2000x128xi32>
    %jit3A = arith.constant -1.000000e+30 : f32
    %broadcast_in_dim3A = vector.broadcast %jit3A : f32 to vector<2000x128xf32>
    %select_n3A = arith.select %lt3A_63, %add3A_61, %broadcast_in_dim3A : vector<2000x128xi1>, vector<2000x128xf32>
    %reduce_max3A = arith.constant dense<0xFF800000> : vector<2000xf32>
    %reduce_max3A_64 = vector.multi_reduction <maximumf>, %select_n3A, %reduce_max3A [1] : vector<2000x128xf32> to vector<2000xf32>
    %broadcast_in_dim3A_65 = vector.shape_cast %reduce_max3A_64 : vector<2000xf32> to vector<2000x1xf32>
    %sub3A = vector.broadcast %broadcast_in_dim3A_65 : vector<2000x1xf32> to vector<2000x128xf32>
    %sub3A_66 = arith.subf %add3A_61, %sub3A : vector<2000x128xf32>
    %exp3A = math.exp %sub3A_66 : vector<2000x128xf32>
    %jit3A_67 = arith.constant 0.000000e+00 : f32
    %broadcast_in_dim3A_68 = vector.broadcast %jit3A_67 : f32 to vector<2000x128xf32>
    %select_n3A_69 = arith.select %lt3A_63, %exp3A, %broadcast_in_dim3A_68 : vector<2000x128xi1>, vector<2000x128xf32>
    %reduce_sum3A = arith.constant dense<0.000000e+00> : vector<2000xf32>
    %reduce_sum3A_70 = vector.multi_reduction <add>, %select_n3A_69, %reduce_sum3A [1] : vector<2000x128xf32> to vector<2000xf32>
    %broadcast_in_dim3A_71 = vector.shape_cast %reduce_sum3A_70 : vector<2000xf32> to vector<2000x1xf32>
    %log3A = math.log %broadcast_in_dim3A_71 : vector<2000x1xf32>
    %sub3A_72 = vector.broadcast %broadcast_in_dim3A_65 : vector<2000x1xf32> to vector<2000x128xf32>
    %sub3A_73 = arith.subf %add3A_61, %sub3A_72 : vector<2000x128xf32>
    %sub3A_74 = vector.broadcast %log3A : vector<2000x1xf32> to vector<2000x128xf32>
    %sub3A_75 = arith.subf %sub3A_73, %sub3A_74 : vector<2000x128xf32>
    %swap3A = arith.constant 0 : index
    %swap3A_76 = arith.constant 0 : index
    %swap3A_77 = vector.load %arg12[%swap3A, %swap3A_76] : memref<2000x128xf32, #tpu.memory_space<vmem>>, vector<2000x128xf32>
    tpu.vector_store %arg12[%swap3A, %swap3A_76], %sub3A_75 {strides = array<i32>} : memref<2000x128xf32, #tpu.memory_space<vmem>>, vector<2000x128xf32>,
    return
  }
  func.func @transform_0(%arg0: i32) -> (i32, i32) {
    %add3A = arith.constant 0 : i32
    %add3A_0 = arith.addi %add3A, %arg0 : i32
    %c0_i32 = arith.constant 0 : i32
    %c0_i32_1 = arith.constant 0 : i32
    return %add3A_0, %c0_i32 : i32, i32
  }
  func.func @transform_1(%arg0: i32) -> (i32, i32) {
    %add3A = arith.constant 5 : i32
    %add3A_0 = arith.addi %add3A, %arg0 : i32
    %c0_i32 = arith.constant 0 : i32
    %c0_i32_1 = arith.constant 0 : i32
    return %add3A_0, %c0_i32 : i32, i32
  }
  func.func @transform_2(%arg0: i32) -> (i32, i32) {
    %c0_i32 = arith.constant 0 : i32
    %c0_i32_0 = arith.constant 0 : i32
    return %arg0, %c0_i32 : i32, i32
  }
  func.func @transform_3(%arg0: i32) -> (i32, i32) {
    %c0_i32 = arith.constant 0 : i32
    %c0_i32_0 = arith.constant 0 : i32
    return %arg0, %c0_i32 : i32, i32
  }
  func.func @transform_4(%arg0: i32) -> (i32, i32) {
    %c0_i32 = arith.constant 0 : i32
    %c0_i32_0 = arith.constant 0 : i32
    %c0_i32_1 = arith.constant 0 : i32
    return %c0_i32, %c0_i32_0 : i32, i32
  }
  func.func @transform_5(%arg0: i32) -> (i32, i32) {
    %c0_i32 = arith.constant 0 : i32
    %c0_i32_0 = arith.constant 0 : i32
    %c0_i32_1 = arith.constant 0 : i32
    return %c0_i32, %c0_i32_0 : i32, i32
  }
  func.func @transform_6(%arg0: i32) -> (i32, i32) {
    %c0_i32 = arith.constant 0 : i32
    %c0_i32_0 = arith.constant 0 : i32
    %c0_i32_1 = arith.constant 0 : i32
    return %c0_i32, %c0_i32_0 : i32, i32
  }
  func.func @transform_7(%arg0: i32) -> (i32, i32) {
    %c0_i32 = arith.constant 0 : i32
    %c0_i32_0 = arith.constant 0 : i32
    %c0_i32_1 = arith.constant 0 : i32
    return %c0_i32, %c0_i32_0 : i32, i32
  }
  func.func @transform_8(%arg0: i32) -> (i32, i32) {
    %c0_i32 = arith.constant 0 : i32
    %c0_i32_0 = arith.constant 0 : i32
    %c0_i32_1 = arith.constant 0 : i32
    return %c0_i32, %c0_i32_0 : i32, i32
  }
  func.func @transform_9(%arg0: i32) -> (i32, i32) {
    %c0_i32 = arith.constant 0 : i32
    %c0_i32_0 = arith.constant 0 : i32
    %c0_i32_1 = arith.constant 0 : i32
    return %c0_i32, %c0_i32_0 : i32, i32
  }
  func.func @transform_10(%arg0: i32) -> (i32, i32) {
    %c0_i32 = arith.constant 0 : i32
    %c0_i32_0 = arith.constant 0 : i32
    %c0_i32_1 = arith.constant 0 : i32
    return %c0_i32, %c0_i32_0 : i32, i32
  }
  func.func @transform_11(%arg0: i32) -> (i32, i32) {
    %c0_i32 = arith.constant 0 : i32
    %c0_i32_0 = arith.constant 0 : i32
    return %arg0, %c0_i32 : i32, i32
  }
}

</mosaic_0001>

<sc_bundles>
// kernel: kernel.11.cloned.1.call-start
scs
__scs_entry_jumppad:
0x0: {  	(pc) =	sbr.rel $0x88, $3  }
0x1: {  	(tag) =	ssettag $0x0;
	lr =	simm.s32 $0x1  }
0x2: {  	[smem:$0x3F95] =	sst lr;
	_ =	strace $0xD0000000  }
0x3: {  	_ = 	snop  }
0x4: {  	_ = 	snop  }
0x5: {  	_ = 	snop  }
0x6: {  	_ = 	snop  }
0x7: {  	_ = 	snop  }
__scs_overlays_trampoline_lowered:
0x8: {  	[smem:$0x3FA4] =	sst s0  }
0x9: {  	[smem:$0x3FA5] =	sst s1  }
0xa: {  	[smem:$0x3FA6] =	sst s2  }
0xb: {  	[smem:$0x3FA7] =	sst s3  }
0xc: {  	[smem:$0x3FA8] =	sst s4  }
0xd: {  	[smem:$0x3FA9] =	sst s5  }
0xe: {  	[smem:$0x3FAA] =	sst s6  }
0xf: {  	[smem:$0x3FAB] =	sst s7  }
0x10: {  	[smem:$0x3FAC] =	sst s8  }
0x11: {  	[smem:$0x3FAD] =	sst s9;
	s0 =	simm.s32 @!p0 $0x0  }
0x12: {  	s1 =	sld [smem:$0x3F93];
	s0 =	simm.s32 @p0 $0x1  }
0x13: {  	[smem:$0x3FAE] =	sst s0;
	s0 =	simm.s32 @!p1 $0x0  }
0x14: {  	s2 =	sld [smem:$0x3F92];
	s0 =	simm.s32 @p1 $0x1  }
0x15: {  	[smem:$0x3FAF] =	sst s0;
	s0 =	simm.s32 @!p2 $0x0  }
0x16: {  	s3 =	sld [smem:$0x3FDB];
	s0 =	simm.s32 @p2 $0x1  }
0x17: {  	s4 =	simm.s32 $0x1BF5;
	[smem:$0x3FB1] =	sst s0  }
0x18: {  	s0 =	sld [smem:$0x3F94];
	_ =	swait.ge [sflag:s4], $0x0  }
0x19: {  	s7 =	sld [smem:$0x3F95]  }
0x1a: {  	s8 =	sadd.s32 $0xFFFFE003, lr  }
0x1b: {  	s9 =	sadd.s32 $0xFFFFFEF7, lr;
	s5 =	simm.s32 $0xFFFFFFFF;
	p2 =	slt.u32 s8, $0xFFFFF086  }
0x1c: {  	p1 =	slt.u32 s9, $0xF7A;
	s5 =	simm.s32 @!p2 $0x0  }
0x1d: {  	s5 =	simm.s32 @p1 $0x1;
	p0 =	seq.s32 s7, s2  }
0x1e: {  	s7 =	smul.u32 @!p0 $0xF7A, s2;
	p2 =	seq.s32 @!p0 s5, $0x0  }
0x1f: {  	s9 =	smul.u32 $0xF7A, s1;
	s8 =	simm.s32 @!p0 $0x1BF5;
	p2 =	por !p2, p0  }
0x20: {  	[sflag:s8] =	ssyncset.s32 @!p0 $0xFFFFF086;
	s6 =	sadd.s32 @!p0 s3, s7;
	s7 =	simm.s32 @!p0 $0x108  }
0x21: {  	s3 =	sadd.s32 s3, s9;
	s6 =	sadd.s32 @!p0 $0x88, s6;
	s7 =	simm.s32 @p2 $0x1082  }
0x22: {  	[simem:s7], [sflag:s8] =	dma.local @!p0 [hbm:s6], $0xF7A  }
0x23: {  	s9 =	sor.u32 $0xD0000000, s2;
	s6 =	simm.s32 $0x108;
	_ =	swait.ge @!p0 [sflag:s8], $0x0  }
0x24: {  	s3 =	sadd.s32 $0x88, s3;
	s6 =	simm.s32 @!p1 $0x1082;
	[sflag:s4] =	ssyncset.s32 $0xFFFFF086  }
0x25: {  	[simem:s6], [sflag:s4] =	dma.local [hbm:s3], $0xF7A  }
0x26: {  	[smem:$0x3F95] =	sst s1;
	(tag) =	ssettag s2;
	_ =	strace s9  }
0x27: {  	s1 =	sld [smem:$0x3FA5]  }
0x28: {  	s2 =	sld [smem:$0x3FA6]  }
0x29: {  	s4 =	sld [smem:$0x3FA8]  }
0x2a: {  	p0 =	seq.s32 s5, $0x0;
	s5 =	sld [smem:$0x3FA9]  }
0x2b: {  	s6 =	sld [smem:$0x3FAA]  }
0x2c: {  	s7 =	sld [smem:$0x3FAB]  }
0x2d: {  	s3 =	simm.s32 $0x108;
	s8 =	sld [smem:$0x3FAC]  }
0x2e: {  	s3 =	simm.s32 @!p0 $0x1082;
	s9 =	sld [smem:$0x3FAD]  }
0x2f: {  	lr =	sadd.s32 s0, s3;
	s0 =	sld [smem:$0x3FA4]  }
0x30: {  	s3 =	sld [smem:$0x3FA7]  }
0x31: {  	[smem:$0x3FB0] =	sst s10  }
0x32: {  	s10 =	sld [smem:$0x3FAE];
	_ =	sdelay $0x3  }
0x33: {  	p0 =	seq.s32 s10, $0x1;
	s10 =	sld [smem:$0x3FB0];
	_ =	sdelay $0x3  }
0x34: {  	[smem:$0x3FB0] =	sst s10  }
0x35: {  	s10 =	sld [smem:$0x3FAF];
	_ =	sdelay $0x3  }
0x36: {  	p1 =	seq.s32 s10, $0x1;
	s10 =	sld [smem:$0x3FB0];
	_ =	sdelay $0x3  }
0x37: {  	[smem:$0x3FB0] =	sst s10  }
0x38: {  	s10 =	sld [smem:$0x3FB1]  }
0x39: {  	_ = 	snop;
	(pc) =	sbr.ind lr, $3  }
0x3a: {  	_ = 	snop  }
0x3b: {  	_ = 	snop  }
0x3c: {  	p2 =	seq.s32 s10, $0x1;
	s10 =	sld [smem:$0x3FB0]  }
0x3d: {  	_ =	shalt  }
0x3e: {  	_ =	shalt  }
0x3f: {  	_ =	shalt  }
0x40: {  	_ =	shalt  }
0x41: {  	_ =	shalt  }
0x42: {  	_ =	shalt  }
0x43: {  	_ =	shalt  }
0x44: {  	_ =	shalt  }
0x45: {  	_ =	shalt  }
0x46: {  	_ =	shalt  }
0x47: {  	_ =	shalt  }
0x48: {  	_ =	shalt  }
0x49: {  	_ =	shalt  }
0x4a: {  	_ =	shalt  }
0x4b: {  	_ =	shalt  }
0x4c: {  	_ =	shalt  }
0x4d: {  	_ =	shalt  }
0x4e: {  	_ =	shalt  }
0x4f: {  	_ =	shalt  }
0x50: {  	_ =	shalt  }
0x51: {  	_ =	shalt  }
0x52: {  	_ =	shalt  }
0x53: {  	_ =	shalt  }
0x54: {  	_ =	shalt  }
0x55: {  	_ =	shalt  }
0x56: {  	_ =	shalt  }
0x57: {  	_ =	shalt  }
0x58: {  	_ =	shalt  }
0x59: {  	_ =	shalt  }
0x5a: {  	_ =	shalt  }
0x5b: {  	_ =	shalt  }
0x5c: {  	_ =	shalt  }
0x5d: {  	_ =	shalt  }
0x5e: {  	_ =	shalt  }
0x5f: {  	_ =	shalt  }
0x60: {  	_ =	shalt  }
0x61: {  	_ =	shalt  }
0x62: {  	_ =	shalt  }
0x63: {  	_ =	shalt  }
0x64: {  	_ =	shalt  }
0x65: {  	_ =	shalt  }
0x66: {  	_ =	shalt  }
0x67: {  	_ =	shalt  }
0x68: {  	_ =	shalt  }
0x69: {  	_ =	shalt  }
0x6a: {  	_ =	shalt  }
0x6b: {  	_ =	shalt  }
0x6c: {  	_ =	shalt  }
0x6d: {  	_ =	shalt  }
0x6e: {  	_ =	shalt  }
0x6f: {  	_ =	shalt  }
0x70: {  	_ =	shalt  }
0x71: {  	_ =	shalt  }
0x72: {  	_ =	shalt  }
0x73: {  	_ =	shalt  }
0x74: {  	_ =	shalt  }
0x75: {  	_ =	shalt  }
0x76: {  	_ =	shalt  }
0x77: {  	_ =	shalt  }
0x78: {  	_ =	shalt  }
0x79: {  	_ =	shalt  }
0x7a: {  	_ =	shalt  }
0x7b: {  	_ =	shalt  }
0x7c: {  	_ =	shalt  }
0x7d: {  	_ =	shalt  }
0x7e: {  	_ =	shalt  }
0x7f: {  	_ =	shalt  }
0x80: {  	_ =	shalt  }
0x81: {  	_ =	shalt  }
0x82: {  	_ =	shalt  }
0x83: {  	_ =	shalt  }
0x84: {  	_ =	shalt  }
0x85: {  	_ =	shalt  }
0x86: {  	_ =	shalt  }
0x87: {  	_ =	shalt  }
.Lfunc_end0:
.L_simem_size_0:
called_computation.1_lowered:
.L_overlay_start_0:
0x88: {  	s2 =	sld [smem:$0x3FD9]  }
0x89: {  	s3 =	sld [smem:$0x3FFE];
	_ =	sdelay $0x1  }
0x8a: {  	s1 =	srdreg.scid  }
0x8b: {  	s0 =	sand.u32 $0x1, s1  }
0x8c: {  	s16 =	sshll.u32 s0, $0xA;
	s2 =	sadd.s32 s3, s2  }
0x8d: {  	s2 =	sadd.s32 s2, s16  }
0x8e: {  	[smem:$0x3FBC] =	sst s2  }
0x8f: {  	_ = 	snop  }
0x90: {  	(tm) =	ssettm $0x1  }
0x91: {  	s17 =	sld [smem:$0x3FFB];
	_ =	sdelay $0x3  }
0x92: {  	_ =	strace s17  }
0x93: {  	s2 =	sld [smem:$0x3FFC];
	_ =	sdelay $0x3  }
0x94: {  	_ =	strace s2  }
0x95: {  	s2 =	sld [smem:$0x3FFD];
	_ =	sdelay $0x3  }
0x96: {  	_ =	strace s2  }
0x97: {  	_ =	strace $0x8FFFFFFF  }
0x98: {  	s18 =	sld [smem:$0x3FDB];
	_ =	sdelay $0x1  }
0x99: {  	s19 =	simm.s32 $_scs_section_size  }
0x9a: {  	s4 =	simm.s32 $_size__tile_overlayer_lowered;
	s5 =	simm.s32 $_tile_overlayer_lowered  }
0x9b: {  	s22 =	simm.s32 $0x1BFF;
	s21 =	sshll.u32 s5, $0x1;
	s2 =	sadd.s32 s19, s18  }
0x9c: {  	s6 =	simm.s32 $0x0;
	s20 =	sshll.u32 s4, $0x1;
	s4 =	sadd.s32 s21, s2  }
0x9d: {  	[timem:s6], [sflag:s22] =	dma.local [hbm:s4], s20  }
0x9e: {  	_ =	swait.ge [sflag:s22], s20  }
0x9f: {  	s3 =	ssub.s32 $0x0, s20;
	[sflag:s22] =	ssyncset.done $0x0  }
0xa0: {  	[sflag:s22] =	ssyncadd.s32 s3;
	_ =	sdelay $0x1  }
0xa1: {  	s23 =	simm.s32 $0x1B8B  }
0xa2: {  	_ =	swait.ge [sflag:s23], $0x1  }
0xa3: {  	[sflag:s23] =	ssyncset.done $0x0  }
0xa4: {  	s25 =	simm.s32 $0x1B8E;
	s24 =	sld [smem:$0x3FFE];
	[sflag:s23] =	ssyncadd.s32 $0xFFFFFFFF  }
0xa5: {  	s26 =	simm.s32 $execute0_lowered;
	[smem:$0x3FD2] =	sst s25  }
0xa6: {  	s4 =	sshll.u32 s26, $0x1;
	_ =	strace $0x80000049;
	[dreg:$0x1] =	wrdreg $0xFFFFFFFF  }
0xa7: {  	s28 =	simm.s32 $_size_execute0_lowered;
	s2 =	sadd.s32 s2, s4;
	[dreg:$0x0] =	wrdreg $0x0  }
0xa8: {  	s4 =	sshll.u32 s28, $0x1;
	[dreg:$0x2] =	wrdreg s2  }
0xa9: {  	[dreg:$0x3] =	wrdreg s4  }
0xaa: {  	[dreg:$0x4] =	wrdreg $0xC0  }
0xab: {  	_ =	task [dreg:s6], $0x5FFFF  }
0xac: {  	[dreg:$0x1] =	wrdreg $0xFFFFFFFF  }
0xad: {  	[dreg:$0x0] =	wrdreg $0x60  }
0xae: {  	[dreg:$0x2] =	wrdreg s24  }
0xaf: {  	[dreg:$0x3] =	wrdreg $0x14A000  }
0xb0: {  	[dreg:$0x4] =	wrdreg $0x9  }
0xb1: {  	_ =	task.clear_ibuf [dreg:s6], $0x5FFFF;
	_ =	strace $0x90000049  }
0xb2: {  	s29 =	simm.s32 $0x9;
	_ =	strace $0x8000004B  }
0xb3: {  	_ =	swait.ge [sflag:s29], $0x1  }
0xb4: {  	[sflag:s29] =	ssyncadd.s32 $0xFFFFFFFF  }
0xb5: {  	_ =	strace $0x9000004B  }
0xb6: {  	_ =	sfence  }
0xb7: {  	s30 =	sld [smem:$0x0];
	_ =	sdelay $0x2  }
0xb8: {  	s31 =	sshll.u32 s1, $0xD;
	s1 =	sshrl.u32 s1, $0x2  }
0xb9: {  	s3 =	sand.u32 $0x4000, s31;
	s1 =	sadd.s32 s1, s30  }
0xba: {  	s0 =	sor.u32 s3, s0;
	s1 =	sshll.u32 s1, $0x11  }
0xbb: {  	s0 =	sor.u32 s1, s0  }
0xbc: {  	s0 =	sadd.s32 $0x8F2B, s0  }
0xbd: {  	[sflag:s0] =	ssyncadd.remote.s32 $0x1  }
0xbe: {  	_ =	sfence.sel $0xFFFF  }
0xbf: {  	[dreg:$0x0] =	wrdreg $0xFFFFFFFF;
	(pc) =	sbr.abs _section_cstart, $3  }
0xc0: {  	[dreg:$0x1] =	wrdreg $0xFFFFFFFF  }
0xc1: {  	_ =	task.clear_ibuf [dreg:s6], $0x2FFFF;
	_ =	strace $0x9FFFFFFF  }
0xc2: {  	(tm) =	ssettm $0x7FFFFFFF  }
0xc3: {  	_ =	shalt  }
tec
execute0_lowered:
.L_overlay_start_1:
0x0: {  	(tag) =	ssettag $0x1  }
0x1: {  	s0 =	srdreg.scid  }
0x2: {  	s4 =	stileid.u32;
	s3 =	rddreg [dreg:$0x0]  }
0x3: {  	s2 =	rddreg [dreg:$0x1];
	s6 =	simm.s32 $0x0;
	s14 =	simm.s32 $0x5000  }
0x4: {  	s17 =	simm.s32 $0x7D;
	s28 =	simm.s32 $0xEC40;
	s30 =	simm.s32 $0x10B80  }
0x5: {  	s16 =	simm.s32 $0x1;
	s18 =	simm.s32 $0x2;
	s29 =	simm.s32 $0x7  }
0x6: {  	s31 =	simm.s32 $0x8;
	s8 =	simm.s32 $0xD;
	s9 =	simm.s32 $0xE  }
0x7: {  	s10 =	simm.s32 $0xF;
	s11 =	simm.s32 $0x10;
	s13 =	simm.s32 $0x0  }
0x8: {  	s0 =	sand.u32 $0x1, s0;
	s5 =	smul.u32 $0x1388, s4;
	[smem:$0x7FF] =	sst s6  }
0x9: {  	s7 =	smul.u32 $0x27100, s4;
	s6 =	simm.s32 $0xB;
	s1 =	sshll.u32 s0, $0x4  }
0xa: {  	s19 =	smul.u32 $0x13880, s0;
	_ =	strace $0x8000004A;
	s0 =	ssub.s32 $0x2, s0  }
0xb: {  	s1 =	sor.u32 s4, s1;
	s4 =	sadd.s32 $0x16000, s3;
	s7 =	sshrl.u32 s7, $0x2  }
0xc: {  	s20 =	sshrl.u32 s0, $0x1;
	s1 =	smul.u32 $0x500, s1;
	s15 =	sadd.s32 s7, s2  }
0xd: {  	s5 =	sadd.s32 s5, s19;
	s21 =	sadd.s32 $0x1F40, s15;
	[dreg:$0x3] =	wrdreg s15  }
0xe: {  	s0 =	ssub.s32 s0, s20;
	s22 =	sadd.s32 $0x3E80, s15;
	[dreg:$0x4] =	wrdreg s21  }
0xf: {  	s19 =	simm.s32 $0x6F40;
	s23 =	sadd.s32 $0x5DC0, s15;
	[dreg:$0x5] =	wrdreg s22  }
0x10: {  	s20 =	simm.s32 $0x3;
	s24 =	sadd.s32 $0x7D00, s15;
	[dreg:$0x6] =	wrdreg s23  }
0x11: {  	s7 =	simm.s32 $0xC;
	s0 =	smax.u32 s0, $0x1;
	[dreg:$0x7] =	wrdreg s24  }
0x12: {  	s1 =	sadd.s32 s1, s3;
	s3 =	sadd.s32 s5, s3;
	[dreg:$0xb] =	wrdreg s0  }
0x13: {  	s21 =	simm.s32 $0x8E80;
	s23 =	simm.s32 $0xADC0;
	s25 =	sadd.s32 $0xC000, s1  }
0x14: {  	s22 =	simm.s32 $0x4;
	s1 =	sadd.s32 $0x2000, s1;
	[dreg:$0x8] =	wrdreg s25  }
0x15: {  	s24 =	simm.s32 $0x5;
	s26 =	sadd.s32 $0x29A00, s3;
	[dreg:$0x9] =	wrdreg s1  }
0x16: {  	s0 =	simm.s32 $0x9;
	s3 =	simm.s32 $0xA;
	[dreg:$0xa] =	wrdreg s26  }
0x17: {  	v0 =	vimm.f32 $0.0e+00;
	s25 =	simm.s32 $0xCD00;
	s1 =	simm.s32 $0x12AC0;
	s26 =	simm.s32 $0x6  }
.LBB2_1:
0x18: {  	s12 =	simm.s32 $0x0  }
0x19: {  	s5 =	sand.u32 $0x7F00, s12  }
0x1a: {  	[dreg:$0xc] =	wrdreg s13;
	s12 =	sand.u32 $0x30, s12;
	s15 =	sshrl.u32 s5, $0x2  }
0x1b: {  	s13 =	simm.s32 $0x0;
	s5 =	simm.s32 $0x40;
	s12 =	sor.u32 s12, s15  }
.LBB2_2:
0x1c: {  	p0 =	sne.s32 s5, $0x7CC0  }
0x1d: {  	[tilespmem:s12+$0x5000] =	vst v0;
	s13 =	sadd.s32 $0x10, s13;
	s12 =	smov.u32 s5;
	s5 =	sadd.s32 $0x40, s5  }
.Ltmp0:
0x1e: {  	(pc) =	sbr.rel @p0 .LBB2_2-.Ltmp0, $4  }
0x1f: {  	_ = 	snop  }
0x20: {  	s12 =	sand.u32 $0x7F00, s12  }
0x21: {  	s15 =	sand.u32 $0x30, s13;
	s12 =	sshrl.u32 s12, $0x2  }
0x22: {  	s12 =	sor.u32 s15, s12  }
0x23: {  	[tilespmem:s12+$0x5000] =	vst v0;
	s5 =	rddreg [dreg:$0x3];
	s13 =	simm.s32 $0x11  }
0x24: {  	[spmem:s5] =	stream.linear.scatter [tilespmem:s14], [sflag:$0x11], $0x1F40, $0x38;
	[tilespmem:$0x1EA00] =	vst v63  }
0x25: {  	_ =	swait.ge [sflag:s13], $0x1F40  }
0x26: {  	[sflag:s13] =	ssyncset.done $0x0  }
0x27: {  	s15 =	rddreg [dreg:$0x4];
	[sflag:s13] =	ssyncadd.s32 $0xFFFFE0C0  }
0x28: {  	[spmem:s15] =	stream.linear.scatter [tilespmem:s14], [sflag:$0x11], $0x1F40, $0x38;
	[tilespmem:$0x1EA00] =	vst v63  }
0x29: {  	_ =	swait.ge [sflag:s13], $0x1F40  }
0x2a: {  	[sflag:s13] =	ssyncset.done $0x0  }
0x2b: {  	s12 =	rddreg [dreg:$0x5];
	[sflag:s13] =	ssyncadd.s32 $0xFFFFE0C0  }
0x2c: {  	[spmem:s12] =	stream.linear.scatter [tilespmem:s14], [sflag:$0x11], $0x1F40, $0x38;
	[tilespmem:$0x1EA00] =	vst v63  }
0x2d: {  	_ =	swait.ge [sflag:s13], $0x1F40  }
0x2e: {  	[sflag:s13] =	ssyncset.done $0x0  }
0x2f: {  	s15 =	rddreg [dreg:$0x6];
	[sflag:s13] =	ssyncadd.s32 $0xFFFFE0C0  }
0x30: {  	[spmem:s15] =	stream.linear.scatter [tilespmem:s14], [sflag:$0x11], $0x1F40, $0x38;
	[tilespmem:$0x1EA00] =	vst v63  }
0x31: {  	_ =	swait.ge [sflag:s13], $0x1F40  }
0x32: {  	[sflag:s13] =	ssyncset.done $0x0  }
0x33: {  	s12 =	rddreg [dreg:$0x7];
	[sflag:s13] =	ssyncadd.s32 $0xFFFFE0C0  }
0x34: {  	[spmem:s12] =	stream.linear.scatter [tilespmem:s14], [sflag:$0x11], $0x1F40, $0x38;
	[tilespmem:$0x1EA00] =	vst v63  }
0x35: {  	_ =	swait.ge [sflag:s13], $0x1F40  }
0x36: {  	[sflag:s13] =	ssyncset.done $0x0  }
0x37: {  	s5 =	simm.s32 $0x0;
	s15 =	rddreg [dreg:$0x8];
	[sflag:s13] =	ssyncadd.s32 $0xFFFFE0C0  }
0x38: {  	[tilespmem:s5], [sflag:$0x11] =	stream.linear.gather [hbm4b:s15+s5], $0x2800, $0x38;
	[tilespmem:$0x1EA00] =	vst v63  }
0x39: {  	_ =	swait.ge [sflag:s13], $0x2800  }
0x3a: {  	[sflag:s13] =	ssyncset.done $0x0  }
0x3b: {  	s15 =	simm.s32 $0x2800;
	s12 =	rddreg [dreg:$0x9];
	[sflag:s13] =	ssyncadd.s32 $0xFFFFD800  }
0x3c: {  	[tilespmem:s15], [sflag:$0x11] =	stream.linear.gather [hbm4b:s12+s5], $0x2800, $0x38;
	[tilespmem:$0x1EA00] =	vst v63  }
0x3d: {  	_ =	swait.ge [sflag:s13], $0x2800  }
0x3e: {  	[sflag:s13] =	ssyncset.done $0x0  }
0x3f: {  	[sflag:s13] =	ssyncadd.s32 $0xFFFFD800  }
0x40: {  	[bflag:$0x0] =	sbarrier.arrive $0xFFFF  }
0x41: {  	[tilespmem:s14], [sflag:$0x1] =	stream.indirect.gather [hbm4b:s4+s17], $0x40, s5, s17, $0xb8;
	[tilespmem:$0x1EA00] =	vst v63  }
0x42: {  	s15 =	simm.s32 $0x80  }
0x43: {  	[tilespmem:s19], [sflag:$0x2] =	stream.indirect.gather [hbm4b:s4+s17], $0x40, s15, s17, $0xb8;
	[tilespmem:$0x1EA00] =	vst v63  }
0x44: {  	s12 =	simm.s32 $0x100  }
0x45: {  	[tilespmem:s21], [sflag:$0x3] =	stream.indirect.gather [hbm4b:s4+s17], $0x40, s12, s17, $0xb8;
	[tilespmem:$0x1EA00] =	vst v63  }
0x46: {  	s13 =	simm.s32 $0x180  }
0x47: {  	[tilespmem:s23], [sflag:$0x4] =	stream.indirect.gather [hbm4b:s4+s17], $0x40, s13, s17, $0xb8;
	[tilespmem:$0x1EA00] =	vst v63  }
0x48: {  	s15 =	simm.s32 $0x200  }
0x49: {  	[tilespmem:s25], [sflag:$0x5] =	stream.indirect.gather [hbm4b:s4+s17], $0x40, s15, s17, $0xb8;
	[tilespmem:$0x1EA00] =	vst v63  }
0x4a: {  	s12 =	simm.s32 $0x280  }
0x4b: {  	[tilespmem:s28], [sflag:$0x6] =	stream.indirect.gather [hbm4b:s4+s17], $0x40, s12, s17, $0xb8;
	[tilespmem:$0x1EA00] =	vst v63  }
0x4c: {  	s13 =	simm.s32 $0x300  }
0x4d: {  	[tilespmem:s30], [sflag:$0x7] =	stream.indirect.gather [hbm4b:s4+s17], $0x40, s13, s17, $0xb8;
	[tilespmem:$0x1EA00] =	vst v63  }
0x4e: {  	s15 =	simm.s32 $0x380  }
0x4f: {  	[tilespmem:s1], [sflag:$0x8] =	stream.indirect.gather [hbm4b:s4+s17], $0x40, s15, s17, $0xb8;
	[tilespmem:$0x1EA00] =	vst v63  }
0x50: {  	_ =	swait.ge [sflag:s16], $0x1F40  }
0x51: {  	[sflag:s16] =	ssyncset.done $0x0  }
0x52: {  	s12 =	simm.s32 $0x2800;
	[sflag:s16] =	ssyncadd.s32 $0xFFFFE0C0  }
0x53: {  	[spmem:s2] =	stream.indirect.scatter.add.f32 [tilespmem:s14], [sflag:$0x9], $0x40, s12, s17, $0xb8;
	[tilespmem:$0x1EA00] =	vst v63  }
0x54: {  	_ =	swait.ge [sflag:s18], $0x1F40  }
0x55: {  	[sflag:s18] =	ssyncset.done $0x0  }
0x56: {  	s13 =	simm.s32 $0x2880;
	[sflag:s18] =	ssyncadd.s32 $0xFFFFE0C0  }
0x57: {  	[spmem:s2] =	stream.indirect.scatter.add.f32 [tilespmem:s19], [sflag:$0xA], $0x40, s13, s17, $0xb8;
	[tilespmem:$0x1EA00] =	vst v63  }
0x58: {  	_ =	swait.ge [sflag:s20], $0x1F40  }
0x59: {  	[sflag:s20] =	ssyncset.done $0x0  }
0x5a: {  	s15 =	simm.s32 $0x2900;
	[sflag:s20] =	ssyncadd.s32 $0xFFFFE0C0  }
0x5b: {  	[spmem:s2] =	stream.indirect.scatter.add.f32 [tilespmem:s21], [sflag:$0xB], $0x40, s15, s17, $0xb8;
	[tilespmem:$0x1EA00] =	vst v63  }
0x5c: {  	_ =	swait.ge [sflag:s22], $0x1F40  }
0x5d: {  	[sflag:s22] =	ssyncset.done $0x0  }
0x5e: {  	s12 =	simm.s32 $0x2980;
	[sflag:s22] =	ssyncadd.s32 $0xFFFFE0C0  }
0x5f: {  	[spmem:s2] =	stream.indirect.scatter.add.f32 [tilespmem:s23], [sflag:$0xC], $0x40, s12, s17, $0xb8;
	[tilespmem:$0x1EA00] =	vst v63  }
0x60: {  	_ =	swait.ge [sflag:s24], $0x1F40  }
0x61: {  	[sflag:s24] =	ssyncset.done $0x0  }
0x62: {  	s13 =	simm.s32 $0x2A00;
	[sflag:s24] =	ssyncadd.s32 $0xFFFFE0C0  }
0x63: {  	[spmem:s2] =	stream.indirect.scatter.add.f32 [tilespmem:s25], [sflag:$0xD], $0x40, s13, s17, $0xb8;
	[tilespmem:$0x1EA00] =	vst v63  }
0x64: {  	_ =	swait.ge [sflag:s26], $0x1F40  }
0x65: {  	[sflag:s26] =	ssyncset.done $0x0  }
0x66: {  	s15 =	simm.s32 $0x2A80;
	[sflag:s26] =	ssyncadd.s32 $0xFFFFE0C0  }
0x67: {  	[spmem:s2] =	stream.indirect.scatter.add.f32 [tilespmem:s28], [sflag:$0xE], $0x40, s15, s17, $0xb8;
	[tilespmem:$0x1EA00] =	vst v63  }
0x68: {  	_ =	swait.ge [sflag:s29], $0x1F40  }
0x69: {  	[sflag:s29] =	ssyncset.done $0x0  }
0x6a: {  	s12 =	simm.s32 $0x2B00;
	[sflag:s29] =	ssyncadd.s32 $0xFFFFE0C0  }
0x6b: {  	[spmem:s2] =	stream.indirect.scatter.add.f32 [tilespmem:s30], [sflag:$0xF], $0x40, s12, s17, $0xb8;
	[tilespmem:$0x1EA00] =	vst v63  }
0x6c: {  	_ =	swait.ge [sflag:s31], $0x1F40  }
0x6d: {  	[sflag:s31] =	ssyncset.done $0x0  }
0x6e: {  	s13 =	simm.s32 $0x2B80;
	[sflag:s31] =	ssyncadd.s32 $0xFFFFE0C0  }
0x6f: {  	[spmem:s2] =	stream.indirect.scatter.add.f32 [tilespmem:s1], [sflag:$0x10], $0x40, s13, s17, $0xb8;
	[tilespmem:$0x1EA00] =	vst v63  }
0x70: {  	_ =	swait.ge [sflag:s0], $0x1F40  }
0x71: {  	[sflag:s0] =	ssyncset.done $0x0  }
0x72: {  	s15 =	simm.s32 $0x400;
	[sflag:s0] =	ssyncadd.s32 $0xFFFFE0C0  }
0x73: {  	[tilespmem:s14], [sflag:$0x1] =	stream.indirect.gather [hbm4b:s4+s17], $0x40, s15, s17, $0xb8;
	[tilespmem:$0x1EA00] =	vst v63  }
0x74: {  	_ =	swait.ge [sflag:s3], $0x1F40  }
0x75: {  	[sflag:s3] =	ssyncset.done $0x0  }
0x76: {  	s12 =	simm.s32 $0x480;
	[sflag:s3] =	ssyncadd.s32 $0xFFFFE0C0  }
0x77: {  	[tilespmem:s19], [sflag:$0x2] =	stream.indirect.gather [hbm4b:s4+s17], $0x40, s12, s17, $0xb8;
	[tilespmem:$0x1EA00] =	vst v63  }
0x78: {  	_ =	swait.ge [sflag:s6], $0x1F40  }
0x79: {  	[sflag:s6] =	ssyncset.done $0x0  }
0x7a: {  	s13 =	simm.s32 $0x500;
	[sflag:s6] =	ssyncadd.s32 $0xFFFFE0C0  }
0x7b: {  	[tilespmem:s21], [sflag:$0x3] =	stream.indirect.gather [hbm4b:s4+s17], $0x40, s13, s17, $0xb8;
	[tilespmem:$0x1EA00] =	vst v63  }
0x7c: {  	_ =	swait.ge [sflag:s7], $0x1F40  }
0x7d: {  	[sflag:s7] =	ssyncset.done $0x0  }
0x7e: {  	s15 =	simm.s32 $0x580;
	[sflag:s7] =	ssyncadd.s32 $0xFFFFE0C0  }
0x7f: {  	[tilespmem:s23], [sflag:$0x4] =	stream.indirect.gather [hbm4b:s4+s17], $0x40, s15, s17, $0xb8;
	[tilespmem:$0x1EA00] =	vst v63  }
0x80: {  	_ =	swait.ge [sflag:s8], $0x1F40  }
0x81: {  	[sflag:s8] =	ssyncset.done $0x0  }
0x82: {  	s12 =	simm.s32 $0x600;
	[sflag:s8] =	ssyncadd.s32 $0xFFFFE0C0  }
0x83: {  	[tilespmem:s25], [sflag:$0x5] =	stream.indirect.gather [hbm4b:s4+s17], $0x40, s12, s17, $0xb8;
	[tilespmem:$0x1EA00] =	vst v63  }
0x84: {  	_ =	swait.ge [sflag:s9], $0x1F40  }
0x85: {  	[sflag:s9] =	ssyncset.done $0x0  }
0x86: {  	s13 =	simm.s32 $0x680;
	[sflag:s9] =	ssyncadd.s32 $0xFFFFE0C0  }
0x87: {  	[tilespmem:s28], [sflag:$0x6] =	stream.indirect.gather [hbm4b:s4+s17], $0x40, s13, s17, $0xb8;
	[tilespmem:$0x1EA00] =	vst v63  }
0x88: {  	_ =	swait.ge [sflag:s10], $0x1F40  }
0x89: {  	[sflag:s10] =	ssyncset.done $0x0  }
0x8a: {  	s15 =	simm.s32 $0x700;
	[sflag:s10] =	ssyncadd.s32 $0xFFFFE0C0  }
0x8b: {  	[tilespmem:s30], [sflag:$0x7] =	stream.indirect.gather [hbm4b:s4+s17], $0x40, s15, s17, $0xb8;
	[tilespmem:$0x1EA00] =	vst v63  }
0x8c: {  	_ =	swait.ge [sflag:s11], $0x1F40  }
0x8d: {  	[sflag:s11] =	ssyncset.done $0x0  }
0x8e: {  	s5 =	simm.s32 $0x780;
	s13 =	simm.s32 $0x1000;
	[sflag:s11] =	ssyncadd.s32 $0xFFFFE0C0  }
.LBB2_4:
0x8f: {  	[tilespmem:s1], [sflag:$0x8] =	stream.indirect.gather [hbm4b:s4+s17], $0x40, s5, s17, $0xb8;
	[tilespmem:$0x1EA00] =	vst v63  }
0x90: {  	s5 =	smov.u32 s13  }
0x91: {  	p0 =	sne.s32 s13, $0x8000;
	s13 =	sadd.s32 $0x1000, s13;
	_ =	swait.ge [sflag:s16], $0x1F40  }
0x92: {  	s5 =	sshra.s32 s5, $0x2;
	[sflag:s16] =	ssyncset.done $0x0  }
0x93: {  	s12 =	sadd.s32 $0x2800, s5;
	[sflag:s16] =	ssyncadd.s32 $0xFFFFE0C0  }
0x94: {  	[spmem:s2] =	stream.indirect.scatter.add.f32 [tilespmem:s14], [sflag:$0x9], $0x40, s12, s17, $0xb8;
	[tilespmem:$0x1EA00] =	vst v63  }
0x95: {  	_ =	swait.ge [sflag:s18], $0x1F40  }
0x96: {  	[sflag:s18] =	ssyncset.done $0x0  }
0x97: {  	s12 =	sadd.s32 $0x2880, s5;
	[sflag:s18] =	ssyncadd.s32 $0xFFFFE0C0  }
0x98: {  	[spmem:s2] =	stream.indirect.scatter.add.f32 [tilespmem:s19], [sflag:$0xA], $0x40, s12, s17, $0xb8;
	[tilespmem:$0x1EA00] =	vst v63  }
0x99: {  	_ =	swait.ge [sflag:s20], $0x1F40  }
0x9a: {  	[sflag:s20] =	ssyncset.done $0x0  }
0x9b: {  	s12 =	sadd.s32 $0x2900, s5;
	[sflag:s20] =	ssyncadd.s32 $0xFFFFE0C0  }
0x9c: {  	[spmem:s2] =	stream.indirect.scatter.add.f32 [tilespmem:s21], [sflag:$0xB], $0x40, s12, s17, $0xb8;
	[tilespmem:$0x1EA00] =	vst v63  }
0x9d: {  	_ =	swait.ge [sflag:s22], $0x1F40  }
0x9e: {  	[sflag:s22] =	ssyncset.done $0x0  }
0x9f: {  	s12 =	sadd.s32 $0x2980, s5;
	[sflag:s22] =	ssyncadd.s32 $0xFFFFE0C0  }
0xa0: {  	[spmem:s2] =	stream.indirect.scatter.add.f32 [tilespmem:s23], [sflag:$0xC], $0x40, s12, s17, $0xb8;
	[tilespmem:$0x1EA00] =	vst v63  }
0xa1: {  	_ =	swait.ge [sflag:s24], $0x1F40  }
0xa2: {  	[sflag:s24] =	ssyncset.done $0x0  }
0xa3: {  	s12 =	sadd.s32 $0x2A00, s5;
	[sflag:s24] =	ssyncadd.s32 $0xFFFFE0C0  }
0xa4: {  	[spmem:s2] =	stream.indirect.scatter.add.f32 [tilespmem:s25], [sflag:$0xD], $0x40, s12, s17, $0xb8;
	[tilespmem:$0x1EA00] =	vst v63  }
0xa5: {  	_ =	swait.ge [sflag:s26], $0x1F40  }
0xa6: {  	[sflag:s26] =	ssyncset.done $0x0  }
0xa7: {  	s12 =	sadd.s32 $0x2A80, s5;
	[sflag:s26] =	ssyncadd.s32 $0xFFFFE0C0  }
0xa8: {  	[spmem:s2] =	stream.indirect.scatter.add.f32 [tilespmem:s28], [sflag:$0xE], $0x40, s12, s17, $0xb8;
	[tilespmem:$0x1EA00] =	vst v63  }
0xa9: {  	_ =	swait.ge [sflag:s29], $0x1F40  }
0xaa: {  	[sflag:s29] =	ssyncset.done $0x0  }
0xab: {  	s12 =	sadd.s32 $0x2B00, s5;
	[sflag:s29] =	ssyncadd.s32 $0xFFFFE0C0  }
0xac: {  	[spmem:s2] =	stream.indirect.scatter.add.f32 [tilespmem:s30], [sflag:$0xF], $0x40, s12, s17, $0xb8;
	[tilespmem:$0x1EA00] =	vst v63  }
0xad: {  	_ =	swait.ge [sflag:s31], $0x1F40  }
0xae: {  	[sflag:s31] =	ssyncset.done $0x0  }
0xaf: {  	s12 =	sadd.s32 $0x2B80, s5;
	[sflag:s31] =	ssyncadd.s32 $0xFFFFE0C0  }
0xb0: {  	[spmem:s2] =	stream.indirect.scatter.add.f32 [tilespmem:s1], [sflag:$0x10], $0x40, s12, s17, $0xb8;
	[tilespmem:$0x1EA00] =	vst v63  }
0xb1: {  	_ =	swait.ge [sflag:s0], $0x1F40  }
0xb2: {  	[sflag:s0] =	ssyncset.done $0x0  }
0xb3: {  	s12 =	sadd.s32 $0x400, s5;
	[sflag:s0] =	ssyncadd.s32 $0xFFFFE0C0  }
0xb4: {  	[tilespmem:s14], [sflag:$0x1] =	stream.indirect.gather [hbm4b:s4+s17], $0x40, s12, s17, $0xb8;
	[tilespmem:$0x1EA00] =	vst v63  }
0xb5: {  	_ =	swait.ge [sflag:s3], $0x1F40  }
0xb6: {  	[sflag:s3] =	ssyncset.done $0x0  }
0xb7: {  	s12 =	sadd.s32 $0x480, s5;
	[sflag:s3] =	ssyncadd.s32 $0xFFFFE0C0  }
0xb8: {  	[tilespmem:s19], [sflag:$0x2] =	stream.indirect.gather [hbm4b:s4+s17], $0x40, s12, s17, $0xb8;
	[tilespmem:$0x1EA00] =	vst v63  }
0xb9: {  	_ =	swait.ge [sflag:s6], $0x1F40  }
0xba: {  	[sflag:s6] =	ssyncset.done $0x0  }
0xbb: {  	s12 =	sadd.s32 $0x500, s5;
	[sflag:s6] =	ssyncadd.s32 $0xFFFFE0C0  }
0xbc: {  	[tilespmem:s21], [sflag:$0x3] =	stream.indirect.gather [hbm4b:s4+s17], $0x40, s12, s17, $0xb8;
	[tilespmem:$0x1EA00] =	vst v63  }
0xbd: {  	_ =	swait.ge [sflag:s7], $0x1F40  }
0xbe: {  	[sflag:s7] =	ssyncset.done $0x0  }
0xbf: {  	s12 =	sadd.s32 $0x580, s5;
	[sflag:s7] =	ssyncadd.s32 $0xFFFFE0C0  }
0xc0: {  	[tilespmem:s23], [sflag:$0x4] =	stream.indirect.gather [hbm4b:s4+s17], $0x40, s12, s17, $0xb8;
	[tilespmem:$0x1EA00] =	vst v63  }
0xc1: {  	_ =	swait.ge [sflag:s8], $0x1F40  }
0xc2: {  	[sflag:s8] =	ssyncset.done $0x0  }
0xc3: {  	s12 =	sadd.s32 $0x600, s5;
	[sflag:s8] =	ssyncadd.s32 $0xFFFFE0C0  }
0xc4: {  	[tilespmem:s25], [sflag:$0x5] =	stream.indirect.gather [hbm4b:s4+s17], $0x40, s12, s17, $0xb8;
	[tilespmem:$0x1EA00] =	vst v63  }
0xc5: {  	_ =	swait.ge [sflag:s9], $0x1F40  }
0xc6: {  	[sflag:s9] =	ssyncset.done $0x0  }
0xc7: {  	s12 =	sadd.s32 $0x680, s5;
	[sflag:s9] =	ssyncadd.s32 $0xFFFFE0C0  }
0xc8: {  	[tilespmem:s28], [sflag:$0x6] =	stream.indirect.gather [hbm4b:s4+s17], $0x40, s12, s17, $0xb8;
	[tilespmem:$0x1EA00] =	vst v63  }
0xc9: {  	_ =	swait.ge [sflag:s10], $0x1F40  }
0xca: {  	[sflag:s10] =	ssyncset.done $0x0  }
.Ltmp1:
0xcb: {  	s12 =	sadd.s32 $0x700, s5;
	[sflag:s10] =	ssyncadd.s32 $0xFFFFE0C0;
	(pc) =	sbr.rel @p0 .LBB2_4-.Ltmp1, $4  }
0xcc: {  	[tilespmem:s30], [sflag:$0x7] =	stream.indirect.gather [hbm4b:s4+s17], $0x40, s12, s17, $0xb8;
	[tilespmem:$0x1EA00] =	vst v63  }
0xcd: {  	_ =	swait.ge [sflag:s11], $0x1F40  }
0xce: {  	[sflag:s11] =	ssyncset.done $0x0  }
0xcf: {  	s5 =	sadd.s32 $0x780, s5;
	[sflag:s11] =	ssyncadd.s32 $0xFFFFE0C0  }
0xd0: {  	[tilespmem:s1], [sflag:$0x8] =	stream.indirect.gather [hbm4b:s4+s17], $0x40, s5, s17, $0xb8;
	[tilespmem:$0x1EA00] =	vst v63  }
0xd1: {  	_ =	swait.ge [sflag:s16], $0x1F40  }
0xd2: {  	[sflag:s16] =	ssyncset.done $0x0  }
0xd3: {  	s12 =	simm.s32 $0x4C00;
	[sflag:s16] =	ssyncadd.s32 $0xFFFFE0C0  }
0xd4: {  	[spmem:s2] =	stream.indirect.scatter.add.f32 [tilespmem:s14], [sflag:$0x9], $0x40, s12, s17, $0xb8;
	[tilespmem:$0x1EA00] =	vst v63  }
0xd5: {  	_ =	swait.ge [sflag:s18], $0x1F40  }
0xd6: {  	[sflag:s18] =	ssyncset.done $0x0  }
0xd7: {  	s13 =	simm.s32 $0x4C80;
	[sflag:s18] =	ssyncadd.s32 $0xFFFFE0C0  }
0xd8: {  	[spmem:s2] =	stream.indirect.scatter.add.f32 [tilespmem:s19], [sflag:$0xA], $0x40, s13, s17, $0xb8;
	[tilespmem:$0x1EA00] =	vst v63  }
0xd9: {  	_ =	swait.ge [sflag:s20], $0x1F40  }
0xda: {  	[sflag:s20] =	ssyncset.done $0x0  }
0xdb: {  	s15 =	simm.s32 $0x4D00;
	[sflag:s20] =	ssyncadd.s32 $0xFFFFE0C0  }
0xdc: {  	[spmem:s2] =	stream.indirect.scatter.add.f32 [tilespmem:s21], [sflag:$0xB], $0x40, s15, s17, $0xb8;
	[tilespmem:$0x1EA00] =	vst v63  }
0xdd: {  	_ =	swait.ge [sflag:s22], $0x1F40  }
0xde: {  	[sflag:s22] =	ssyncset.done $0x0  }
0xdf: {  	s12 =	simm.s32 $0x4D80;
	[sflag:s22] =	ssyncadd.s32 $0xFFFFE0C0  }
0xe0: {  	[spmem:s2] =	stream.indirect.scatter.add.f32 [tilespmem:s23], [sflag:$0xC], $0x40, s12, s17, $0xb8;
	[tilespmem:$0x1EA00] =	vst v63  }
0xe1: {  	_ =	swait.ge [sflag:s24], $0x1F40  }
0xe2: {  	[sflag:s24] =	ssyncset.done $0x0  }
0xe3: {  	s13 =	simm.s32 $0x4E00;
	[sflag:s24] =	ssyncadd.s32 $0xFFFFE0C0  }
0xe4: {  	[spmem:s2] =	stream.indirect.scatter.add.f32 [tilespmem:s25], [sflag:$0xD], $0x40, s13, s17, $0xb8;
	[tilespmem:$0x1EA00] =	vst v63  }
0xe5: {  	_ =	swait.ge [sflag:s26], $0x1F40  }
0xe6: {  	[sflag:s26] =	ssyncset.done $0x0  }
0xe7: {  	s15 =	simm.s32 $0x4E80;
	[sflag:s26] =	ssyncadd.s32 $0xFFFFE0C0  }
0xe8: {  	[spmem:s2] =	stream.indirect.scatter.add.f32 [tilespmem:s28], [sflag:$0xE], $0x40, s15, s17, $0xb8;
	[tilespmem:$0x1EA00] =	vst v63  }
0xe9: {  	_ =	swait.ge [sflag:s29], $0x1F40  }
0xea: {  	[sflag:s29] =	ssyncset.done $0x0  }
0xeb: {  	s12 =	simm.s32 $0x4F00;
	[sflag:s29] =	ssyncadd.s32 $0xFFFFE0C0  }
0xec: {  	[spmem:s2] =	stream.indirect.scatter.add.f32 [tilespmem:s30], [sflag:$0xF], $0x40, s12, s17, $0xb8;
	[tilespmem:$0x1EA00] =	vst v63  }
0xed: {  	_ =	swait.ge [sflag:s31], $0x1F40  }
0xee: {  	[sflag:s31] =	ssyncset.done $0x0  }
0xef: {  	s13 =	simm.s32 $0x4F80;
	[sflag:s31] =	ssyncadd.s32 $0xFFFFE0C0  }
0xf0: {  	[spmem:s2] =	stream.indirect.scatter.add.f32 [tilespmem:s1], [sflag:$0x10], $0x40, s13, s17, $0xb8;
	[tilespmem:$0x1EA00] =	vst v63  }
0xf1: {  	_ =	swait.ge [sflag:s0], $0x1F40  }
0xf2: {  	[sflag:s0] =	ssyncset.done $0x0  }
0xf3: {  	[sflag:s0] =	ssyncadd.s32 $0xFFFFE0C0  }
0xf4: {  	_ =	swait.ge [sflag:s3], $0x1F40  }
0xf5: {  	[sflag:s3] =	ssyncset.done $0x0  }
0xf6: {  	[sflag:s3] =	ssyncadd.s32 $0xFFFFE0C0  }
0xf7: {  	_ =	swait.ge [sflag:s6], $0x1F40  }
0xf8: {  	[sflag:s6] =	ssyncset.done $0x0  }
0xf9: {  	[sflag:s6] =	ssyncadd.s32 $0xFFFFE0C0  }
0xfa: {  	_ =	swait.ge [sflag:s7], $0x1F40  }
0xfb: {  	[sflag:s7] =	ssyncset.done $0x0  }
0xfc: {  	[sflag:s7] =	ssyncadd.s32 $0xFFFFE0C0  }
0xfd: {  	_ =	swait.ge [sflag:s8], $0x1F40  }
0xfe: {  	[sflag:s8] =	ssyncset.done $0x0  }
0xff: {  	[sflag:s8] =	ssyncadd.s32 $0xFFFFE0C0  }
0x100: {  	_ =	swait.ge [sflag:s9], $0x1F40  }
0x101: {  	[sflag:s9] =	ssyncset.done $0x0  }
0x102: {  	[sflag:s9] =	ssyncadd.s32 $0xFFFFE0C0  }
0x103: {  	_ =	swait.ge [sflag:s10], $0x1F40  }
0x104: {  	[sflag:s10] =	ssyncset.done $0x0  }
0x105: {  	[sflag:s10] =	ssyncadd.s32 $0xFFFFE0C0  }
0x106: {  	_ =	swait.ge [sflag:s11], $0x1F40  }
0x107: {  	[sflag:s11] =	ssyncset.done $0x0  }
0x108: {  	[sflag:s11] =	ssyncadd.s32 $0xFFFFE0C0  }
0x109: {  	s15 =	stileid.u32;
	[bflag:$0x0] =	sbarrier.arrive $0xFFFF  }
0x10a: {  	s5 =	sshll.u32 s15, $0x6;
	s15 =	rddreg [dreg:$0x3]  }
0x10b: {  	s5 =	sor.u32 $0x1C11, s5;
	s13 =	rddreg [dreg:$0xa];
	s12 =	sshrl.u32 s15, $0x3  }
0x10c: {  	[hbm:s13], [sflag:s5] =	dma.local [spmem:s12], $0x1388  }
0x10d: {  	s12 =	simm.s32 $0x11  }
0x10e: {  	_ =	swait.ge [sflag:s12], $0x1388  }
0x10f: {  	s5 =	rddreg [dreg:$0xc]  }
0x110: {  	s15 =	rddreg [dreg:$0xb];
	s13 =	sadd.s32 $0x1, s5  }
0x111: {  	p0 =	sne.s32 s13, s15  }
.Ltmp2:
0x112: {  	_ = 	snop;
	(pc) =	sbr.rel @p0 .LBB2_1-.Ltmp2, $3  }
0x113: {  	_ =	sdelay $0x1  }
0x114: {  	[sflag:s12] =	ssyncset.done $0x0  }
0x115: {  	[sflag:s12] =	ssyncadd.s32 $0xFFFFEC78  }
0x116: {  	_ =	sfence.sel $0x180000  }
0x117: {  	[bflag:$0x0] =	sbarrier.arrive $0xFFFF  }
0x118: {  	_ =	strace $0x9000004A  }
0x119: {  	s0 =	stileid.u32;
	[bflag:$0x2] =	sbarrier.arrive $0xFFFF  }
0x11a: {  	p0 =	sne.s32 s0, $0x0;
	s0 =	rddreg [dreg:$0x2]  }
0x11b: {  	s0 =	sadd.s32 @!p0 $0x100000, s0  }
0x11c: {  	[sflag:s0] =	ssyncadd.tile.s32 @!p0 $0x1;
	_ =	shalt  }
.Lfunc_end2:
_tile_overlayer_lowered:
.L_overlay_start_2:
0x11d: {  	(tag) =	ssettag $0x2  }
0x11e: {  	s0 =	rddreg [dreg:$0x0];
	s2 =	stileid.u32  }
0x11f: {  	s1 =	rddreg [dreg:$0x1];
	p0 =	sne.s32 s2, $0x0  }
0x120: {  	s3 =	rddreg [dreg:$0x2];
	[bflag:$0x3] =	sbarrier.arrive $0xFFFF;
	s2 =	simm.s32 @!p0 $0x1C11  }
0x121: {  	[timem:s3], [sflag:s2] =	dma.local @!p0 [hbm:s0], s1  }
0x122: {  	s0 =	simm.s32 @!p0 $0x11  }
0x123: {  	_ =	swait.ge @!p0 [sflag:s0], s1  }
0x124: {  	s1 =	ssub.s32 @!p0 $0x0, s1;
	[sflag:s0] =	ssyncset.done @!p0 $0x0  }
0x125: {  	[sflag:s0] =	ssyncadd.s32 @!p0 s1  }
0x126: {  	[bflag:$0x3] =	sbarrier.arrive $0xFFFF  }
0x127: {  	_ =	shalt  }

// kernel: kernel.14.cloned.1.call-start
scs
__scs_entry_jumppad:
0x0: {  	(pc) =	sbr.rel $0x88, $3  }
0x1: {  	(tag) =	ssettag $0x0;
	lr =	simm.s32 $0x1  }
0x2: {  	[smem:$0x3F95] =	sst lr;
	_ =	strace $0xD0000000  }
0x3: {  	_ = 	snop  }
0x4: {  	_ = 	snop  }
0x5: {  	_ = 	snop  }
0x6: {  	_ = 	snop  }
0x7: {  	_ = 	snop  }
__scs_overlays_trampoline_lowered:
0x8: {  	[smem:$0x3FA4] =	sst s0  }
0x9: {  	[smem:$0x3FA5] =	sst s1  }
0xa: {  	[smem:$0x3FA6] =	sst s2  }
0xb: {  	[smem:$0x3FA7] =	sst s3  }
0xc: {  	[smem:$0x3FA8] =	sst s4  }
0xd: {  	[smem:$0x3FA9] =	sst s5  }
0xe: {  	[smem:$0x3FAA] =	sst s6  }
0xf: {  	[smem:$0x3FAB] =	sst s7  }
0x10: {  	[smem:$0x3FAC] =	sst s8  }
0x11: {  	[smem:$0x3FAD] =	sst s9;
	s0 =	simm.s32 @!p0 $0x0  }
0x12: {  	s1 =	sld [smem:$0x3F93];
	s0 =	simm.s32 @p0 $0x1  }
0x13: {  	[smem:$0x3FAE] =	sst s0;
	s0 =	simm.s32 @!p1 $0x0  }
0x14: {  	s2 =	sld [smem:$0x3F92];
	s0 =	simm.s32 @p1 $0x1  }
0x15: {  	[smem:$0x3FAF] =	sst s0;
	s0 =	simm.s32 @!p2 $0x0  }
0x16: {  	s3 =	sld [smem:$0x3FDB];
	s0 =	simm.s32 @p2 $0x1  }
0x17: {  	s4 =	simm.s32 $0x1BF5;
	[smem:$0x3FB1] =	sst s0  }
0x18: {  	s0 =	sld [smem:$0x3F94];
	_ =	swait.ge [sflag:s4], $0x0  }
0x19: {  	s7 =	sld [smem:$0x3F95]  }
0x1a: {  	s8 =	sadd.s32 $0xFFFFE003, lr  }
0x1b: {  	s9 =	sadd.s32 $0xFFFFFEF7, lr;
	s5 =	simm.s32 $0xFFFFFFFF;
	p2 =	slt.u32 s8, $0xFFFFF086  }
0x1c: {  	p1 =	slt.u32 s9, $0xF7A;
	s5 =	simm.s32 @!p2 $0x0  }
0x1d: {  	s5 =	simm.s32 @p1 $0x1;
	p0 =	seq.s32 s7, s2  }
0x1e: {  	s7 =	smul.u32 @!p0 $0xF7A, s2;
	p2 =	seq.s32 @!p0 s5, $0x0  }
0x1f: {  	s9 =	smul.u32 $0xF7A, s1;
	s8 =	simm.s32 @!p0 $0x1BF5;
	p2 =	por !p2, p0  }
0x20: {  	[sflag:s8] =	ssyncset.s32 @!p0 $0xFFFFF086;
	s6 =	sadd.s32 @!p0 s3, s7;
	s7 =	simm.s32 @!p0 $0x108  }
0x21: {  	s3 =	sadd.s32 s3, s9;
	s6 =	sadd.s32 @!p0 $0x88, s6;
	s7 =	simm.s32 @p2 $0x1082  }
0x22: {  	[simem:s7], [sflag:s8] =	dma.local @!p0 [hbm:s6], $0xF7A  }
0x23: {  	s9 =	sor.u32 $0xD0000000, s2;
	s6 =	simm.s32 $0x108;
	_ =	swait.ge @!p0 [sflag:s8], $0x0  }
0x24: {  	s3 =	sadd.s32 $0x88, s3;
	s6 =	simm.s32 @!p1 $0x1082;
	[sflag:s4] =	ssyncset.s32 $0xFFFFF086  }
0x25: {  	[simem:s6], [sflag:s4] =	dma.local [hbm:s3], $0xF7A  }
0x26: {  	[smem:$0x3F95] =	sst s1;
	(tag) =	ssettag s2;
	_ =	strace s9  }
0x27: {  	s1 =	sld [smem:$0x3FA5]  }
0x28: {  	s2 =	sld [smem:$0x3FA6]  }
0x29: {  	s4 =	sld [smem:$0x3FA8]  }
0x2a: {  	p0 =	seq.s32 s5, $0x0;
	s5 =	sld [smem:$0x3FA9]  }
0x2b: {  	s6 =	sld [smem:$0x3FAA]  }
0x2c: {  	s7 =	sld [smem:$0x3FAB]  }
0x2d: {  	s3 =	simm.s32 $0x108;
	s8 =	sld [smem:$0x3FAC]  }
0x2e: {  	s3 =	simm.s32 @!p0 $0x1082;
	s9 =	sld [smem:$0x3FAD]  }
0x2f: {  	lr =	sadd.s32 s0, s3;
	s0 =	sld [smem:$0x3FA4]  }
0x30: {  	s3 =	sld [smem:$0x3FA7]  }
0x31: {  	[smem:$0x3FB0] =	sst s10  }
0x32: {  	s10 =	sld [smem:$0x3FAE];
	_ =	sdelay $0x3  }
0x33: {  	p0 =	seq.s32 s10, $0x1;
	s10 =	sld [smem:$0x3FB0];
	_ =	sdelay $0x3  }
0x34: {  	[smem:$0x3FB0] =	sst s10  }
0x35: {  	s10 =	sld [smem:$0x3FAF];
	_ =	sdelay $0x3  }
0x36: {  	p1 =	seq.s32 s10, $0x1;
	s10 =	sld [smem:$0x3FB0];
	_ =	sdelay $0x3  }
0x37: {  	[smem:$0x3FB0] =	sst s10  }
0x38: {  	s10 =	sld [smem:$0x3FB1]  }
0x39: {  	_ = 	snop;
	(pc) =	sbr.ind lr, $3  }
0x3a: {  	_ = 	snop  }
0x3b: {  	_ = 	snop  }
0x3c: {  	p2 =	seq.s32 s10, $0x1;
	s10 =	sld [smem:$0x3FB0]  }
0x3d: {  	_ =	shalt  }
0x3e: {  	_ =	shalt  }
0x3f: {  	_ =	shalt  }
0x40: {  	_ =	shalt  }
0x41: {  	_ =	shalt  }
0x42: {  	_ =	shalt  }
0x43: {  	_ =	shalt  }
0x44: {  	_ =	shalt  }
0x45: {  	_ =	shalt  }
0x46: {  	_ =	shalt  }
0x47: {  	_ =	shalt  }
0x48: {  	_ =	shalt  }
0x49: {  	_ =	shalt  }
0x4a: {  	_ =	shalt  }
0x4b: {  	_ =	shalt  }
0x4c: {  	_ =	shalt  }
0x4d: {  	_ =	shalt  }
0x4e: {  	_ =	shalt  }
0x4f: {  	_ =	shalt  }
0x50: {  	_ =	shalt  }
0x51: {  	_ =	shalt  }
0x52: {  	_ =	shalt  }
0x53: {  	_ =	shalt  }
0x54: {  	_ =	shalt  }
0x55: {  	_ =	shalt  }
0x56: {  	_ =	shalt  }
0x57: {  	_ =	shalt  }
0x58: {  	_ =	shalt  }
0x59: {  	_ =	shalt  }
0x5a: {  	_ =	shalt  }
0x5b: {  	_ =	shalt  }
0x5c: {  	_ =	shalt  }
0x5d: {  	_ =	shalt  }
0x5e: {  	_ =	shalt  }
0x5f: {  	_ =	shalt  }
0x60: {  	_ =	shalt  }
0x61: {  	_ =	shalt  }
0x62: {  	_ =	shalt  }
0x63: {  	_ =	shalt  }
0x64: {  	_ =	shalt  }
0x65: {  	_ =	shalt  }
0x66: {  	_ =	shalt  }
0x67: {  	_ =	shalt  }
0x68: {  	_ =	shalt  }
0x69: {  	_ =	shalt  }
0x6a: {  	_ =	shalt  }
0x6b: {  	_ =	shalt  }
0x6c: {  	_ =	shalt  }
0x6d: {  	_ =	shalt  }
0x6e: {  	_ =	shalt  }
0x6f: {  	_ =	shalt  }
0x70: {  	_ =	shalt  }
0x71: {  	_ =	shalt  }
0x72: {  	_ =	shalt  }
0x73: {  	_ =	shalt  }
0x74: {  	_ =	shalt  }
0x75: {  	_ =	shalt  }
0x76: {  	_ =	shalt  }
0x77: {  	_ =	shalt  }
0x78: {  	_ =	shalt  }
0x79: {  	_ =	shalt  }
0x7a: {  	_ =	shalt  }
0x7b: {  	_ =	shalt  }
0x7c: {  	_ =	shalt  }
0x7d: {  	_ =	shalt  }
0x7e: {  	_ =	shalt  }
0x7f: {  	_ =	shalt  }
0x80: {  	_ =	shalt  }
0x81: {  	_ =	shalt  }
0x82: {  	_ =	shalt  }
0x83: {  	_ =	shalt  }
0x84: {  	_ =	shalt  }
0x85: {  	_ =	shalt  }
0x86: {  	_ =	shalt  }
0x87: {  	_ =	shalt  }
.Lfunc_end0:
.L_simem_size_0:
called_computation.2_lowered:
.L_overlay_start_0:
0x88: {  	s2 =	sld [smem:$0x3FD9]  }
0x89: {  	s3 =	sld [smem:$0x3FFE];
	_ =	sdelay $0x1  }
0x8a: {  	s1 =	srdreg.scid  }
0x8b: {  	s0 =	sand.u32 $0x1, s1  }
0x8c: {  	s16 =	sshll.u32 s0, $0xA;
	s2 =	sadd.s32 s3, s2  }
0x8d: {  	s2 =	sadd.s32 s2, s16  }
0x8e: {  	[smem:$0x3FBC] =	sst s2  }
0x8f: {  	_ = 	snop  }
0x90: {  	(tm) =	ssettm $0x1  }
0x91: {  	s17 =	sld [smem:$0x3FFB];
	_ =	sdelay $0x3  }
0x92: {  	_ =	strace s17  }
0x93: {  	s2 =	sld [smem:$0x3FFC];
	_ =	sdelay $0x3  }
0x94: {  	_ =	strace s2  }
0x95: {  	s2 =	sld [smem:$0x3FFD];
	_ =	sdelay $0x3  }
0x96: {  	_ =	strace s2  }
0x97: {  	_ =	strace $0x8FFFFFFF  }
0x98: {  	s18 =	sld [smem:$0x3FDB];
	_ =	sdelay $0x1  }
0x99: {  	s19 =	simm.s32 $_scs_section_size  }
0x9a: {  	s4 =	simm.s32 $_size__tile_overlayer_lowered;
	s5 =	simm.s32 $_tile_overlayer_lowered  }
0x9b: {  	s22 =	simm.s32 $0x1BFF;
	s21 =	sshll.u32 s5, $0x1;
	s2 =	sadd.s32 s19, s18  }
0x9c: {  	s6 =	simm.s32 $0x0;
	s20 =	sshll.u32 s4, $0x1;
	s4 =	sadd.s32 s21, s2  }
0x9d: {  	[timem:s6], [sflag:s22] =	dma.local [hbm:s4], s20  }
0x9e: {  	_ =	swait.ge [sflag:s22], s20  }
0x9f: {  	s3 =	ssub.s32 $0x0, s20;
	[sflag:s22] =	ssyncset.done $0x0  }
0xa0: {  	[sflag:s22] =	ssyncadd.s32 s3;
	_ =	sdelay $0x1  }
0xa1: {  	s23 =	simm.s32 $0x1B8B  }
0xa2: {  	_ =	swait.ge [sflag:s23], $0x1  }
0xa3: {  	[sflag:s23] =	ssyncset.done $0x0  }
0xa4: {  	s25 =	simm.s32 $0x1B8E;
	s24 =	sld [smem:$0x3FFE];
	[sflag:s23] =	ssyncadd.s32 $0xFFFFFFFF  }
0xa5: {  	s26 =	simm.s32 $execute0_lowered;
	[smem:$0x3FD2] =	sst s25  }
0xa6: {  	s4 =	sshll.u32 s26, $0x1;
	_ =	strace $0x8000004C;
	[dreg:$0x1] =	wrdreg $0xFFFFFFFF  }
0xa7: {  	s28 =	simm.s32 $_size_execute0_lowered;
	s2 =	sadd.s32 s2, s4;
	[dreg:$0x0] =	wrdreg $0x0  }
0xa8: {  	s4 =	sshll.u32 s28, $0x1;
	[dreg:$0x2] =	wrdreg s2  }
0xa9: {  	[dreg:$0x3] =	wrdreg s4  }
0xaa: {  	[dreg:$0x4] =	wrdreg $0xC0  }
0xab: {  	_ =	task [dreg:s6], $0x5FFFF  }
0xac: {  	[dreg:$0x1] =	wrdreg $0xFFFFFFFF  }
0xad: {  	[dreg:$0x0] =	wrdreg $0x60  }
0xae: {  	[dreg:$0x2] =	wrdreg s24  }
0xaf: {  	[dreg:$0x3] =	wrdreg $0x14A000  }
0xb0: {  	[dreg:$0x4] =	wrdreg $0x9  }
0xb1: {  	_ =	task.clear_ibuf [dreg:s6], $0x5FFFF;
	_ =	strace $0x9000004C  }
0xb2: {  	s29 =	simm.s32 $0x9;
	_ =	strace $0x8000004E  }
0xb3: {  	_ =	swait.ge [sflag:s29], $0x1  }
0xb4: {  	[sflag:s29] =	ssyncadd.s32 $0xFFFFFFFF  }
0xb5: {  	_ =	strace $0x9000004E  }
0xb6: {  	_ =	sfence  }
0xb7: {  	s30 =	sld [smem:$0x0];
	_ =	sdelay $0x2  }
0xb8: {  	s31 =	sshll.u32 s1, $0xD;
	s1 =	sshrl.u32 s1, $0x2  }
0xb9: {  	s3 =	sand.u32 $0x4000, s31;
	s1 =	sadd.s32 s1, s30  }
0xba: {  	s0 =	sor.u32 s3, s0;
	s1 =	sshll.u32 s1, $0x11  }
0xbb: {  	s0 =	sor.u32 s1, s0  }
0xbc: {  	s0 =	sadd.s32 $0x8F2B, s0  }
0xbd: {  	[sflag:s0] =	ssyncadd.remote.s32 $0x1  }
0xbe: {  	_ =	sfence.sel $0xFFFF  }
0xbf: {  	[dreg:$0x0] =	wrdreg $0xFFFFFFFF;
	(pc) =	sbr.abs _section_cstart, $3  }
0xc0: {  	[dreg:$0x1] =	wrdreg $0xFFFFFFFF  }
0xc1: {  	_ =	task.clear_ibuf [dreg:s6], $0x2FFFF;
	_ =	strace $0x9FFFFFFF  }
0xc2: {  	(tm) =	ssettm $0x7FFFFFFF  }
0xc3: {  	_ =	shalt  }
tec
execute0_lowered:
.L_overlay_start_1:
0x0: {  	(tag) =	ssettag $0x1  }
0x1: {  	s0 =	srdreg.scid  }
0x2: {  	s4 =	stileid.u32;
	s3 =	rddreg [dreg:$0x0]  }
0x3: {  	s2 =	rddreg [dreg:$0x1];
	s6 =	simm.s32 $0x0;
	s14 =	simm.s32 $0x5000  }
0x4: {  	s17 =	simm.s32 $0x7D;
	s28 =	simm.s32 $0xEC40;
	s30 =	simm.s32 $0x10B80  }
0x5: {  	s16 =	simm.s32 $0x1;
	s18 =	simm.s32 $0x2;
	s29 =	simm.s32 $0x7  }
0x6: {  	s31 =	simm.s32 $0x8;
	s8 =	simm.s32 $0xD;
	s9 =	simm.s32 $0xE  }
0x7: {  	s10 =	simm.s32 $0xF;
	s11 =	simm.s32 $0x10;
	s13 =	simm.s32 $0x0  }
0x8: {  	s0 =	sand.u32 $0x1, s0;
	s5 =	smul.u32 $0x1388, s4;
	[smem:$0x7FF] =	sst s6  }
0x9: {  	s7 =	smul.u32 $0x27100, s4;
	s6 =	simm.s32 $0xB;
	s1 =	sshll.u32 s0, $0x4  }
0xa: {  	s19 =	smul.u32 $0x13880, s0;
	_ =	strace $0x8000004D;
	s0 =	ssub.s32 $0x2, s0  }
0xb: {  	s1 =	sor.u32 s4, s1;
	s4 =	sadd.s32 $0x16000, s3;
	s7 =	sshrl.u32 s7, $0x2  }
0xc: {  	s20 =	sshrl.u32 s0, $0x1;
	s1 =	smul.u32 $0x500, s1;
	s15 =	sadd.s32 s7, s2  }
0xd: {  	s5 =	sadd.s32 s5, s19;
	s21 =	sadd.s32 $0x1F40, s15;
	[dreg:$0x3] =	wrdreg s15  }
0xe: {  	s0 =	ssub.s32 s0, s20;
	s22 =	sadd.s32 $0x3E80, s15;
	[dreg:$0x4] =	wrdreg s21  }
0xf: {  	s19 =	simm.s32 $0x6F40;
	s23 =	sadd.s32 $0x5DC0, s15;
	[dreg:$0x5] =	wrdreg s22  }
0x10: {  	s20 =	simm.s32 $0x3;
	s24 =	sadd.s32 $0x7D00, s15;
	[dreg:$0x6] =	wrdreg s23  }
0x11: {  	s7 =	simm.s32 $0xC;
	s0 =	smax.u32 s0, $0x1;
	[dreg:$0x7] =	wrdreg s24  }
0x12: {  	s1 =	sadd.s32 s1, s3;
	s3 =	sadd.s32 s5, s3;
	[dreg:$0xb] =	wrdreg s0  }
0x13: {  	s21 =	simm.s32 $0x8E80;
	s23 =	simm.s32 $0xADC0;
	s25 =	sadd.s32 $0xC000, s1  }
0x14: {  	s22 =	simm.s32 $0x4;
	s1 =	sadd.s32 $0x2000, s1;
	[dreg:$0x8] =	wrdreg s25  }
0x15: {  	s24 =	simm.s32 $0x5;
	s26 =	sadd.s32 $0x29A00, s3;
	[dreg:$0x9] =	wrdreg s1  }
0x16: {  	s0 =	simm.s32 $0x9;
	s3 =	simm.s32 $0xA;
	[dreg:$0xa] =	wrdreg s26  }
0x17: {  	v0 =	vimm.f32 $0.0e+00;
	s25 =	simm.s32 $0xCD00;
	s1 =	simm.s32 $0x12AC0;
	s26 =	simm.s32 $0x6  }
.LBB2_1:
0x18: {  	s12 =	simm.s32 $0x0  }
0x19: {  	s5 =	sand.u32 $0x7F00, s12  }
0x1a: {  	[dreg:$0xc] =	wrdreg s13;
	s12 =	sand.u32 $0x30, s12;
	s15 =	sshrl.u32 s5, $0x2  }
0x1b: {  	s13 =	simm.s32 $0x0;
	s5 =	simm.s32 $0x40;
	s12 =	sor.u32 s12, s15  }
.LBB2_2:
0x1c: {  	p0 =	sne.s32 s5, $0x7CC0  }
0x1d: {  	[tilespmem:s12+$0x5000] =	vst v0;
	s13 =	sadd.s32 $0x10, s13;
	s12 =	smov.u32 s5;
	s5 =	sadd.s32 $0x40, s5  }
.Ltmp0:
0x1e: {  	(pc) =	sbr.rel @p0 .LBB2_2-.Ltmp0, $4  }
0x1f: {  	_ = 	snop  }
0x20: {  	s12 =	sand.u32 $0x7F00, s12  }
0x21: {  	s15 =	sand.u32 $0x30, s13;
	s12 =	sshrl.u32 s12, $0x2  }
0x22: {  	s12 =	sor.u32 s15, s12  }
0x23: {  	[tilespmem:s12+$0x5000] =	vst v0;
	s5 =	rddreg [dreg:$0x3];
	s13 =	simm.s32 $0x11  }
0x24: {  	[spmem:s5] =	stream.linear.scatter [tilespmem:s14], [sflag:$0x11], $0x1F40, $0x38;
	[tilespmem:$0x1EA00] =	vst v63  }
0x25: {  	_ =	swait.ge [sflag:s13], $0x1F40  }
0x26: {  	[sflag:s13] =	ssyncset.done $0x0  }
0x27: {  	s15 =	rddreg [dreg:$0x4];
	[sflag:s13] =	ssyncadd.s32 $0xFFFFE0C0  }
0x28: {  	[spmem:s15] =	stream.linear.scatter [tilespmem:s14], [sflag:$0x11], $0x1F40, $0x38;
	[tilespmem:$0x1EA00] =	vst v63  }
0x29: {  	_ =	swait.ge [sflag:s13], $0x1F40  }
0x2a: {  	[sflag:s13] =	ssyncset.done $0x0  }
0x2b: {  	s12 =	rddreg [dreg:$0x5];
	[sflag:s13] =	ssyncadd.s32 $0xFFFFE0C0  }
0x2c: {  	[spmem:s12] =	stream.linear.scatter [tilespmem:s14], [sflag:$0x11], $0x1F40, $0x38;
	[tilespmem:$0x1EA00] =	vst v63  }
0x2d: {  	_ =	swait.ge [sflag:s13], $0x1F40  }
0x2e: {  	[sflag:s13] =	ssyncset.done $0x0  }
0x2f: {  	s15 =	rddreg [dreg:$0x6];
	[sflag:s13] =	ssyncadd.s32 $0xFFFFE0C0  }
0x30: {  	[spmem:s15] =	stream.linear.scatter [tilespmem:s14], [sflag:$0x11], $0x1F40, $0x38;
	[tilespmem:$0x1EA00] =	vst v63  }
0x31: {  	_ =	swait.ge [sflag:s13], $0x1F40  }
0x32: {  	[sflag:s13] =	ssyncset.done $0x0  }
0x33: {  	s12 =	rddreg [dreg:$0x7];
	[sflag:s13] =	ssyncadd.s32 $0xFFFFE0C0  }
0x34: {  	[spmem:s12] =	stream.linear.scatter [tilespmem:s14], [sflag:$0x11], $0x1F40, $0x38;
	[tilespmem:$0x1EA00] =	vst v63  }
0x35: {  	_ =	swait.ge [sflag:s13], $0x1F40  }
0x36: {  	[sflag:s13] =	ssyncset.done $0x0  }
0x37: {  	s5 =	simm.s32 $0x0;
	s15 =	rddreg [dreg:$0x8];
	[sflag:s13] =	ssyncadd.s32 $0xFFFFE0C0  }
0x38: {  	[tilespmem:s5], [sflag:$0x11] =	stream.linear.gather [hbm4b:s15+s5], $0x2800, $0x38;
	[tilespmem:$0x1EA00] =	vst v63  }
0x39: {  	_ =	swait.ge [sflag:s13], $0x2800  }
0x3a: {  	[sflag:s13] =	ssyncset.done $0x0  }
0x3b: {  	s15 =	simm.s32 $0x2800;
	s12 =	rddreg [dreg:$0x9];
	[sflag:s13] =	ssyncadd.s32 $0xFFFFD800  }
0x3c: {  	[tilespmem:s15], [sflag:$0x11] =	stream.linear.gather [hbm4b:s12+s5], $0x2800, $0x38;
	[tilespmem:$0x1EA00] =	vst v63  }
0x3d: {  	_ =	swait.ge [sflag:s13], $0x2800  }
0x3e: {  	[sflag:s13] =	ssyncset.done $0x0  }
0x3f: {  	[sflag:s13] =	ssyncadd.s32 $0xFFFFD800  }
0x40: {  	[bflag:$0x0] =	sbarrier.arrive $0xFFFF  }
0x41: {  	[tilespmem:s14], [sflag:$0x1] =	stream.indirect.gather [hbm4b:s4+s17], $0x40, s5, s17, $0xb8;
	[tilespmem:$0x1EA00] =	vst v63  }
0x42: {  	s15 =	simm.s32 $0x80  }
0x43: {  	[tilespmem:s19], [sflag:$0x2] =	stream.indirect.gather [hbm4b:s4+s17], $0x40, s15, s17, $0xb8;
	[tilespmem:$0x1EA00] =	vst v63  }
0x44: {  	s12 =	simm.s32 $0x100  }
0x45: {  	[tilespmem:s21], [sflag:$0x3] =	stream.indirect.gather [hbm4b:s4+s17], $0x40, s12, s17, $0xb8;
	[tilespmem:$0x1EA00] =	vst v63  }
0x46: {  	s13 =	simm.s32 $0x180  }
0x47: {  	[tilespmem:s23], [sflag:$0x4] =	stream.indirect.gather [hbm4b:s4+s17], $0x40, s13, s17, $0xb8;
	[tilespmem:$0x1EA00] =	vst v63  }
0x48: {  	s15 =	simm.s32 $0x200  }
0x49: {  	[tilespmem:s25], [sflag:$0x5] =	stream.indirect.gather [hbm4b:s4+s17], $0x40, s15, s17, $0xb8;
	[tilespmem:$0x1EA00] =	vst v63  }
0x4a: {  	s12 =	simm.s32 $0x280  }
0x4b: {  	[tilespmem:s28], [sflag:$0x6] =	stream.indirect.gather [hbm4b:s4+s17], $0x40, s12, s17, $0xb8;
	[tilespmem:$0x1EA00] =	vst v63  }
0x4c: {  	s13 =	simm.s32 $0x300  }
0x4d: {  	[tilespmem:s30], [sflag:$0x7] =	stream.indirect.gather [hbm4b:s4+s17], $0x40, s13, s17, $0xb8;
	[tilespmem:$0x1EA00] =	vst v63  }
0x4e: {  	s15 =	simm.s32 $0x380  }
0x4f: {  	[tilespmem:s1], [sflag:$0x8] =	stream.indirect.gather [hbm4b:s4+s17], $0x40, s15, s17, $0xb8;
	[tilespmem:$0x1EA00] =	vst v63  }
0x50: {  	_ =	swait.ge [sflag:s16], $0x1F40  }
0x51: {  	[sflag:s16] =	ssyncset.done $0x0  }
0x52: {  	s12 =	simm.s32 $0x2800;
	[sflag:s16] =	ssyncadd.s32 $0xFFFFE0C0  }
0x53: {  	[spmem:s2] =	stream.indirect.scatter.add.f32 [tilespmem:s14], [sflag:$0x9], $0x40, s12, s17, $0xb8;
	[tilespmem:$0x1EA00] =	vst v63  }
0x54: {  	_ =	swait.ge [sflag:s18], $0x1F40  }
0x55: {  	[sflag:s18] =	ssyncset.done $0x0  }
0x56: {  	s13 =	simm.s32 $0x2880;
	[sflag:s18] =	ssyncadd.s32 $0xFFFFE0C0  }
0x57: {  	[spmem:s2] =	stream.indirect.scatter.add.f32 [tilespmem:s19], [sflag:$0xA], $0x40, s13, s17, $0xb8;
	[tilespmem:$0x1EA00] =	vst v63  }
0x58: {  	_ =	swait.ge [sflag:s20], $0x1F40  }
0x59: {  	[sflag:s20] =	ssyncset.done $0x0  }
0x5a: {  	s15 =	simm.s32 $0x2900;
	[sflag:s20] =	ssyncadd.s32 $0xFFFFE0C0  }
0x5b: {  	[spmem:s2] =	stream.indirect.scatter.add.f32 [tilespmem:s21], [sflag:$0xB], $0x40, s15, s17, $0xb8;
	[tilespmem:$0x1EA00] =	vst v63  }
0x5c: {  	_ =	swait.ge [sflag:s22], $0x1F40  }
0x5d: {  	[sflag:s22] =	ssyncset.done $0x0  }
0x5e: {  	s12 =	simm.s32 $0x2980;
	[sflag:s22] =	ssyncadd.s32 $0xFFFFE0C0  }
0x5f: {  	[spmem:s2] =	stream.indirect.scatter.add.f32 [tilespmem:s23], [sflag:$0xC], $0x40, s12, s17, $0xb8;
	[tilespmem:$0x1EA00] =	vst v63  }
0x60: {  	_ =	swait.ge [sflag:s24], $0x1F40  }
0x61: {  	[sflag:s24] =	ssyncset.done $0x0  }
0x62: {  	s13 =	simm.s32 $0x2A00;
	[sflag:s24] =	ssyncadd.s32 $0xFFFFE0C0  }
0x63: {  	[spmem:s2] =	stream.indirect.scatter.add.f32 [tilespmem:s25], [sflag:$0xD], $0x40, s13, s17, $0xb8;
	[tilespmem:$0x1EA00] =	vst v63  }
0x64: {  	_ =	swait.ge [sflag:s26], $0x1F40  }
0x65: {  	[sflag:s26] =	ssyncset.done $0x0  }
0x66: {  	s15 =	simm.s32 $0x2A80;
	[sflag:s26] =	ssyncadd.s32 $0xFFFFE0C0  }
0x67: {  	[spmem:s2] =	stream.indirect.scatter.add.f32 [tilespmem:s28], [sflag:$0xE], $0x40, s15, s17, $0xb8;
	[tilespmem:$0x1EA00] =	vst v63  }
0x68: {  	_ =	swait.ge [sflag:s29], $0x1F40  }
0x69: {  	[sflag:s29] =	ssyncset.done $0x0  }
0x6a: {  	s12 =	simm.s32 $0x2B00;
	[sflag:s29] =	ssyncadd.s32 $0xFFFFE0C0  }
0x6b: {  	[spmem:s2] =	stream.indirect.scatter.add.f32 [tilespmem:s30], [sflag:$0xF], $0x40, s12, s17, $0xb8;
	[tilespmem:$0x1EA00] =	vst v63  }
0x6c: {  	_ =	swait.ge [sflag:s31], $0x1F40  }
0x6d: {  	[sflag:s31] =	ssyncset.done $0x0  }
0x6e: {  	s13 =	simm.s32 $0x2B80;
	[sflag:s31] =	ssyncadd.s32 $0xFFFFE0C0  }
0x6f: {  	[spmem:s2] =	stream.indirect.scatter.add.f32 [tilespmem:s1], [sflag:$0x10], $0x40, s13, s17, $0xb8;
	[tilespmem:$0x1EA00] =	vst v63  }
0x70: {  	_ =	swait.ge [sflag:s0], $0x1F40  }
0x71: {  	[sflag:s0] =	ssyncset.done $0x0  }
0x72: {  	s15 =	simm.s32 $0x400;
	[sflag:s0] =	ssyncadd.s32 $0xFFFFE0C0  }
0x73: {  	[tilespmem:s14], [sflag:$0x1] =	stream.indirect.gather [hbm4b:s4+s17], $0x40, s15, s17, $0xb8;
	[tilespmem:$0x1EA00] =	vst v63  }
0x74: {  	_ =	swait.ge [sflag:s3], $0x1F40  }
0x75: {  	[sflag:s3] =	ssyncset.done $0x0  }
0x76: {  	s12 =	simm.s32 $0x480;
	[sflag:s3] =	ssyncadd.s32 $0xFFFFE0C0  }
0x77: {  	[tilespmem:s19], [sflag:$0x2] =	stream.indirect.gather [hbm4b:s4+s17], $0x40, s12, s17, $0xb8;
	[tilespmem:$0x1EA00] =	vst v63  }
0x78: {  	_ =	swait.ge [sflag:s6], $0x1F40  }
0x79: {  	[sflag:s6] =	ssyncset.done $0x0  }
0x7a: {  	s13 =	simm.s32 $0x500;
	[sflag:s6] =	ssyncadd.s32 $0xFFFFE0C0  }
0x7b: {  	[tilespmem:s21], [sflag:$0x3] =	stream.indirect.gather [hbm4b:s4+s17], $0x40, s13, s17, $0xb8;
	[tilespmem:$0x1EA00] =	vst v63  }
0x7c: {  	_ =	swait.ge [sflag:s7], $0x1F40  }
0x7d: {  	[sflag:s7] =	ssyncset.done $0x0  }
0x7e: {  	s15 =	simm.s32 $0x580;
	[sflag:s7] =	ssyncadd.s32 $0xFFFFE0C0  }
0x7f: {  	[tilespmem:s23], [sflag:$0x4] =	stream.indirect.gather [hbm4b:s4+s17], $0x40, s15, s17, $0xb8;
	[tilespmem:$0x1EA00] =	vst v63  }
0x80: {  	_ =	swait.ge [sflag:s8], $0x1F40  }
0x81: {  	[sflag:s8] =	ssyncset.done $0x0  }
0x82: {  	s12 =	simm.s32 $0x600;
	[sflag:s8] =	ssyncadd.s32 $0xFFFFE0C0  }
0x83: {  	[tilespmem:s25], [sflag:$0x5] =	stream.indirect.gather [hbm4b:s4+s17], $0x40, s12, s17, $0xb8;
	[tilespmem:$0x1EA00] =	vst v63  }
0x84: {  	_ =	swait.ge [sflag:s9], $0x1F40  }
0x85: {  	[sflag:s9] =	ssyncset.done $0x0  }
0x86: {  	s13 =	simm.s32 $0x680;
	[sflag:s9] =	ssyncadd.s32 $0xFFFFE0C0  }
0x87: {  	[tilespmem:s28], [sflag:$0x6] =	stream.indirect.gather [hbm4b:s4+s17], $0x40, s13, s17, $0xb8;
	[tilespmem:$0x1EA00] =	vst v63  }
0x88: {  	_ =	swait.ge [sflag:s10], $0x1F40  }
0x89: {  	[sflag:s10] =	ssyncset.done $0x0  }
0x8a: {  	s15 =	simm.s32 $0x700;
	[sflag:s10] =	ssyncadd.s32 $0xFFFFE0C0  }
0x8b: {  	[tilespmem:s30], [sflag:$0x7] =	stream.indirect.gather [hbm4b:s4+s17], $0x40, s15, s17, $0xb8;
	[tilespmem:$0x1EA00] =	vst v63  }
0x8c: {  	_ =	swait.ge [sflag:s11], $0x1F40  }
0x8d: {  	[sflag:s11] =	ssyncset.done $0x0  }
0x8e: {  	s5 =	simm.s32 $0x780;
	s13 =	simm.s32 $0x1000;
	[sflag:s11] =	ssyncadd.s32 $0xFFFFE0C0  }
.LBB2_4:
0x8f: {  	[tilespmem:s1], [sflag:$0x8] =	stream.indirect.gather [hbm4b:s4+s17], $0x40, s5, s17, $0xb8;
	[tilespmem:$0x1EA00] =	vst v63  }
0x90: {  	s5 =	smov.u32 s13  }
0x91: {  	p0 =	sne.s32 s13, $0x8000;
	s13 =	sadd.s32 $0x1000, s13;
	_ =	swait.ge [sflag:s16], $0x1F40  }
0x92: {  	s5 =	sshra.s32 s5, $0x2;
	[sflag:s16] =	ssyncset.done $0x0  }
0x93: {  	s12 =	sadd.s32 $0x2800, s5;
	[sflag:s16] =	ssyncadd.s32 $0xFFFFE0C0  }
0x94: {  	[spmem:s2] =	stream.indirect.scatter.add.f32 [tilespmem:s14], [sflag:$0x9], $0x40, s12, s17, $0xb8;
	[tilespmem:$0x1EA00] =	vst v63  }
0x95: {  	_ =	swait.ge [sflag:s18], $0x1F40  }
0x96: {  	[sflag:s18] =	ssyncset.done $0x0  }
0x97: {  	s12 =	sadd.s32 $0x2880, s5;
	[sflag:s18] =	ssyncadd.s32 $0xFFFFE0C0  }
0x98: {  	[spmem:s2] =	stream.indirect.scatter.add.f32 [tilespmem:s19], [sflag:$0xA], $0x40, s12, s17, $0xb8;
	[tilespmem:$0x1EA00] =	vst v63  }
0x99: {  	_ =	swait.ge [sflag:s20], $0x1F40  }
0x9a: {  	[sflag:s20] =	ssyncset.done $0x0  }
0x9b: {  	s12 =	sadd.s32 $0x2900, s5;
	[sflag:s20] =	ssyncadd.s32 $0xFFFFE0C0  }
0x9c: {  	[spmem:s2] =	stream.indirect.scatter.add.f32 [tilespmem:s21], [sflag:$0xB], $0x40, s12, s17, $0xb8;
	[tilespmem:$0x1EA00] =	vst v63  }
0x9d: {  	_ =	swait.ge [sflag:s22], $0x1F40  }
0x9e: {  	[sflag:s22] =	ssyncset.done $0x0  }
0x9f: {  	s12 =	sadd.s32 $0x2980, s5;
	[sflag:s22] =	ssyncadd.s32 $0xFFFFE0C0  }
0xa0: {  	[spmem:s2] =	stream.indirect.scatter.add.f32 [tilespmem:s23], [sflag:$0xC], $0x40, s12, s17, $0xb8;
	[tilespmem:$0x1EA00] =	vst v63  }
0xa1: {  	_ =	swait.ge [sflag:s24], $0x1F40  }
0xa2: {  	[sflag:s24] =	ssyncset.done $0x0  }
0xa3: {  	s12 =	sadd.s32 $0x2A00, s5;
	[sflag:s24] =	ssyncadd.s32 $0xFFFFE0C0  }
0xa4: {  	[spmem:s2] =	stream.indirect.scatter.add.f32 [tilespmem:s25], [sflag:$0xD], $0x40, s12, s17, $0xb8;
	[tilespmem:$0x1EA00] =	vst v63  }
0xa5: {  	_ =	swait.ge [sflag:s26], $0x1F40  }
0xa6: {  	[sflag:s26] =	ssyncset.done $0x0  }
0xa7: {  	s12 =	sadd.s32 $0x2A80, s5;
	[sflag:s26] =	ssyncadd.s32 $0xFFFFE0C0  }
0xa8: {  	[spmem:s2] =	stream.indirect.scatter.add.f32 [tilespmem:s28], [sflag:$0xE], $0x40, s12, s17, $0xb8;
	[tilespmem:$0x1EA00] =	vst v63  }
0xa9: {  	_ =	swait.ge [sflag:s29], $0x1F40  }
0xaa: {  	[sflag:s29] =	ssyncset.done $0x0  }
0xab: {  	s12 =	sadd.s32 $0x2B00, s5;
	[sflag:s29] =	ssyncadd.s32 $0xFFFFE0C0  }
0xac: {  	[spmem:s2] =	stream.indirect.scatter.add.f32 [tilespmem:s30], [sflag:$0xF], $0x40, s12, s17, $0xb8;
	[tilespmem:$0x1EA00] =	vst v63  }
0xad: {  	_ =	swait.ge [sflag:s31], $0x1F40  }
0xae: {  	[sflag:s31] =	ssyncset.done $0x0  }
0xaf: {  	s12 =	sadd.s32 $0x2B80, s5;
	[sflag:s31] =	ssyncadd.s32 $0xFFFFE0C0  }
0xb0: {  	[spmem:s2] =	stream.indirect.scatter.add.f32 [tilespmem:s1], [sflag:$0x10], $0x40, s12, s17, $0xb8;
	[tilespmem:$0x1EA00] =	vst v63  }
0xb1: {  	_ =	swait.ge [sflag:s0], $0x1F40  }
0xb2: {  	[sflag:s0] =	ssyncset.done $0x0  }
0xb3: {  	s12 =	sadd.s32 $0x400, s5;
	[sflag:s0] =	ssyncadd.s32 $0xFFFFE0C0  }
0xb4: {  	[tilespmem:s14], [sflag:$0x1] =	stream.indirect.gather [hbm4b:s4+s17], $0x40, s12, s17, $0xb8;
	[tilespmem:$0x1EA00] =	vst v63  }
0xb5: {  	_ =	swait.ge [sflag:s3], $0x1F40  }
0xb6: {  	[sflag:s3] =	ssyncset.done $0x0  }
0xb7: {  	s12 =	sadd.s32 $0x480, s5;
	[sflag:s3] =	ssyncadd.s32 $0xFFFFE0C0  }
0xb8: {  	[tilespmem:s19], [sflag:$0x2] =	stream.indirect.gather [hbm4b:s4+s17], $0x40, s12, s17, $0xb8;
	[tilespmem:$0x1EA00] =	vst v63  }
0xb9: {  	_ =	swait.ge [sflag:s6], $0x1F40  }
0xba: {  	[sflag:s6] =	ssyncset.done $0x0  }
0xbb: {  	s12 =	sadd.s32 $0x500, s5;
	[sflag:s6] =	ssyncadd.s32 $0xFFFFE0C0  }
0xbc: {  	[tilespmem:s21], [sflag:$0x3] =	stream.indirect.gather [hbm4b:s4+s17], $0x40, s12, s17, $0xb8;
	[tilespmem:$0x1EA00] =	vst v63  }
0xbd: {  	_ =	swait.ge [sflag:s7], $0x1F40  }
0xbe: {  	[sflag:s7] =	ssyncset.done $0x0  }
0xbf: {  	s12 =	sadd.s32 $0x580, s5;
	[sflag:s7] =	ssyncadd.s32 $0xFFFFE0C0  }
0xc0: {  	[tilespmem:s23], [sflag:$0x4] =	stream.indirect.gather [hbm4b:s4+s17], $0x40, s12, s17, $0xb8;
	[tilespmem:$0x1EA00] =	vst v63  }
0xc1: {  	_ =	swait.ge [sflag:s8], $0x1F40  }
0xc2: {  	[sflag:s8] =	ssyncset.done $0x0  }
0xc3: {  	s12 =	sadd.s32 $0x600, s5;
	[sflag:s8] =	ssyncadd.s32 $0xFFFFE0C0  }
0xc4: {  	[tilespmem:s25], [sflag:$0x5] =	stream.indirect.gather [hbm4b:s4+s17], $0x40, s12, s17, $0xb8;
	[tilespmem:$0x1EA00] =	vst v63  }
0xc5: {  	_ =	swait.ge [sflag:s9], $0x1F40  }
0xc6: {  	[sflag:s9] =	ssyncset.done $0x0  }
0xc7: {  	s12 =	sadd.s32 $0x680, s5;
	[sflag:s9] =	ssyncadd.s32 $0xFFFFE0C0  }
0xc8: {  	[tilespmem:s28], [sflag:$0x6] =	stream.indirect.gather [hbm4b:s4+s17], $0x40, s12, s17, $0xb8;
	[tilespmem:$0x1EA00] =	vst v63  }
0xc9: {  	_ =	swait.ge [sflag:s10], $0x1F40  }
0xca: {  	[sflag:s10] =	ssyncset.done $0x0  }
.Ltmp1:
0xcb: {  	s12 =	sadd.s32 $0x700, s5;
	[sflag:s10] =	ssyncadd.s32 $0xFFFFE0C0;
	(pc) =	sbr.rel @p0 .LBB2_4-.Ltmp1, $4  }
0xcc: {  	[tilespmem:s30], [sflag:$0x7] =	stream.indirect.gather [hbm4b:s4+s17], $0x40, s12, s17, $0xb8;
	[tilespmem:$0x1EA00] =	vst v63  }
0xcd: {  	_ =	swait.ge [sflag:s11], $0x1F40  }
0xce: {  	[sflag:s11] =	ssyncset.done $0x0  }
0xcf: {  	s5 =	sadd.s32 $0x780, s5;
	[sflag:s11] =	ssyncadd.s32 $0xFFFFE0C0  }
0xd0: {  	[tilespmem:s1], [sflag:$0x8] =	stream.indirect.gather [hbm4b:s4+s17], $0x40, s5, s17, $0xb8;
	[tilespmem:$0x1EA00] =	vst v63  }
0xd1: {  	_ =	swait.ge [sflag:s16], $0x1F40  }
0xd2: {  	[sflag:s16] =	ssyncset.done $0x0  }
0xd3: {  	s12 =	simm.s32 $0x4C00;
	[sflag:s16] =	ssyncadd.s32 $0xFFFFE0C0  }
0xd4: {  	[spmem:s2] =	stream.indirect.scatter.add.f32 [tilespmem:s14], [sflag:$0x9], $0x40, s12, s17, $0xb8;
	[tilespmem:$0x1EA00] =	vst v63  }
0xd5: {  	_ =	swait.ge [sflag:s18], $0x1F40  }
0xd6: {  	[sflag:s18] =	ssyncset.done $0x0  }
0xd7: {  	s13 =	simm.s32 $0x4C80;
	[sflag:s18] =	ssyncadd.s32 $0xFFFFE0C0  }
0xd8: {  	[spmem:s2] =	stream.indirect.scatter.add.f32 [tilespmem:s19], [sflag:$0xA], $0x40, s13, s17, $0xb8;
	[tilespmem:$0x1EA00] =	vst v63  }
0xd9: {  	_ =	swait.ge [sflag:s20], $0x1F40  }
0xda: {  	[sflag:s20] =	ssyncset.done $0x0  }
0xdb: {  	s15 =	simm.s32 $0x4D00;
	[sflag:s20] =	ssyncadd.s32 $0xFFFFE0C0  }
0xdc: {  	[spmem:s2] =	stream.indirect.scatter.add.f32 [tilespmem:s21], [sflag:$0xB], $0x40, s15, s17, $0xb8;
	[tilespmem:$0x1EA00] =	vst v63  }
0xdd: {  	_ =	swait.ge [sflag:s22], $0x1F40  }
0xde: {  	[sflag:s22] =	ssyncset.done $0x0  }
0xdf: {  	s12 =	simm.s32 $0x4D80;
	[sflag:s22] =	ssyncadd.s32 $0xFFFFE0C0  }
0xe0: {  	[spmem:s2] =	stream.indirect.scatter.add.f32 [tilespmem:s23], [sflag:$0xC], $0x40, s12, s17, $0xb8;
	[tilespmem:$0x1EA00] =	vst v63  }
0xe1: {  	_ =	swait.ge [sflag:s24], $0x1F40  }
0xe2: {  	[sflag:s24] =	ssyncset.done $0x0  }
0xe3: {  	s13 =	simm.s32 $0x4E00;
	[sflag:s24] =	ssyncadd.s32 $0xFFFFE0C0  }
0xe4: {  	[spmem:s2] =	stream.indirect.scatter.add.f32 [tilespmem:s25], [sflag:$0xD], $0x40, s13, s17, $0xb8;
	[tilespmem:$0x1EA00] =	vst v63  }
0xe5: {  	_ =	swait.ge [sflag:s26], $0x1F40  }
0xe6: {  	[sflag:s26] =	ssyncset.done $0x0  }
0xe7: {  	s15 =	simm.s32 $0x4E80;
	[sflag:s26] =	ssyncadd.s32 $0xFFFFE0C0  }
0xe8: {  	[spmem:s2] =	stream.indirect.scatter.add.f32 [tilespmem:s28], [sflag:$0xE], $0x40, s15, s17, $0xb8;
	[tilespmem:$0x1EA00] =	vst v63  }
0xe9: {  	_ =	swait.ge [sflag:s29], $0x1F40  }
0xea: {  	[sflag:s29] =	ssyncset.done $0x0  }
0xeb: {  	s12 =	simm.s32 $0x4F00;
	[sflag:s29] =	ssyncadd.s32 $0xFFFFE0C0  }
0xec: {  	[spmem:s2] =	stream.indirect.scatter.add.f32 [tilespmem:s30], [sflag:$0xF], $0x40, s12, s17, $0xb8;
	[tilespmem:$0x1EA00] =	vst v63  }
0xed: {  	_ =	swait.ge [sflag:s31], $0x1F40  }
0xee: {  	[sflag:s31] =	ssyncset.done $0x0  }
0xef: {  	s13 =	simm.s32 $0x4F80;
	[sflag:s31] =	ssyncadd.s32 $0xFFFFE0C0  }
0xf0: {  	[spmem:s2] =	stream.indirect.scatter.add.f32 [tilespmem:s1], [sflag:$0x10], $0x40, s13, s17, $0xb8;
	[tilespmem:$0x1EA00] =	vst v63  }
0xf1: {  	_ =	swait.ge [sflag:s0], $0x1F40  }
0xf2: {  	[sflag:s0] =	ssyncset.done $0x0  }
0xf3: {  	[sflag:s0] =	ssyncadd.s32 $0xFFFFE0C0  }
0xf4: {  	_ =	swait.ge [sflag:s3], $0x1F40  }
0xf5: {  	[sflag:s3] =	ssyncset.done $0x0  }
0xf6: {  	[sflag:s3] =	ssyncadd.s32 $0xFFFFE0C0  }
0xf7: {  	_ =	swait.ge [sflag:s6], $0x1F40  }
0xf8: {  	[sflag:s6] =	ssyncset.done $0x0  }
0xf9: {  	[sflag:s6] =	ssyncadd.s32 $0xFFFFE0C0  }
0xfa: {  	_ =	swait.ge [sflag:s7], $0x1F40  }
0xfb: {  	[sflag:s7] =	ssyncset.done $0x0  }
0xfc: {  	[sflag:s7] =	ssyncadd.s32 $0xFFFFE0C0  }
0xfd: {  	_ =	swait.ge [sflag:s8], $0x1F40  }
0xfe: {  	[sflag:s8] =	ssyncset.done $0x0  }
0xff: {  	[sflag:s8] =	ssyncadd.s32 $0xFFFFE0C0  }
0x100: {  	_ =	swait.ge [sflag:s9], $0x1F40  }
0x101: {  	[sflag:s9] =	ssyncset.done $0x0  }
0x102: {  	[sflag:s9] =	ssyncadd.s32 $0xFFFFE0C0  }
0x103: {  	_ =	swait.ge [sflag:s10], $0x1F40  }
0x104: {  	[sflag:s10] =	ssyncset.done $0x0  }
0x105: {  	[sflag:s10] =	ssyncadd.s32 $0xFFFFE0C0  }
0x106: {  	_ =	swait.ge [sflag:s11], $0x1F40  }
0x107: {  	[sflag:s11] =	ssyncset.done $0x0  }
0x108: {  	[sflag:s11] =	ssyncadd.s32 $0xFFFFE0C0  }
0x109: {  	s15 =	stileid.u32;
	[bflag:$0x0] =	sbarrier.arrive $0xFFFF  }
0x10a: {  	s5 =	sshll.u32 s15, $0x6;
	s15 =	rddreg [dreg:$0x3]  }
0x10b: {  	s5 =	sor.u32 $0x1C11, s5;
	s13 =	rddreg [dreg:$0xa];
	s12 =	sshrl.u32 s15, $0x3  }
0x10c: {  	[hbm:s13], [sflag:s5] =	dma.local [spmem:s12], $0x1388  }
0x10d: {  	s12 =	simm.s32 $0x11  }
0x10e: {  	_ =	swait.ge [sflag:s12], $0x1388  }
0x10f: {  	s5 =	rddreg [dreg:$0xc]  }
0x110: {  	s15 =	rddreg [dreg:$0xb];
	s13 =	sadd.s32 $0x1, s5  }
0x111: {  	p0 =	sne.s32 s13, s15  }
.Ltmp2:
0x112: {  	_ = 	snop;
	(pc) =	sbr.rel @p0 .LBB2_1-.Ltmp2, $3  }
0x113: {  	_ =	sdelay $0x1  }
0x114: {  	[sflag:s12] =	ssyncset.done $0x0  }
0x115: {  	[sflag:s12] =	ssyncadd.s32 $0xFFFFEC78  }
0x116: {  	_ =	sfence.sel $0x180000  }
0x117: {  	[bflag:$0x0] =	sbarrier.arrive $0xFFFF  }
0x118: {  	_ =	strace $0x9000004D  }
0x119: {  	s0 =	stileid.u32;
	[bflag:$0x2] =	sbarrier.arrive $0xFFFF  }
0x11a: {  	p0 =	sne.s32 s0, $0x0;
	s0 =	rddreg [dreg:$0x2]  }
0x11b: {  	s0 =	sadd.s32 @!p0 $0x100000, s0  }
0x11c: {  	[sflag:s0] =	ssyncadd.tile.s32 @!p0 $0x1;
	_ =	shalt  }
.Lfunc_end2:
_tile_overlayer_lowered:
.L_overlay_start_2:
0x11d: {  	(tag) =	ssettag $0x2  }
0x11e: {  	s0 =	rddreg [dreg:$0x0];
	s2 =	stileid.u32  }
0x11f: {  	s1 =	rddreg [dreg:$0x1];
	p0 =	sne.s32 s2, $0x0  }
0x120: {  	s3 =	rddreg [dreg:$0x2];
	[bflag:$0x3] =	sbarrier.arrive $0xFFFF;
	s2 =	simm.s32 @!p0 $0x1C11  }
0x121: {  	[timem:s3], [sflag:s2] =	dma.local @!p0 [hbm:s0], s1  }
0x122: {  	s0 =	simm.s32 @!p0 $0x11  }
0x123: {  	_ =	swait.ge @!p0 [sflag:s0], s1  }
0x124: {  	s1 =	ssub.s32 @!p0 $0x0, s1;
	[sflag:s0] =	ssyncset.done @!p0 $0x0  }
0x125: {  	[sflag:s0] =	ssyncadd.s32 @!p0 s1  }
0x126: {  	[bflag:$0x3] =	sbarrier.arrive $0xFFFF  }
0x127: {  	_ =	shalt  }

// kernel: kernel.8.cloned.1.call-start
scs
__scs_entry_jumppad:
0x0: {  	(pc) =	sbr.rel $0x88, $3  }
0x1: {  	(tag) =	ssettag $0x0;
	lr =	simm.s32 $0x1  }
0x2: {  	[smem:$0x3F95] =	sst lr;
	_ =	strace $0xD0000000  }
0x3: {  	_ = 	snop  }
0x4: {  	_ = 	snop  }
0x5: {  	_ = 	snop  }
0x6: {  	_ = 	snop  }
0x7: {  	_ = 	snop  }
__scs_overlays_trampoline_lowered:
0x8: {  	[smem:$0x3FA4] =	sst s0  }
0x9: {  	[smem:$0x3FA5] =	sst s1  }
0xa: {  	[smem:$0x3FA6] =	sst s2  }
0xb: {  	[smem:$0x3FA7] =	sst s3  }
0xc: {  	[smem:$0x3FA8] =	sst s4  }
0xd: {  	[smem:$0x3FA9] =	sst s5  }
0xe: {  	[smem:$0x3FAA] =	sst s6  }
0xf: {  	[smem:$0x3FAB] =	sst s7  }
0x10: {  	[smem:$0x3FAC] =	sst s8  }
0x11: {  	[smem:$0x3FAD] =	sst s9;
	s0 =	simm.s32 @!p0 $0x0  }
0x12: {  	s1 =	sld [smem:$0x3F93];
	s0 =	simm.s32 @p0 $0x1  }
0x13: {  	[smem:$0x3FAE] =	sst s0;
	s0 =	simm.s32 @!p1 $0x0  }
0x14: {  	s2 =	sld [smem:$0x3F92];
	s0 =	simm.s32 @p1 $0x1  }
0x15: {  	[smem:$0x3FAF] =	sst s0;
	s0 =	simm.s32 @!p2 $0x0  }
0x16: {  	s3 =	sld [smem:$0x3FDB];
	s0 =	simm.s32 @p2 $0x1  }
0x17: {  	s4 =	simm.s32 $0x1BF5;
	[smem:$0x3FB1] =	sst s0  }
0x18: {  	s0 =	sld [smem:$0x3F94];
	_ =	swait.ge [sflag:s4], $0x0  }
0x19: {  	s7 =	sld [smem:$0x3F95]  }
0x1a: {  	s8 =	sadd.s32 $0xFFFFE003, lr  }
0x1b: {  	s9 =	sadd.s32 $0xFFFFFEF7, lr;
	s5 =	simm.s32 $0xFFFFFFFF;
	p2 =	slt.u32 s8, $0xFFFFF086  }
0x1c: {  	p1 =	slt.u32 s9, $0xF7A;
	s5 =	simm.s32 @!p2 $0x0  }
0x1d: {  	s5 =	simm.s32 @p1 $0x1;
	p0 =	seq.s32 s7, s2  }
0x1e: {  	s7 =	smul.u32 @!p0 $0xF7A, s2;
	p2 =	seq.s32 @!p0 s5, $0x0  }
0x1f: {  	s9 =	smul.u32 $0xF7A, s1;
	s8 =	simm.s32 @!p0 $0x1BF5;
	p2 =	por !p2, p0  }
0x20: {  	[sflag:s8] =	ssyncset.s32 @!p0 $0xFFFFF086;
	s6 =	sadd.s32 @!p0 s3, s7;
	s7 =	simm.s32 @!p0 $0x108  }
0x21: {  	s3 =	sadd.s32 s3, s9;
	s6 =	sadd.s32 @!p0 $0x88, s6;
	s7 =	simm.s32 @p2 $0x1082  }
0x22: {  	[simem:s7], [sflag:s8] =	dma.local @!p0 [hbm:s6], $0xF7A  }
0x23: {  	s9 =	sor.u32 $0xD0000000, s2;
	s6 =	simm.s32 $0x108;
	_ =	swait.ge @!p0 [sflag:s8], $0x0  }
0x24: {  	s3 =	sadd.s32 $0x88, s3;
	s6 =	simm.s32 @!p1 $0x1082;
	[sflag:s4] =	ssyncset.s32 $0xFFFFF086  }
0x25: {  	[simem:s6], [sflag:s4] =	dma.local [hbm:s3], $0xF7A  }
0x26: {  	[smem:$0x3F95] =	sst s1;
	(tag) =	ssettag s2;
	_ =	strace s9  }
0x27: {  	s1 =	sld [smem:$0x3FA5]  }
0x28: {  	s2 =	sld [smem:$0x3FA6]  }
0x29: {  	s4 =	sld [smem:$0x3FA8]  }
0x2a: {  	p0 =	seq.s32 s5, $0x0;
	s5 =	sld [smem:$0x3FA9]  }
0x2b: {  	s6 =	sld [smem:$0x3FAA]  }
0x2c: {  	s7 =	sld [smem:$0x3FAB]  }
0x2d: {  	s3 =	simm.s32 $0x108;
	s8 =	sld [smem:$0x3FAC]  }
0x2e: {  	s3 =	simm.s32 @!p0 $0x1082;
	s9 =	sld [smem:$0x3FAD]  }
0x2f: {  	lr =	sadd.s32 s0, s3;
	s0 =	sld [smem:$0x3FA4]  }
0x30: {  	s3 =	sld [smem:$0x3FA7]  }
0x31: {  	[smem:$0x3FB0] =	sst s10  }
0x32: {  	s10 =	sld [smem:$0x3FAE];
	_ =	sdelay $0x3  }
0x33: {  	p0 =	seq.s32 s10, $0x1;
	s10 =	sld [smem:$0x3FB0];
	_ =	sdelay $0x3  }
0x34: {  	[smem:$0x3FB0] =	sst s10  }
0x35: {  	s10 =	sld [smem:$0x3FAF];
	_ =	sdelay $0x3  }
0x36: {  	p1 =	seq.s32 s10, $0x1;
	s10 =	sld [smem:$0x3FB0];
	_ =	sdelay $0x3  }
0x37: {  	[smem:$0x3FB0] =	sst s10  }
0x38: {  	s10 =	sld [smem:$0x3FB1]  }
0x39: {  	_ = 	snop;
	(pc) =	sbr.ind lr, $3  }
0x3a: {  	_ = 	snop  }
0x3b: {  	_ = 	snop  }
0x3c: {  	p2 =	seq.s32 s10, $0x1;
	s10 =	sld [smem:$0x3FB0]  }
0x3d: {  	_ =	shalt  }
0x3e: {  	_ =	shalt  }
0x3f: {  	_ =	shalt  }
0x40: {  	_ =	shalt  }
0x41: {  	_ =	shalt  }
0x42: {  	_ =	shalt  }
0x43: {  	_ =	shalt  }
0x44: {  	_ =	shalt  }
0x45: {  	_ =	shalt  }
0x46: {  	_ =	shalt  }
0x47: {  	_ =	shalt  }
0x48: {  	_ =	shalt  }
0x49: {  	_ =	shalt  }
0x4a: {  	_ =	shalt  }
0x4b: {  	_ =	shalt  }
0x4c: {  	_ =	shalt  }
0x4d: {  	_ =	shalt  }
0x4e: {  	_ =	shalt  }
0x4f: {  	_ =	shalt  }
0x50: {  	_ =	shalt  }
0x51: {  	_ =	shalt  }
0x52: {  	_ =	shalt  }
0x53: {  	_ =	shalt  }
0x54: {  	_ =	shalt  }
0x55: {  	_ =	shalt  }
0x56: {  	_ =	shalt  }
0x57: {  	_ =	shalt  }
0x58: {  	_ =	shalt  }
0x59: {  	_ =	shalt  }
0x5a: {  	_ =	shalt  }
0x5b: {  	_ =	shalt  }
0x5c: {  	_ =	shalt  }
0x5d: {  	_ =	shalt  }
0x5e: {  	_ =	shalt  }
0x5f: {  	_ =	shalt  }
0x60: {  	_ =	shalt  }
0x61: {  	_ =	shalt  }
0x62: {  	_ =	shalt  }
0x63: {  	_ =	shalt  }
0x64: {  	_ =	shalt  }
0x65: {  	_ =	shalt  }
0x66: {  	_ =	shalt  }
0x67: {  	_ =	shalt  }
0x68: {  	_ =	shalt  }
0x69: {  	_ =	shalt  }
0x6a: {  	_ =	shalt  }
0x6b: {  	_ =	shalt  }
0x6c: {  	_ =	shalt  }
0x6d: {  	_ =	shalt  }
0x6e: {  	_ =	shalt  }
0x6f: {  	_ =	shalt  }
0x70: {  	_ =	shalt  }
0x71: {  	_ =	shalt  }
0x72: {  	_ =	shalt  }
0x73: {  	_ =	shalt  }
0x74: {  	_ =	shalt  }
0x75: {  	_ =	shalt  }
0x76: {  	_ =	shalt  }
0x77: {  	_ =	shalt  }
0x78: {  	_ =	shalt  }
0x79: {  	_ =	shalt  }
0x7a: {  	_ =	shalt  }
0x7b: {  	_ =	shalt  }
0x7c: {  	_ =	shalt  }
0x7d: {  	_ =	shalt  }
0x7e: {  	_ =	shalt  }
0x7f: {  	_ =	shalt  }
0x80: {  	_ =	shalt  }
0x81: {  	_ =	shalt  }
0x82: {  	_ =	shalt  }
0x83: {  	_ =	shalt  }
0x84: {  	_ =	shalt  }
0x85: {  	_ =	shalt  }
0x86: {  	_ =	shalt  }
0x87: {  	_ =	shalt  }
.Lfunc_end0:
.L_simem_size_0:
called_computation_lowered:
.L_overlay_start_0:
0x88: {  	s2 =	sld [smem:$0x3FD9]  }
0x89: {  	s3 =	sld [smem:$0x3FFE];
	_ =	sdelay $0x1  }
0x8a: {  	s1 =	srdreg.scid  }
0x8b: {  	s0 =	sand.u32 $0x1, s1  }
0x8c: {  	s17 =	sshll.u32 s0, $0xA;
	s2 =	sadd.s32 s3, s2  }
0x8d: {  	s2 =	sadd.s32 s2, s17  }
0x8e: {  	[smem:$0x3FBC] =	sst s2  }
0x8f: {  	_ = 	snop  }
0x90: {  	s2 =	sld [smem:$0x3FD0];
	(tm) =	ssettm $0x1  }
0x91: {  	s18 =	sld [smem:$0x3FFB];
	_ =	sdelay $0x3  }
0x92: {  	_ =	strace s18  }
0x93: {  	s3 =	sld [smem:$0x3FFC];
	_ =	sdelay $0x3  }
0x94: {  	_ =	strace s3  }
0x95: {  	s3 =	sld [smem:$0x3FFD];
	_ =	sdelay $0x3  }
0x96: {  	_ =	strace s3  }
0x97: {  	_ =	strace $0x8FFFFFFF  }
0x98: {  	s19 =	sld [smem:$0x3FDB];
	_ =	sdelay $0x1  }
0x99: {  	s4 =	simm.s32 $_scs_section_size  }
0x9a: {  	s5 =	simm.s32 $_size__tile_overlayer_lowered;
	s6 =	simm.s32 $_tile_overlayer_lowered  }
0x9b: {  	s22 =	simm.s32 $0x1BFF;
	s21 =	sshll.u32 s6, $0x1;
	s3 =	sadd.s32 s4, s19  }
0x9c: {  	s7 =	simm.s32 $0x0;
	s20 =	sshll.u32 s5, $0x1;
	s5 =	sadd.s32 s21, s3  }
0x9d: {  	[timem:s7], [sflag:s22] =	dma.local [hbm:s5], s20  }
0x9e: {  	_ =	swait.ge [sflag:s22], s20  }
0x9f: {  	s4 =	ssub.s32 $0x0, s20;
	[sflag:s22] =	ssyncset.done $0x0  }
0xa0: {  	[sflag:s22] =	ssyncadd.s32 s4;
	_ =	sdelay $0x1  }
0xa1: {  	s23 =	simm.s32 $0x1B8B  }
0xa2: {  	_ =	swait.ge [sflag:s23], $0x1  }
0xa3: {  	[sflag:s23] =	ssyncset.done $0x0  }
0xa4: {  	s25 =	simm.s32 $0x1B8E;
	s24 =	sld [smem:$0x3FFE];
	[sflag:s23] =	ssyncadd.s32 $0xFFFFFFFF  }
0xa5: {  	s26 =	simm.s32 $execute0_lowered;
	[smem:$0x3FD2] =	sst s25  }
0xa6: {  	s5 =	sshll.u32 s26, $0x1;
	_ =	strace $0x80000046;
	[dreg:$0x1] =	wrdreg $0xFFFFFFFF  }
0xa7: {  	s28 =	simm.s32 $_size_execute0_lowered;
	s3 =	sadd.s32 s3, s5;
	[dreg:$0x0] =	wrdreg $0x0  }
0xa8: {  	s5 =	sshll.u32 s28, $0x1;
	[dreg:$0x2] =	wrdreg s3  }
0xa9: {  	[dreg:$0x3] =	wrdreg s5  }
0xaa: {  	[dreg:$0x4] =	wrdreg $0xC0  }
0xab: {  	_ =	task [dreg:s7], $0x5FFFF  }
0xac: {  	[dreg:$0x1] =	wrdreg $0xFFFFFFFF  }
0xad: {  	[dreg:$0x0] =	wrdreg $0x60  }
0xae: {  	[dreg:$0x2] =	wrdreg s24  }
0xaf: {  	[dreg:$0x3] =	wrdreg s2  }
0xb0: {  	[dreg:$0x4] =	wrdreg $0x2B000  }
0xb1: {  	[dreg:$0x5] =	wrdreg $0x9  }
0xb2: {  	_ =	task.clear_ibuf [dreg:s7], $0x6FFFF;
	_ =	strace $0x90000046  }
0xb3: {  	s29 =	simm.s32 $0x9;
	_ =	strace $0x80000048  }
0xb4: {  	_ =	swait.ge [sflag:s29], $0x1  }
0xb5: {  	[sflag:s29] =	ssyncadd.s32 $0xFFFFFFFF  }
0xb6: {  	_ =	strace $0x90000048  }
0xb7: {  	_ =	sfence  }
0xb8: {  	s30 =	sld [smem:$0x0];
	_ =	sdelay $0x2  }
0xb9: {  	s31 =	sshll.u32 s1, $0xD;
	s1 =	sshrl.u32 s1, $0x2  }
0xba: {  	s3 =	sand.u32 $0x4000, s31;
	s1 =	sadd.s32 s1, s30  }
0xbb: {  	s0 =	sor.u32 s3, s0;
	s1 =	sshll.u32 s1, $0x11  }
0xbc: {  	s0 =	sor.u32 s1, s0  }
0xbd: {  	s0 =	sadd.s32 $0x8F2B, s0  }
0xbe: {  	[sflag:s0] =	ssyncadd.remote.s32 $0x1  }
0xbf: {  	_ =	sfence.sel $0xFFFF  }
0xc0: {  	[dreg:$0x0] =	wrdreg $0xFFFFFFFF;
	(pc) =	sbr.abs _section_cstart, $3  }
0xc1: {  	[dreg:$0x1] =	wrdreg $0xFFFFFFFF  }
0xc2: {  	_ =	task.clear_ibuf [dreg:s7], $0x2FFFF;
	_ =	strace $0x9FFFFFFF  }
0xc3: {  	(tm) =	ssettm $0x7FFFFFFF  }
tec
execute0_lowered:
.L_overlay_start_1:
0x0: {  	(tag) =	ssettag $0x1  }
0x1: {  	s4 =	rddreg [dreg:$0x0]  }
0x2: {  	s6 =	rddreg [dreg:$0x1];
	s0 =	srdreg.scid  }
0x3: {  	s2 =	rddreg [dreg:$0x2];
	s1 =	stileid.u32;
	s3 =	simm.s32 $0x0  }
0x4: {  	s11 =	simm.s32 $0x2A80;
	s5 =	sand.u32 $0x1, s0;
	s0 =	rddreg [dreg:$0x3]  }
0x5: {  	s14 =	simm.s32 $0x0;
	s8 =	smul.u32 $0x280, s1;
	[smem:$0x7FF] =	sst s3  }
0x6: {  	s12 =	sshll.u32 s1, $0x6;
	s7 =	sshll.u32 s5, $0x4;
	s9 =	smul.u32 $0x2800, s5  }
0x7: {  	s5 =	ssub.s32 $0x2, s5;
	_ =	strace $0x80000047;
	s7 =	sor.u32 s1, s7  }
0x8: {  	s12 =	sor.u32 $0x1C01, s12;
	s10 =	sshrl.u32 s5, $0x1;
	s7 =	smul.u32 $0x500, s7  }
0x9: {  	s9 =	sadd.s32 s8, s9;
	s31 =	ssub.s32 s5, s10;
	s5 =	sadd.s32 s8, s2  }
0xa: {  	s8 =	simm.s32 $0x1;
	s10 =	simm.s32 $0x7D;
	s9 =	sshrl.u32 s9, $0x3  }
0xb: {  	s13 =	sshrl.u32 s5, $0x3;
	s4 =	sadd.s32 s7, s4;
	s6 =	sadd.s32 s6, s9  }
0xc: {  	v0 =	vimm.f32 $0.0e+00;
	v1 =	vimm.f32 $1.000000000e+00;
	s7 =	smax.u32 s31, $0x1;
	s9 =	simm.s32 $0x2800;
	s4 =	sadd.s32 $0x2000, s4  }
.LBB2_1:
0xd: {  	[tilespmem:$0x2800] =	vst v0  }
0xe: {  	[tilespmem:$0x2810] =	vst v0  }
0xf: {  	[tilespmem:$0x2820] =	vst v0  }
0x10: {  	[tilespmem:$0x2830] =	vst v0  }
0x11: {  	[tilespmem:$0x2840] =	vst v0  }
0x12: {  	[tilespmem:$0x2850] =	vst v0  }
0x13: {  	[tilespmem:$0x2860] =	vst v0  }
0x14: {  	[tilespmem:$0x2870] =	vst v0  }
0x15: {  	[tilespmem:$0x2880] =	vst v0  }
0x16: {  	[tilespmem:$0x2890] =	vst v0  }
0x17: {  	[tilespmem:$0x28A0] =	vst v0  }
0x18: {  	[tilespmem:$0x28B0] =	vst v0  }
0x19: {  	[tilespmem:$0x28C0] =	vst v0  }
0x1a: {  	[tilespmem:$0x28D0] =	vst v0  }
0x1b: {  	[tilespmem:$0x28E0] =	vst v0  }
0x1c: {  	[tilespmem:$0x28F0] =	vst v0  }
0x1d: {  	[tilespmem:$0x2900] =	vst v0  }
0x1e: {  	[tilespmem:$0x2910] =	vst v0  }
0x1f: {  	[tilespmem:$0x2920] =	vst v0  }
0x20: {  	[tilespmem:$0x2930] =	vst v0  }
0x21: {  	[tilespmem:$0x2940] =	vst v0  }
0x22: {  	[tilespmem:$0x2950] =	vst v0  }
0x23: {  	[tilespmem:$0x2960] =	vst v0  }
0x24: {  	[tilespmem:$0x2970] =	vst v0  }
0x25: {  	[tilespmem:$0x2980] =	vst v0  }
0x26: {  	[tilespmem:$0x2990] =	vst v0  }
0x27: {  	[tilespmem:$0x29A0] =	vst v0  }
0x28: {  	[tilespmem:$0x29B0] =	vst v0  }
0x29: {  	[tilespmem:$0x29C0] =	vst v0  }
0x2a: {  	[tilespmem:$0x29D0] =	vst v0  }
0x2b: {  	[tilespmem:$0x29E0] =	vst v0  }
0x2c: {  	[tilespmem:$0x29F0] =	vst v0  }
0x2d: {  	[tilespmem:$0x2A00] =	vst v0  }
0x2e: {  	[tilespmem:$0x2A10] =	vst v0  }
0x2f: {  	[tilespmem:$0x2A20] =	vst v0  }
0x30: {  	[tilespmem:$0x2A30] =	vst v0  }
0x31: {  	[tilespmem:$0x2A40] =	vst v0  }
0x32: {  	[tilespmem:$0x2A50] =	vst v0  }
0x33: {  	[tilespmem:$0x2A60] =	vst v0  }
0x34: {  	[tilespmem:$0x2A70] =	vst v0  }
0x35: {  	[tilespmem:$0x2A80] =	vst v1  }
0x36: {  	[tilespmem:$0x2A90] =	vst v1  }
0x37: {  	[tilespmem:$0x2AA0] =	vst v1  }
0x38: {  	[tilespmem:$0x2AB0] =	vst v1  }
0x39: {  	[tilespmem:$0x2AC0] =	vst v1  }
0x3a: {  	[tilespmem:$0x2AD0] =	vst v1  }
0x3b: {  	[tilespmem:$0x2AE0] =	vst v1  }
0x3c: {  	[tilespmem:$0x2AF0] =	vst v1  }
0x3d: {  	[tilespmem:s3], [sflag:$0x1] =	stream.linear.gather [hbm4b:s4+s3], $0x2800, $0x38;
	[tilespmem:$0x2D80] =	vst v63  }
0x3e: {  	_ =	swait.ge [sflag:s8], $0x2800  }
0x3f: {  	[sflag:s8] =	ssyncset.done $0x0  }
0x40: {  	[sflag:s8] =	ssyncadd.s32 $0xFFFFD800  }
0x41: {  	[spmem:s5] =	stream.linear.scatter [tilespmem:s9], [sflag:$0x1], $0x280, $0x38;
	[tilespmem:$0x2D80] =	vst v63  }
0x42: {  	_ =	swait.ge [sflag:s8], $0x280  }
0x43: {  	[sflag:s8] =	ssyncset.done $0x0  }
0x44: {  	[sflag:s8] =	ssyncadd.s32 $0xFFFFFD80  }
0x45: {  	s15 =	simm.s32 $0x0;
	[bflag:$0x0] =	sbarrier.arrive $0xFFFF  }
0x46: {  	[spmem:s2] =	stream.indirect.scatter.add.f32 [tilespmem:s11], [sflag:$0x1], $0x1, s15, s10, $0xb8;
	[tilespmem:$0x2D80] =	vst v63  }
0x47: {  	_ =	swait.ge [sflag:s8], $0x7D  }
0x48: {  	s15 =	simm.s32 $0x200;
	[sflag:s8] =	ssyncset.done $0x0  }
.LBB2_2:
0x49: {  	s16 =	sshra.s32 s15, $0x2;
	[sflag:s8] =	ssyncadd.s32 $0xFFFFFF83;
	p0 =	sne.s32 s15, $0x9E00  }
0x4a: {  	[spmem:s2] =	stream.indirect.scatter.add.f32 [tilespmem:s11], [sflag:$0x1], $0x1, s16, s10, $0xb8;
	[tilespmem:$0x2D80] =	vst v63  }
.Ltmp0:
0x4b: {  	_ = 	snop;
	(pc) =	sbr.rel @p0 .LBB2_2-.Ltmp0, $4  }
0x4c: {  	_ = 	snop  }
0x4d: {  	s15 =	sadd.s32 $0x200, s15  }
0x4e: {  	_ =	swait.ge [sflag:s8], $0x7D  }
0x4f: {  	[sflag:s8] =	ssyncset.done $0x0  }
0x50: {  	s14 =	sadd.s32 $0x1, s14  }
0x51: {  	[sflag:s8] =	ssyncadd.s32 $0xFFFFFF83;
	p0 =	sne.s32 s14, s7  }
.Ltmp1:
0x52: {  	[bflag:$0x0] =	sbarrier.arrive $0xFFFF;
	(pc) =	sbr.rel @p0 .LBB2_1-.Ltmp1, $4  }
0x53: {  	[hbm:s6], [sflag:s12] =	dma.local [spmem:s13], $0x50  }
0x54: {  	_ =	swait.ge [sflag:s8], $0x50  }
0x55: {  	[sflag:s8] =	ssyncset.done $0x0  }
0x56: {  	[sflag:s8] =	ssyncadd.s32 $0xFFFFFFB0  }
0x57: {  	_ =	sfence.sel $0x180000  }
0x58: {  	[bflag:$0x0] =	sbarrier.arrive $0xFFFF  }
0x59: {  	p0 =	sne.s32 s1, $0x0;
	_ =	strace $0x90000047  }
0x5a: {  	s0 =	sadd.s32 @!p0 $0x100000, s0;
	[bflag:$0x2] =	sbarrier.arrive $0xFFFF  }
0x5b: {  	[sflag:s0] =	ssyncadd.tile.s32 @!p0 $0x1;
	_ =	shalt  }
.Lfunc_end2:
_tile_overlayer_lowered:
.L_overlay_start_2:
0x5c: {  	(tag) =	ssettag $0x2  }
0x5d: {  	s0 =	rddreg [dreg:$0x0];
	s2 =	stileid.u32  }
0x5e: {  	s1 =	rddreg [dreg:$0x1];
	p0 =	sne.s32 s2, $0x0  }
0x5f: {  	s3 =	rddreg [dreg:$0x2];
	[bflag:$0x3] =	sbarrier.arrive $0xFFFF;
	s2 =	simm.s32 @!p0 $0x1C01  }
0x60: {  	[timem:s3], [sflag:s2] =	dma.local @!p0 [hbm:s0], s1  }
0x61: {  	s0 =	simm.s32 @!p0 $0x1  }
0x62: {  	_ =	swait.ge @!p0 [sflag:s0], s1  }
0x63: {  	s1 =	ssub.s32 @!p0 $0x0, s1;
	[sflag:s0] =	ssyncset.done @!p0 $0x0  }
0x64: {  	[sflag:s0] =	ssyncadd.s32 @!p0 s1  }
0x65: {  	[bflag:$0x3] =	sbarrier.arrive $0xFFFF  }
0x66: {  	_ =	shalt  }

</sc_bundles>
